<compile_context>
chip_gen: v7x
topology: tpu7x:2x2x1
jax: 0.10.2.dev20260603
libtpu: 0.0.44.dev20260713+nightly
codegen_flags: <defaults>
</compile_context>

<pallas_src>
import functools

import jax
import jax.numpy as jnp
from jax import lax
from jax.experimental import pallas as pl
from jax.experimental.pallas import tpu as pltpu
from jax.experimental.pallas import tpu_sc as plsc

N = 10000
E = 320000
D = 128
R = 8
NB = 4

NC = 2
NS = 16
NW = NC * NS
K = 128
CPW = 80
GRP = 16
EPAD = NW * CPW * K
CP16 = EPAD // NS // K
CNTS = 80128
NACC = 10240
MMB = 1000

_mesh = plsc.VectorSubcoreMesh(core_axis_name="c", subcore_axis_name="s")
_sc_params = pltpu.CompilerParams(needs_layout_passes=False,
                                  use_tc_tiling_on_sc=False)


@functools.partial(
    pl.kernel,
    out_type=jax.ShapeDtypeStruct((NW, CPW, K), jnp.float32),
    mesh=_mesh,
    compiler_params=_sc_params,
    scratch_types=[
        pltpu.VMEM((CPW, K), jnp.int32),
        pltpu.VMEM((CPW, K), jnp.float32),
        pltpu.VMEM((CNTS // NS,), jnp.float32),
        pltpu.VMEM((K,), jnp.float32),
        pltpu.VMEM_SHARED((CNTS,), jnp.float32),
    ],
)
def _sc_prep(seg32, scale_out, segb, sbuf, strip, ones, cnt):
    c = lax.axis_index("c")
    s = lax.axis_index("s")
    w = c * NS + s
    per = CNTS // NS

    def _fill(i, _):
        strip[pl.ds(i * 16, 16)] = jnp.zeros((16,), jnp.float32)
        return 0
    lax.fori_loop(0, per // 16, _fill, 0)

    def _fill1(i, _):
        ones[pl.ds(i * 16, 16)] = jnp.ones((16,), jnp.float32)
        return 0
    lax.fori_loop(0, K // 16, _fill1, 0)

    pltpu.sync_copy(strip, cnt.at[pl.ds(s * per, per)])
    plsc.subcore_barrier()

    def _count_w(k, _):
        pltpu.sync_copy(seg32.at[2 * s + k], segb)

        def _count(i, _):
            pltpu.sync_copy(ones, cnt.at[segb.at[i]], add=True)
            return 0
        lax.fori_loop(0, CPW, _count, 0)
        return 0
    lax.fori_loop(0, 2, _count_w, 0)
    plsc.subcore_barrier()

    pltpu.sync_copy(cnt.at[pl.ds(s * per, per)], strip)

    def _inv(i, _):
        v = strip[pl.ds(i * 16, 16)]
        strip[pl.ds(i * 16, 16)] = 1.0 / jnp.maximum(v, 1.0)
        return 0
    lax.fori_loop(0, per // 16, _inv, 0)
    pltpu.sync_copy(strip, cnt.at[pl.ds(s * per, per)])
    plsc.subcore_barrier()

    pltpu.sync_copy(seg32.at[w], segb)

    def _gath(i, _):
        pltpu.sync_copy(cnt.at[segb.at[i]], sbuf.at[i])
        return 0
    lax.fori_loop(0, CPW, _gath, 0)
    pltpu.sync_copy(sbuf, scale_out.at[w])


@functools.partial(
    pl.kernel,
    out_type=jax.ShapeDtypeStruct((NC, NACC, D), jnp.float32),
    mesh=_mesh,
    compiler_params=_sc_params,
    scratch_types=[
        pltpu.VMEM((GRP, K), jnp.int32),
        pltpu.VMEM((GRP, K), jnp.int32),
        pltpu.VMEM((GRP, K), jnp.float32),
        pltpu.VMEM((K, D // 2), jnp.int32),
        pltpu.VMEM((K, D // 2), jnp.int32),
        pltpu.VMEM((K, D), jnp.float32),
        pltpu.VMEM((16, D), jnp.float32),
        pltpu.VMEM_SHARED((NACC, D), jnp.float32),
        pltpu.SemaphoreType.DMA,
        pltpu.SemaphoreType.DMA,
    ],
)
def _sc_scatter(table, gidx32, dst32, scale32, parts, gbuf, dbuf, sbuf,
                rows0, rows1, rowsf, zblk, acc, sem0, sem1):
    c = lax.axis_index("c")
    s = lax.axis_index("s")
    w = c * NS + s
    rpt = NACC // NS

    def _fill(i, _):
        zblk[i // 8, pl.ds((i % 8) * 16, 16)] = jnp.zeros((16,), jnp.float32)
        return 0
    lax.fori_loop(0, 16 * 8, _fill, 0)

    def _zero(i, _):
        pltpu.sync_copy(zblk, acc.at[pl.ds(s * rpt + i * 16, 16)])
        return 0
    lax.fori_loop(0, rpt // 16, _zero, 0)
    plsc.subcore_barrier()

    def _process(i, rows):
        def _scale_edge(e, _):
            sv = plsc.load_gather(sbuf, [jnp.full((16,), i, jnp.int32),
                                         jnp.full((16,), e, jnp.int32)])
            for q in range(D // 32):
                v = rows[e, pl.ds(q * 16, 16)]
                a = plsc.bitcast(v << 16, jnp.float32)
                b = plsc.bitcast(v & jnp.full((16,), -65536, jnp.int32),
                                 jnp.float32)
                rowsf[e, pl.ds(q * 32, 16)] = a * sv
                rowsf[e, pl.ds(q * 32 + 16, 16)] = b * sv
            return 0
        lax.fori_loop(0, K, _scale_edge, 0)
        pltpu.sync_copy(rowsf, acc.at[dbuf.at[i]], add=True)

    def _group(g, _):
        pltpu.sync_copy(gidx32.at[w, pl.ds(g * GRP, GRP)], gbuf)
        pltpu.sync_copy(dst32.at[w, pl.ds(g * GRP, GRP)], dbuf)
        pltpu.sync_copy(scale32.at[w, pl.ds(g * GRP, GRP)], sbuf)

        pltpu.async_copy(table.at[gbuf.at[0]], rows0, sem0)

        def _pair(j, _):
            i0 = 2 * j
            i1 = 2 * j + 1
            pltpu.async_copy(table.at[gbuf.at[i1]], rows1, sem1)
            pltpu.make_async_copy(table.at[gbuf.at[i0]], rows0, sem0).wait()
            _process(i0, rows0)

            @pl.when(j < GRP // 2 - 1)
            def _():
                pltpu.async_copy(table.at[gbuf.at[i0 + 2]], rows0, sem0)
            pltpu.make_async_copy(table.at[gbuf.at[i1]], rows1, sem1).wait()
            _process(i1, rows1)
            return 0
        lax.fori_loop(0, GRP // 2, _pair, 0)
        return 0
    lax.fori_loop(0, CPW // GRP, _group, 0)
    plsc.subcore_barrier()

    pltpu.sync_copy(acc.at[pl.ds(s * rpt, rpt)],
                    parts.at[c, pl.ds(s * rpt, rpt)])


def _round_bf16_bits(x):
    b = lax.bitcast_convert_type(x, jnp.int32)
    r = b + 0x7FFF + ((b >> 16) & 1)
    return (r >> 16) & 0xFFFF


def _tab_body(x_ref, b_ref, c_ref, out_ref):
    r = pl.program_id(0)
    wgt = jnp.zeros((D, D), jnp.float32)
    for b in range(NB):
        wgt = wgt + c_ref[r, b] * b_ref[b]
    res = lax.dot_general(
        x_ref[...], wgt, (((1,), (0,)), ((), ())),
        precision=lax.Precision.DEFAULT, preferred_element_type=jnp.float32)
    lo = _round_bf16_bits(res[:, :D // 2])
    hi = _round_bf16_bits(res[:, D // 2:])
    out_ref[0] = lo | (hi << 16)


def _tc_tables(h, bases_p, comp):
    return pl.pallas_call(
        _tab_body,
        grid=(R, N // MMB),
        in_specs=[
            pl.BlockSpec((MMB, D), lambda r, j: (j, 0)),
            pl.BlockSpec((NB, D, D), lambda r, j: (0, 0, 0)),
            pl.BlockSpec(memory_space=pltpu.SMEM),
        ],
        out_specs=pl.BlockSpec((1, MMB, D // 2), lambda r, j: (r, j, 0)),
        out_shape=jax.ShapeDtypeStruct((R, N, D // 2), jnp.int32),
    )(h, bases_p, comp)


def _add_body(relu, p_ref, x_ref, r_ref, b_ref, out_ref):
    xroot = lax.dot_general(
        x_ref[...], r_ref[...], (((1,), (0,)), ((), ())),
        precision=lax.Precision.DEFAULT, preferred_element_type=jnp.float32)
    res = p_ref[0] + p_ref[1] + xroot + b_ref[0]
    if relu:
        res = jnp.maximum(res, 0.0)
    out_ref[...] = res


def _tc_combine(parts, h, root, bias2d, relu):
    return pl.pallas_call(
        functools.partial(_add_body, relu),
        grid=(N // MMB,),
        in_specs=[
            pl.BlockSpec((NC, MMB, D), lambda j: (0, j, 0)),
            pl.BlockSpec((MMB, D), lambda j: (j, 0)),
            pl.BlockSpec((D, D), lambda j: (0, 0)),
            pl.BlockSpec((8, D), lambda j: (0, 0)),
        ],
        out_specs=pl.BlockSpec((MMB, D), lambda j: (j, 0)),
        out_shape=jax.ShapeDtypeStruct((N, D), jnp.float32),
    )(parts, h, root, bias2d)


_PERM = tuple(
    [32 * (p // 16) + (p % 16) for p in range(D // 2)]
    + [32 * (p // 16) + 16 + (p % 16) for p in range(D // 2)])


def _layer(h, bases, comp, root, bias, gidx32, dst32, scale32, relu):
    bases_p = bases[:, :, jnp.array(_PERM, jnp.int32)]
    tab = _tc_tables(h, bases_p, comp)
    parts = _sc_scatter(tab.reshape(R * N, D // 2), gidx32, dst32, scale32)
    bias2d = jnp.broadcast_to(bias, (8, D))
    return _tc_combine(parts, h, root, bias2d, relu)


def kernel(x, t, obj_cond, edge_cond, relation_cond, bases1, comp1, root1,
           bias1, bases2, comp2, root2, bias2):
    h = x.reshape(N, D)
    src = edge_cond[0]
    dst = edge_cond[1]
    rel = relation_cond
    pad = EPAD - E
    src_p = jnp.concatenate([src, jnp.zeros((pad,), jnp.int32)])
    dst_p = jnp.concatenate([dst, jnp.full((pad,), N, jnp.int32)])
    rel_p = jnp.concatenate([rel, jnp.zeros((pad,), jnp.int32)])
    seg = dst_p * R + rel_p
    gidx = rel_p * N + src_p
    dst_p = jnp.minimum(dst_p, NACC - 1)

    scale32 = _sc_prep(seg.reshape(NW, CPW, K))
    gidx32 = gidx.reshape(NW, CPW, K)
    dst32 = dst_p.reshape(NW, CPW, K)

    h1 = _layer(h, bases1, comp1, root1, bias1, gidx32, dst32, scale32, True)
    h2 = _layer(h1, bases2, comp2, root2, bias2, gidx32, dst32, scale32, False)
    return h2.reshape(1, N, D)

# --- scband reference (transcript-rebuilt; emitter-appended) ---
"""Pipeline reference for scband-guided-diffusion-rgc-84387517432643 (READ-ONLY COPY).

The authoritative reference and input builder live on the scoring server;
editing this copy changes nothing except your own understanding.
"""

import jax, jax.numpy as jnp
import numpy as np

N_NODES = 10000
E = 320000
D = 128
R = 8
NB = 4


def _rgcn_layer(x, src, dst, rel, bases, comp, root, bias, num_relations, n_nodes):
    # basis decomposition: W_r = sum_b comp[r,b] * bases[b]
    weight = jnp.einsum('rb,bio->rio', comp, bases)  # [R, Din, Dout]
    # transform all nodes under every relation, then gather per edge
    h_rel = jnp.einsum('ni,rio->rno', x, weight)  # [R, N, Dout]
    msgs = h_rel[rel, src]  # [E, Dout] gather (SparseCore friendly)
    # mean aggregation per (dst, relation), then sum over relations
    seg = dst * num_relations + rel
    summed = jax.ops.segment_sum(msgs, seg, num_segments=n_nodes * num_relations)
    cnt = jax.ops.segment_sum(jnp.ones((msgs.shape[0],), dtype=x.dtype), seg, num_segments=n_nodes * num_relations)
    mean = summed / jnp.maximum(cnt, 1.0)[:, None]
    agg = mean.reshape(n_nodes, num_relations, -1).sum(axis=1)
    return agg + x @ root + bias


def setup_inputs(seed: int = 0):
    key = jax.random.key(seed)
    ks = jax.random.split(key, 16)
    x = jax.random.normal(ks[0], (1, N_NODES, D), dtype=jnp.float32)
    t = jax.random.normal(ks[1], (1,), dtype=jnp.float32)
    obj_cond = jnp.zeros((1,), dtype=jnp.float32)
    edge_cond = jax.random.randint(ks[2], (2, E), 0, N_NODES, dtype=jnp.int32)
    relation_cond = jax.random.randint(ks[3], (E,), 0, R, dtype=jnp.int32)
    s = 1.0 / np.sqrt(D)
    bases1 = jax.random.normal(ks[4], (NB, D, D), dtype=jnp.float32) * s
    comp1 = jax.random.normal(ks[5], (R, NB), dtype=jnp.float32) * 0.3
    root1 = jax.random.normal(ks[6], (D, D), dtype=jnp.float32) * s
    bias1 = jnp.zeros((D,), dtype=jnp.float32)
    bases2 = jax.random.normal(ks[7], (NB, D, D), dtype=jnp.float32) * s
    comp2 = jax.random.normal(ks[8], (R, NB), dtype=jnp.float32) * 0.3
    root2 = jax.random.normal(ks[9], (D, D), dtype=jnp.float32) * s
    bias2 = jnp.zeros((D,), dtype=jnp.float32)
    return {"x": x, "t": t, "obj_cond": obj_cond, "edge_cond": edge_cond,
            "relation_cond": relation_cond, "bases1": bases1, "comp1": comp1,
            "root1": root1, "bias1": bias1, "bases2": bases2, "comp2": comp2,
            "root2": root2, "bias2": bias2}


def reference(x, t, obj_cond, edge_cond, relation_cond, bases1, comp1, root1, bias1, bases2, comp2, root2, bias2):
    B, N, Din = x.shape
    h = x.reshape(B * N, Din)
    src = edge_cond[0]
    dst = edge_cond[1]
    h1 = _rgcn_layer(h, src, dst, relation_cond, bases1, comp1, root1, bias1, R, B * N)
    h1 = jax.nn.relu(h1)
    h2 = _rgcn_layer(h1, src, dst, relation_cond, bases2, comp2, root2, bias2, R, B * N)
    return h2.reshape(B, N, -1)

if __name__ == "__main__":
    import jax
    _d = setup_inputs()
    print(jax.jit(kernel)(*tuple(_d.values())))

</pallas_src>

<mosaic_0001>
#map = affine_map<(d0, d1) -> (0, 0)>
#map1 = affine_map<(d0, d1) -> (0, 0, 0)>
module attributes {stable_mosaic.version = 14 : i64} {
  func.func @_sc_scatter(%arg0: i32, %arg1: i32, %arg2: memref<80000x64xi32, #tpu.memory_space<hbm>>, %arg3: memref<32x80x128xi32, #tpu.memory_space<hbm>>, %arg4: memref<32x80x128xi32, #tpu.memory_space<hbm>>, %arg5: memref<32x80x128xf32, #tpu.memory_space<hbm>>, %arg6: memref<2x10240x128xf32, #tpu.memory_space<hbm>>, %arg7: memref<16x128xi32, #tpu.memory_space<vmem>>, %arg8: memref<16x128xi32, #tpu.memory_space<vmem>>, %arg9: memref<16x128xf32, #tpu.memory_space<vmem>>, %arg10: memref<128x64xi32, #tpu.memory_space<vmem>>, %arg11: memref<128x64xi32, #tpu.memory_space<vmem>>, %arg12: memref<128x128xf32, #tpu.memory_space<vmem>>, %arg13: memref<16x128xf32, #tpu.memory_space<vmem>>, %arg14: memref<10240x128xf32, #tpu.memory_space<vmem_shared>>, %arg15: memref<!tpu.dma_semaphore, #tpu.memory_space<semaphore_mem>>, %arg16: memref<!tpu.dma_semaphore, #tpu.memory_space<semaphore_mem>>) attributes {dimension_semantics = [#tpu.dimension_semantics<core_parallel>, #tpu.dimension_semantics<subcore_parallel>], iteration_bounds = array<i64: 2, 16>, scalar_prefetch = 0 : i64, scratch_operands = 10 : i64, tpu.core_type = #tpu.core_type<sc_vector_subcore>, window_params = [{transform_indices = #map}, {transform_indices = #map1}, {transform_indices = #map1}, {transform_indices = #map1}, {transform_indices = #map1}]} {
    %mul3A = arith.constant 16 : i32
    %mul3A_0 = arith.muli %arg0, %mul3A : i32
    %add3A = arith.addi %mul3A_0, %arg1 : i32
    %scan3A = arith.constant 0 : i32
    %scan3A_1 = arith.constant 0 : i32
    %scan3A_2 = arith.constant 128 : i32
    %scan3A_3 = arith.addi %scan3A_1, %scan3A_2 : i32
    %scan3A_4 = arith.constant 1 : i32
    %scan3A_5 = scf.for %scan3A_26 = %scan3A_1 to %scan3A_3 step %scan3A_4 iter_args(%scan3A_27 = %scan3A) -> (i32)  : i32 {
      %broadcast_in_dim3A = arith.constant 0.000000e+00 : f32
      %broadcast_in_dim3A_28 = vector.broadcast %broadcast_in_dim3A : f32 to vector<16xf32>
      %jit3A = arith.constant 8 : i32
      %div3A = arith.divsi %scan3A_26, %jit3A : i32
      %sign3A = arith.constant 0 : i32
      %sign3A_29 = arith.cmpi sgt, %scan3A_26, %sign3A : i32
      %sign3A_30 = arith.extui %sign3A_29 : i1 to i32
      %sign3A_31 = arith.constant 0 : i32
      %sign3A_32 = arith.cmpi slt, %scan3A_26, %sign3A_31 : i32
      %sign3A_33 = arith.extui %sign3A_32 : i1 to i32
      %sign3A_34 = arith.subi %sign3A_30, %sign3A_33 : i32
      %sign3A_35 = arith.constant 0 : i32
      %sign3A_36 = arith.cmpi sgt, %jit3A, %sign3A_35 : i32
      %sign3A_37 = arith.extui %sign3A_36 : i1 to i32
      %sign3A_38 = arith.constant 0 : i32
      %sign3A_39 = arith.cmpi slt, %jit3A, %sign3A_38 : i32
      %sign3A_40 = arith.extui %sign3A_39 : i1 to i32
      %sign3A_41 = arith.subi %sign3A_37, %sign3A_40 : i32
      %ne3A = arith.cmpi ne, %sign3A_34, %sign3A_41 : i32
      %rem3A = arith.remsi %scan3A_26, %jit3A : i32
      %ne3A_42 = arith.constant 0 : i32
      %ne3A_43 = arith.cmpi ne, %rem3A, %ne3A_42 : i32
      %and3A = arith.andi %ne3A, %ne3A_43 : i1
      %sub3A = arith.constant 1 : i32
      %sub3A_44 = arith.subi %div3A, %sub3A : i32
      %select_n3A = arith.select %and3A, %sub3A_44, %div3A : i32
      %jit3A_45 = arith.constant 8 : i32
      %eq3A = arith.constant 0 : i32
      %eq3A_46 = arith.cmpi eq, %jit3A_45, %eq3A : i32
      %jit3A_47 = arith.constant 1 : i32
      %select_n3A_48 = arith.select %eq3A_46, %jit3A_47, %jit3A_45 : i32
      %rem3A_49 = arith.remsi %scan3A_26, %select_n3A_48 : i32
      %ne3A_50 = arith.constant 0 : i32
      %ne3A_51 = arith.cmpi ne, %rem3A_49, %ne3A_50 : i32
      %lt3A = arith.constant 0 : i32
      %lt3A_52 = arith.cmpi slt, %rem3A_49, %lt3A : i32
      %lt3A_53 = arith.constant 0 : i32
      %lt3A_54 = arith.cmpi slt, %select_n3A_48, %lt3A_53 : i32
      %ne3A_55 = arith.xori %lt3A_52, %lt3A_54 : i1
      %and3A_56 = arith.andi %ne3A_55, %ne3A_51 : i1
      %add3A_57 = arith.addi %rem3A_49, %select_n3A_48 : i32
      %select_n3A_58 = arith.select %and3A_56, %add3A_57, %rem3A_49 : i32
      %mul3A_59 = arith.constant 16 : i32
      %mul3A_60 = arith.muli %select_n3A_58, %mul3A_59 : i32
      %swap3A = arith.index_cast %select_n3A : i32 to index
      %swap3A_61 = arith.index_cast %mul3A_60 : i32 to index
      %swap3A_62 = tpu.vector_load %arg13[%swap3A, %swap3A_61] {strides = array<i32>} : memref<16x128xf32, #tpu.memory_space<vmem>>, vector<16xf32>,
      tpu.vector_store %arg13[%swap3A, %swap3A_61], %broadcast_in_dim3A_28 {strides = array<i32>} : memref<16x128xf32, #tpu.memory_space<vmem>>, vector<16xf32>,
      %scan3A_63 = arith.constant 0 : i32
      scf.yield %scan3A_63 : i32
    }
    %scan3A_6 = arith.constant 128 : i32
    %scan3A_7 = arith.constant 0 : i32
    %scan3A_8 = arith.constant 0 : i32
    %scan3A_9 = arith.constant 40 : i32
    %scan3A_10 = arith.addi %scan3A_8, %scan3A_9 : i32
    %scan3A_11 = arith.constant 1 : i32
    %scan3A_12 = scf.for %scan3A_26 = %scan3A_8 to %scan3A_10 step %scan3A_11 iter_args(%scan3A_27 = %scan3A_7) -> (i32)  : i32 {
      %mul3A_28 = arith.constant 640 : i32
      %mul3A_29 = arith.muli %arg1, %mul3A_28 : i32
      %mul3A_30 = arith.constant 16 : i32
      %mul3A_31 = arith.muli %scan3A_26, %mul3A_30 : i32
      %add3A_32 = arith.addi %mul3A_29, %mul3A_31 : i32
      "tpu.region"() ({
        %run_scoped3A = tpu.sem_alloc : memref<!tpu.dma_semaphore, #tpu.memory_space<semaphore_mem>>
        %dma_start3A = arith.constant 0 : i32
        %dma_start3A_34 = tpu.memref_slice %arg14[%add3A_32, %dma_start3A] : memref<10240x128xf32, #tpu.memory_space<vmem_shared>> -> memref<16x128xf32, #tpu.memory_space<vmem_shared>>
        %dma_start3A_35 = arith.constant 0 : i32
        %dma_start3A_36 = tpu.memref_slice %arg14[%add3A_32, %dma_start3A_35] : memref<10240x128xf32, #tpu.memory_space<vmem_shared>> -> memref<16x128xf32, #tpu.memory_space<vmem_shared>>
        tpu.enqueue_dma source(%arg13 : memref<16x128xf32, #tpu.memory_space<vmem>>) target(%dma_start3A_36 : memref<16x128xf32, #tpu.memory_space<vmem_shared>>) target_semaphore(%run_scoped3A : memref<!tpu.dma_semaphore, #tpu.memory_space<semaphore_mem>>)
        %dma_wait3A = arith.constant 0 : i32
        %dma_wait3A_37 = tpu.memref_slice %arg14[%add3A_32, %dma_wait3A] : memref<10240x128xf32, #tpu.memory_space<vmem_shared>> -> memref<16x128xf32, #tpu.memory_space<vmem_shared>>
        %dma_wait3A_38 = arith.constant 0 : i32
        %dma_wait3A_39 = tpu.memref_slice %arg14[%add3A_32, %dma_wait3A_38] : memref<10240x128xf32, #tpu.memory_space<vmem_shared>> -> memref<16x128xf32, #tpu.memory_space<vmem_shared>>
        tpu.wait_dma2 semaphore(%run_scoped3A : memref<!tpu.dma_semaphore, #tpu.memory_space<semaphore_mem>>) src(%arg13 : memref<16x128xf32, #tpu.memory_space<vmem>>) dst(%dma_wait3A_39 : memref<16x128xf32, #tpu.memory_space<vmem_shared>>)
        tpu.yield
      }) : () -> ()
      %scan3A_33 = arith.constant 0 : i32
      scf.yield %scan3A_33 : i32
    }
    %scan3A_13 = arith.constant 40 : i32
    %barrier3A = arith.constant 0 : index
    tpu.barrier barrier_id(%barrier3A)
    %scan3A_14 = arith.constant 0 : i32
    %scan3A_15 = arith.constant 0 : i32
    %scan3A_16 = arith.constant 5 : i32
    %scan3A_17 = arith.addi %scan3A_15, %scan3A_16 : i32
    %scan3A_18 = arith.constant 1 : i32
    %scan3A_19 = scf.for %scan3A_26 = %scan3A_15 to %scan3A_17 step %scan3A_18 iter_args(%scan3A_27 = %scan3A_14) -> (i32)  : i32 {
      %mul3A_28 = arith.constant 16 : i32
      %mul3A_29 = arith.muli %scan3A_26, %mul3A_28 : i32
      "tpu.region"() ({
        %run_scoped3A = tpu.sem_alloc : memref<!tpu.dma_semaphore, #tpu.memory_space<semaphore_mem>>
        %dma_start3A_48 = arith.constant 0 : i32
        %dma_start3A_49 = tpu.memref_slice %arg3[%add3A, %mul3A_29, %dma_start3A_48] : memref<32x80x128xi32, #tpu.memory_space<hbm>> -> memref<1x16x128xi32, #tpu.memory_space<hbm>>
        %dma_start3A_50 = tpu.memref_squeeze %dma_start3A_49 : memref<1x16x128xi32, #tpu.memory_space<hbm>> -> memref<16x128xi32, #tpu.memory_space<hbm>>
        %dma_start3A_51 = arith.constant 0 : i32
        %dma_start3A_52 = tpu.memref_slice %arg3[%add3A, %mul3A_29, %dma_start3A_51] : memref<32x80x128xi32, #tpu.memory_space<hbm>> -> memref<1x16x128xi32, #tpu.memory_space<hbm>>
        %dma_start3A_53 = tpu.memref_squeeze %dma_start3A_52 : memref<1x16x128xi32, #tpu.memory_space<hbm>> -> memref<16x128xi32, #tpu.memory_space<hbm>>
        tpu.enqueue_dma source(%dma_start3A_53 : memref<16x128xi32, #tpu.memory_space<hbm>>) target(%arg7 : memref<16x128xi32, #tpu.memory_space<vmem>>) target_semaphore(%run_scoped3A : memref<!tpu.dma_semaphore, #tpu.memory_space<semaphore_mem>>)
        %dma_wait3A = arith.constant 0 : i32
        %dma_wait3A_54 = tpu.memref_slice %arg3[%add3A, %mul3A_29, %dma_wait3A] : memref<32x80x128xi32, #tpu.memory_space<hbm>> -> memref<1x16x128xi32, #tpu.memory_space<hbm>>
        %dma_wait3A_55 = tpu.memref_squeeze %dma_wait3A_54 : memref<1x16x128xi32, #tpu.memory_space<hbm>> -> memref<16x128xi32, #tpu.memory_space<hbm>>
        %dma_wait3A_56 = arith.constant 0 : i32
        %dma_wait3A_57 = tpu.memref_slice %arg3[%add3A, %mul3A_29, %dma_wait3A_56] : memref<32x80x128xi32, #tpu.memory_space<hbm>> -> memref<1x16x128xi32, #tpu.memory_space<hbm>>
        %dma_wait3A_58 = tpu.memref_squeeze %dma_wait3A_57 : memref<1x16x128xi32, #tpu.memory_space<hbm>> -> memref<16x128xi32, #tpu.memory_space<hbm>>
        tpu.wait_dma2 semaphore(%run_scoped3A : memref<!tpu.dma_semaphore, #tpu.memory_space<semaphore_mem>>) src(%dma_wait3A_58 : memref<16x128xi32, #tpu.memory_space<hbm>>) dst(%arg7 : memref<16x128xi32, #tpu.memory_space<vmem>>)
        tpu.yield
      }) : () -> ()
      %mul3A_30 = arith.constant 16 : i32
      %mul3A_31 = arith.muli %scan3A_26, %mul3A_30 : i32
      "tpu.region"() ({
        %run_scoped3A = tpu.sem_alloc : memref<!tpu.dma_semaphore, #tpu.memory_space<semaphore_mem>>
        %dma_start3A_48 = arith.constant 0 : i32
        %dma_start3A_49 = tpu.memref_slice %arg4[%add3A, %mul3A_31, %dma_start3A_48] : memref<32x80x128xi32, #tpu.memory_space<hbm>> -> memref<1x16x128xi32, #tpu.memory_space<hbm>>
        %dma_start3A_50 = tpu.memref_squeeze %dma_start3A_49 : memref<1x16x128xi32, #tpu.memory_space<hbm>> -> memref<16x128xi32, #tpu.memory_space<hbm>>
        %dma_start3A_51 = arith.constant 0 : i32
        %dma_start3A_52 = tpu.memref_slice %arg4[%add3A, %mul3A_31, %dma_start3A_51] : memref<32x80x128xi32, #tpu.memory_space<hbm>> -> memref<1x16x128xi32, #tpu.memory_space<hbm>>
        %dma_start3A_53 = tpu.memref_squeeze %dma_start3A_52 : memref<1x16x128xi32, #tpu.memory_space<hbm>> -> memref<16x128xi32, #tpu.memory_space<hbm>>
        tpu.enqueue_dma source(%dma_start3A_53 : memref<16x128xi32, #tpu.memory_space<hbm>>) target(%arg8 : memref<16x128xi32, #tpu.memory_space<vmem>>) target_semaphore(%run_scoped3A : memref<!tpu.dma_semaphore, #tpu.memory_space<semaphore_mem>>)
        %dma_wait3A = arith.constant 0 : i32
        %dma_wait3A_54 = tpu.memref_slice %arg4[%add3A, %mul3A_31, %dma_wait3A] : memref<32x80x128xi32, #tpu.memory_space<hbm>> -> memref<1x16x128xi32, #tpu.memory_space<hbm>>
        %dma_wait3A_55 = tpu.memref_squeeze %dma_wait3A_54 : memref<1x16x128xi32, #tpu.memory_space<hbm>> -> memref<16x128xi32, #tpu.memory_space<hbm>>
        %dma_wait3A_56 = arith.constant 0 : i32
        %dma_wait3A_57 = tpu.memref_slice %arg4[%add3A, %mul3A_31, %dma_wait3A_56] : memref<32x80x128xi32, #tpu.memory_space<hbm>> -> memref<1x16x128xi32, #tpu.memory_space<hbm>>
        %dma_wait3A_58 = tpu.memref_squeeze %dma_wait3A_57 : memref<1x16x128xi32, #tpu.memory_space<hbm>> -> memref<16x128xi32, #tpu.memory_space<hbm>>
        tpu.wait_dma2 semaphore(%run_scoped3A : memref<!tpu.dma_semaphore, #tpu.memory_space<semaphore_mem>>) src(%dma_wait3A_58 : memref<16x128xi32, #tpu.memory_space<hbm>>) dst(%arg8 : memref<16x128xi32, #tpu.memory_space<vmem>>)
        tpu.yield
      }) : () -> ()
      %mul3A_32 = arith.constant 16 : i32
      %mul3A_33 = arith.muli %scan3A_26, %mul3A_32 : i32
      "tpu.region"() ({
        %run_scoped3A = tpu.sem_alloc : memref<!tpu.dma_semaphore, #tpu.memory_space<semaphore_mem>>
        %dma_start3A_48 = arith.constant 0 : i32
        %dma_start3A_49 = tpu.memref_slice %arg5[%add3A, %mul3A_33, %dma_start3A_48] : memref<32x80x128xf32, #tpu.memory_space<hbm>> -> memref<1x16x128xf32, #tpu.memory_space<hbm>>
        %dma_start3A_50 = tpu.memref_squeeze %dma_start3A_49 : memref<1x16x128xf32, #tpu.memory_space<hbm>> -> memref<16x128xf32, #tpu.memory_space<hbm>>
        %dma_start3A_51 = arith.constant 0 : i32
        %dma_start3A_52 = tpu.memref_slice %arg5[%add3A, %mul3A_33, %dma_start3A_51] : memref<32x80x128xf32, #tpu.memory_space<hbm>> -> memref<1x16x128xf32, #tpu.memory_space<hbm>>
        %dma_start3A_53 = tpu.memref_squeeze %dma_start3A_52 : memref<1x16x128xf32, #tpu.memory_space<hbm>> -> memref<16x128xf32, #tpu.memory_space<hbm>>
        tpu.enqueue_dma source(%dma_start3A_53 : memref<16x128xf32, #tpu.memory_space<hbm>>) target(%arg9 : memref<16x128xf32, #tpu.memory_space<vmem>>) target_semaphore(%run_scoped3A : memref<!tpu.dma_semaphore, #tpu.memory_space<semaphore_mem>>)
        %dma_wait3A = arith.constant 0 : i32
        %dma_wait3A_54 = tpu.memref_slice %arg5[%add3A, %mul3A_33, %dma_wait3A] : memref<32x80x128xf32, #tpu.memory_space<hbm>> -> memref<1x16x128xf32, #tpu.memory_space<hbm>>
        %dma_wait3A_55 = tpu.memref_squeeze %dma_wait3A_54 : memref<1x16x128xf32, #tpu.memory_space<hbm>> -> memref<16x128xf32, #tpu.memory_space<hbm>>
        %dma_wait3A_56 = arith.constant 0 : i32
        %dma_wait3A_57 = tpu.memref_slice %arg5[%add3A, %mul3A_33, %dma_wait3A_56] : memref<32x80x128xf32, #tpu.memory_space<hbm>> -> memref<1x16x128xf32, #tpu.memory_space<hbm>>
        %dma_wait3A_58 = tpu.memref_squeeze %dma_wait3A_57 : memref<1x16x128xf32, #tpu.memory_space<hbm>> -> memref<16x128xf32, #tpu.memory_space<hbm>>
        tpu.wait_dma2 semaphore(%run_scoped3A : memref<!tpu.dma_semaphore, #tpu.memory_space<semaphore_mem>>) src(%dma_wait3A_58 : memref<16x128xf32, #tpu.memory_space<hbm>>) dst(%arg9 : memref<16x128xf32, #tpu.memory_space<vmem>>)
        tpu.yield
      }) : () -> ()
      %dma_start3A = arith.constant 0 : i32
      %dma_start3A_34 = arith.constant 0 : i32
      %dma_start3A_35 = tpu.memref_slice %arg7[%dma_start3A, %dma_start3A_34] : memref<16x128xi32, #tpu.memory_space<vmem>> -> memref<1x128xi32, #tpu.memory_space<vmem>>
      %dma_start3A_36 = tpu.memref_squeeze %dma_start3A_35 : memref<1x128xi32, #tpu.memory_space<vmem>> -> memref<128xi32, #tpu.memory_space<vmem>>
      %dma_start3A_37 = arith.constant 0 : i32
      %dma_start3A_38 = arith.constant 0 : i32
      %dma_start3A_39 = tpu.memref_slice %arg2[%dma_start3A_37, %dma_start3A_38] : memref<80000x64xi32, #tpu.memory_space<hbm>> -> memref<80000x64xi32, #tpu.memory_space<hbm>>
      tpu.enqueue_indirect_dma source(%dma_start3A_39 : memref<80000x64xi32, #tpu.memory_space<hbm>>) target(%arg10 : memref<128x64xi32, #tpu.memory_space<vmem>>) offsets(%dma_start3A_36 : memref<128xi32, #tpu.memory_space<vmem>>) semaphore(%arg15 : memref<!tpu.dma_semaphore, #tpu.memory_space<semaphore_mem>>)
      %scan3A_40 = arith.constant 0 : i32
      %scan3A_41 = arith.constant 0 : i32
      %scan3A_42 = arith.constant 8 : i32
      %scan3A_43 = arith.addi %scan3A_41, %scan3A_42 : i32
      %scan3A_44 = arith.constant 1 : i32
      %scan3A_45 = scf.for %scan3A_48 = %scan3A_41 to %scan3A_43 step %scan3A_44 iter_args(%scan3A_49 = %scan3A_40) -> (i32)  : i32 {
        %mul3A_50 = arith.constant 2 : i32
        %mul3A_51 = arith.muli %mul3A_50, %scan3A_48 : i32
        %mul3A_52 = arith.constant 2 : i32
        %mul3A_53 = arith.muli %mul3A_52, %scan3A_48 : i32
        %add3A_54 = arith.constant 1 : i32
        %add3A_55 = arith.addi %mul3A_53, %add3A_54 : i32
        %dma_start3A_56 = arith.constant 0 : i32
        %dma_start3A_57 = tpu.memref_slice %arg7[%add3A_55, %dma_start3A_56] : memref<16x128xi32, #tpu.memory_space<vmem>> -> memref<1x128xi32, #tpu.memory_space<vmem>>
        %dma_start3A_58 = tpu.memref_squeeze %dma_start3A_57 : memref<1x128xi32, #tpu.memory_space<vmem>> -> memref<128xi32, #tpu.memory_space<vmem>>
        %dma_start3A_59 = arith.constant 0 : i32
        %dma_start3A_60 = arith.constant 0 : i32
        %dma_start3A_61 = tpu.memref_slice %arg2[%dma_start3A_59, %dma_start3A_60] : memref<80000x64xi32, #tpu.memory_space<hbm>> -> memref<80000x64xi32, #tpu.memory_space<hbm>>
        tpu.enqueue_indirect_dma source(%dma_start3A_61 : memref<80000x64xi32, #tpu.memory_space<hbm>>) target(%arg11 : memref<128x64xi32, #tpu.memory_space<vmem>>) offsets(%dma_start3A_58 : memref<128xi32, #tpu.memory_space<vmem>>) semaphore(%arg16 : memref<!tpu.dma_semaphore, #tpu.memory_space<semaphore_mem>>)
        %dma_wait3A = arith.constant 0 : i32
        %dma_wait3A_62 = tpu.memref_slice %arg7[%mul3A_51, %dma_wait3A] : memref<16x128xi32, #tpu.memory_space<vmem>> -> memref<1x128xi32, #tpu.memory_space<vmem>>
        %dma_wait3A_63 = tpu.memref_squeeze %dma_wait3A_62 : memref<1x128xi32, #tpu.memory_space<vmem>> -> memref<128xi32, #tpu.memory_space<vmem>>
        %dma_wait3A_64 = arith.constant 0 : i32
        %dma_wait3A_65 = arith.constant 0 : i32
        %dma_wait3A_66 = tpu.memref_slice %arg2[%dma_wait3A_64, %dma_wait3A_65] : memref<80000x64xi32, #tpu.memory_space<hbm>> -> memref<80000x64xi32, #tpu.memory_space<hbm>>
        tpu.wait_indirect_dma semaphore(%arg15 : memref<!tpu.dma_semaphore, #tpu.memory_space<semaphore_mem>>) src(%dma_wait3A_66 : memref<80000x64xi32, #tpu.memory_space<hbm>>) dst(%arg10 : memref<128x64xi32, #tpu.memory_space<vmem>>)
        %scan3A_67 = arith.constant 0 : i32
        %scan3A_68 = arith.constant 0 : i32
        %scan3A_69 = arith.constant 128 : i32
        %scan3A_70 = arith.addi %scan3A_68, %scan3A_69 : i32
        %scan3A_71 = arith.constant 1 : i32
        %scan3A_72 = scf.for %scan3A_90 = %scan3A_68 to %scan3A_70 step %scan3A_71 iter_args(%scan3A_91 = %scan3A_67) -> (i32)  : i32 {
          %broadcast_in_dim3A = vector.broadcast %mul3A_51 : i32 to vector<16xi32>
          %broadcast_in_dim3A_92 = vector.broadcast %scan3A_90 : i32 to vector<16xi32>
          %gather3A = tpu.vector_load_idx %arg9[%broadcast_in_dim3A, %broadcast_in_dim3A_92] : memref<16x128xf32, #tpu.memory_space<vmem>>[vector<16xi32>, vector<16xi32>], vector<16xf32>,
          %get3A = arith.index_cast %scan3A_90 : i32 to index
          %get3A_93 = arith.constant 0 : index
          %get3A_94 = tpu.vector_load %arg10[%get3A, %get3A_93] {strides = array<i32>} : memref<128x64xi32, #tpu.memory_space<vmem>>, vector<16xi32>,
          %shift_left3A = arith.constant 16 : i32
          %shift_left3A_95 = vector.broadcast %shift_left3A : i32 to vector<16xi32>
          %shift_left3A_96 = arith.shli %get3A_94, %shift_left3A_95 : vector<16xi32>
          %bitcast3A = vector.bitcast %shift_left3A_96 : vector<16xi32> to vector<16xf32>
          %broadcast_in_dim3A_97 = arith.constant -65536 : i32
          %broadcast_in_dim3A_98 = vector.broadcast %broadcast_in_dim3A_97 : i32 to vector<16xi32>
          %and3A = arith.andi %get3A_94, %broadcast_in_dim3A_98 : vector<16xi32>
          %bitcast3A_99 = vector.bitcast %and3A : vector<16xi32> to vector<16xf32>
          %mul3A_100 = arith.mulf %bitcast3A, %gather3A : vector<16xf32>
          %swap3A = arith.index_cast %scan3A_90 : i32 to index
          %swap3A_101 = arith.constant 0 : index
          %swap3A_102 = tpu.vector_load %arg12[%swap3A, %swap3A_101] {strides = array<i32>} : memref<128x128xf32, #tpu.memory_space<vmem>>, vector<16xf32>,
          tpu.vector_store %arg12[%swap3A, %swap3A_101], %mul3A_100 {strides = array<i32>} : memref<128x128xf32, #tpu.memory_space<vmem>>, vector<16xf32>,
          %mul3A_103 = arith.mulf %bitcast3A_99, %gather3A : vector<16xf32>
          %swap3A_104 = arith.index_cast %scan3A_90 : i32 to index
          %swap3A_105 = arith.constant 16 : index
          %swap3A_106 = tpu.vector_load %arg12[%swap3A_104, %swap3A_105] {strides = array<i32>} : memref<128x128xf32, #tpu.memory_space<vmem>>, vector<16xf32>,
          tpu.vector_store %arg12[%swap3A_104, %swap3A_105], %mul3A_103 {strides = array<i32>} : memref<128x128xf32, #tpu.memory_space<vmem>>, vector<16xf32>,
          %get3A_107 = arith.index_cast %scan3A_90 : i32 to index
          %get3A_108 = arith.constant 16 : index
          %get3A_109 = tpu.vector_load %arg10[%get3A_107, %get3A_108] {strides = array<i32>} : memref<128x64xi32, #tpu.memory_space<vmem>>, vector<16xi32>,
          %shift_left3A_110 = arith.constant 16 : i32
          %shift_left3A_111 = vector.broadcast %shift_left3A_110 : i32 to vector<16xi32>
          %shift_left3A_112 = arith.shli %get3A_109, %shift_left3A_111 : vector<16xi32>
          %bitcast3A_113 = vector.bitcast %shift_left3A_112 : vector<16xi32> to vector<16xf32>
          %broadcast_in_dim3A_114 = arith.constant -65536 : i32
          %broadcast_in_dim3A_115 = vector.broadcast %broadcast_in_dim3A_114 : i32 to vector<16xi32>
          %and3A_116 = arith.andi %get3A_109, %broadcast_in_dim3A_115 : vector<16xi32>
          %bitcast3A_117 = vector.bitcast %and3A_116 : vector<16xi32> to vector<16xf32>
          %mul3A_118 = arith.mulf %bitcast3A_113, %gather3A : vector<16xf32>
          %swap3A_119 = arith.index_cast %scan3A_90 : i32 to index
          %swap3A_120 = arith.constant 32 : index
          %swap3A_121 = tpu.vector_load %arg12[%swap3A_119, %swap3A_120] {strides = array<i32>} : memref<128x128xf32, #tpu.memory_space<vmem>>, vector<16xf32>,
          tpu.vector_store %arg12[%swap3A_119, %swap3A_120], %mul3A_118 {strides = array<i32>} : memref<128x128xf32, #tpu.memory_space<vmem>>, vector<16xf32>,
          %mul3A_122 = arith.mulf %bitcast3A_117, %gather3A : vector<16xf32>
          %swap3A_123 = arith.index_cast %scan3A_90 : i32 to index
          %swap3A_124 = arith.constant 48 : index
          %swap3A_125 = tpu.vector_load %arg12[%swap3A_123, %swap3A_124] {strides = array<i32>} : memref<128x128xf32, #tpu.memory_space<vmem>>, vector<16xf32>,
          tpu.vector_store %arg12[%swap3A_123, %swap3A_124], %mul3A_122 {strides = array<i32>} : memref<128x128xf32, #tpu.memory_space<vmem>>, vector<16xf32>,
          %get3A_126 = arith.index_cast %scan3A_90 : i32 to index
          %get3A_127 = arith.constant 32 : index
          %get3A_128 = tpu.vector_load %arg10[%get3A_126, %get3A_127] {strides = array<i32>} : memref<128x64xi32, #tpu.memory_space<vmem>>, vector<16xi32>,
          %shift_left3A_129 = arith.constant 16 : i32
          %shift_left3A_130 = vector.broadcast %shift_left3A_129 : i32 to vector<16xi32>
          %shift_left3A_131 = arith.shli %get3A_128, %shift_left3A_130 : vector<16xi32>
          %bitcast3A_132 = vector.bitcast %shift_left3A_131 : vector<16xi32> to vector<16xf32>
          %broadcast_in_dim3A_133 = arith.constant -65536 : i32
          %broadcast_in_dim3A_134 = vector.broadcast %broadcast_in_dim3A_133 : i32 to vector<16xi32>
          %and3A_135 = arith.andi %get3A_128, %broadcast_in_dim3A_134 : vector<16xi32>
          %bitcast3A_136 = vector.bitcast %and3A_135 : vector<16xi32> to vector<16xf32>
          %mul3A_137 = arith.mulf %bitcast3A_132, %gather3A : vector<16xf32>
          %swap3A_138 = arith.index_cast %scan3A_90 : i32 to index
          %swap3A_139 = arith.constant 64 : index
          %swap3A_140 = tpu.vector_load %arg12[%swap3A_138, %swap3A_139] {strides = array<i32>} : memref<128x128xf32, #tpu.memory_space<vmem>>, vector<16xf32>,
          tpu.vector_store %arg12[%swap3A_138, %swap3A_139], %mul3A_137 {strides = array<i32>} : memref<128x128xf32, #tpu.memory_space<vmem>>, vector<16xf32>,
          %mul3A_141 = arith.mulf %bitcast3A_136, %gather3A : vector<16xf32>
          %swap3A_142 = arith.index_cast %scan3A_90 : i32 to index
          %swap3A_143 = arith.constant 80 : index
          %swap3A_144 = tpu.vector_load %arg12[%swap3A_142, %swap3A_143] {strides = array<i32>} : memref<128x128xf32, #tpu.memory_space<vmem>>, vector<16xf32>,
          tpu.vector_store %arg12[%swap3A_142, %swap3A_143], %mul3A_141 {strides = array<i32>} : memref<128x128xf32, #tpu.memory_space<vmem>>, vector<16xf32>,
          %get3A_145 = arith.index_cast %scan3A_90 : i32 to index
          %get3A_146 = arith.constant 48 : index
          %get3A_147 = tpu.vector_load %arg10[%get3A_145, %get3A_146] {strides = array<i32>} : memref<128x64xi32, #tpu.memory_space<vmem>>, vector<16xi32>,
          %shift_left3A_148 = arith.constant 16 : i32
          %shift_left3A_149 = vector.broadcast %shift_left3A_148 : i32 to vector<16xi32>
          %shift_left3A_150 = arith.shli %get3A_147, %shift_left3A_149 : vector<16xi32>
          %bitcast3A_151 = vector.bitcast %shift_left3A_150 : vector<16xi32> to vector<16xf32>
          %broadcast_in_dim3A_152 = arith.constant -65536 : i32
          %broadcast_in_dim3A_153 = vector.broadcast %broadcast_in_dim3A_152 : i32 to vector<16xi32>
          %and3A_154 = arith.andi %get3A_147, %broadcast_in_dim3A_153 : vector<16xi32>
          %bitcast3A_155 = vector.bitcast %and3A_154 : vector<16xi32> to vector<16xf32>
          %mul3A_156 = arith.mulf %bitcast3A_151, %gather3A : vector<16xf32>
          %swap3A_157 = arith.index_cast %scan3A_90 : i32 to index
          %swap3A_158 = arith.constant 96 : index
          %swap3A_159 = tpu.vector_load %arg12[%swap3A_157, %swap3A_158] {strides = array<i32>} : memref<128x128xf32, #tpu.memory_space<vmem>>, vector<16xf32>,
          tpu.vector_store %arg12[%swap3A_157, %swap3A_158], %mul3A_156 {strides = array<i32>} : memref<128x128xf32, #tpu.memory_space<vmem>>, vector<16xf32>,
          %mul3A_160 = arith.mulf %bitcast3A_155, %gather3A : vector<16xf32>
          %swap3A_161 = arith.index_cast %scan3A_90 : i32 to index
          %swap3A_162 = arith.constant 112 : index
          %swap3A_163 = tpu.vector_load %arg12[%swap3A_161, %swap3A_162] {strides = array<i32>} : memref<128x128xf32, #tpu.memory_space<vmem>>, vector<16xf32>,
          tpu.vector_store %arg12[%swap3A_161, %swap3A_162], %mul3A_160 {strides = array<i32>} : memref<128x128xf32, #tpu.memory_space<vmem>>, vector<16xf32>,
          %scan3A_164 = arith.constant 0 : i32
          scf.yield %scan3A_164 : i32
        }
        %scan3A_73 = arith.constant 128 : i32
        "tpu.region"() ({
          %run_scoped3A = tpu.sem_alloc : memref<!tpu.dma_semaphore, #tpu.memory_space<semaphore_mem>>
          %dma_start3A_90 = arith.constant 0 : i32
          %dma_start3A_91 = tpu.memref_slice %arg8[%mul3A_51, %dma_start3A_90] : memref<16x128xi32, #tpu.memory_space<vmem>> -> memref<1x128xi32, #tpu.memory_space<vmem>>
          %dma_start3A_92 = tpu.memref_squeeze %dma_start3A_91 : memref<1x128xi32, #tpu.memory_space<vmem>> -> memref<128xi32, #tpu.memory_space<vmem>>
          %dma_start3A_93 = arith.constant 0 : i32
          %dma_start3A_94 = arith.constant 0 : i32
          %dma_start3A_95 = tpu.memref_slice %arg14[%dma_start3A_93, %dma_start3A_94] : memref<10240x128xf32, #tpu.memory_space<vmem_shared>> -> memref<10240x128xf32, #tpu.memory_space<vmem_shared>>
          tpu.enqueue_indirect_dma source(%arg12 : memref<128x128xf32, #tpu.memory_space<vmem>>) target(%dma_start3A_95 : memref<10240x128xf32, #tpu.memory_space<vmem_shared>>) offsets(%dma_start3A_92 : memref<128xi32, #tpu.memory_space<vmem>>) semaphore(%run_scoped3A : memref<!tpu.dma_semaphore, #tpu.memory_space<semaphore_mem>>) {add = true}
          %dma_wait3A_96 = arith.constant 0 : i32
          %dma_wait3A_97 = tpu.memref_slice %arg8[%mul3A_51, %dma_wait3A_96] : memref<16x128xi32, #tpu.memory_space<vmem>> -> memref<1x128xi32, #tpu.memory_space<vmem>>
          %dma_wait3A_98 = tpu.memref_squeeze %dma_wait3A_97 : memref<1x128xi32, #tpu.memory_space<vmem>> -> memref<128xi32, #tpu.memory_space<vmem>>
          %dma_wait3A_99 = arith.constant 0 : i32
          %dma_wait3A_100 = arith.constant 0 : i32
          %dma_wait3A_101 = tpu.memref_slice %arg14[%dma_wait3A_99, %dma_wait3A_100] : memref<10240x128xf32, #tpu.memory_space<vmem_shared>> -> memref<10240x128xf32, #tpu.memory_space<vmem_shared>>
          tpu.wait_indirect_dma semaphore(%run_scoped3A : memref<!tpu.dma_semaphore, #tpu.memory_space<semaphore_mem>>) src(%arg12 : memref<128x128xf32, #tpu.memory_space<vmem>>) dst(%dma_wait3A_101 : memref<10240x128xf32, #tpu.memory_space<vmem_shared>>)
          tpu.yield
        }) : () -> ()
        %lt3A = arith.constant 7 : i32
        %lt3A_74 = arith.cmpi slt, %scan3A_48, %lt3A : i32
        %convert_element_type3A = arith.extui %lt3A_74 : i1 to i32
        %cond3A = arith.constant 0 : i32
        %cond3A_75 = arith.cmpi ne, %convert_element_type3A, %cond3A : i32
        scf.if %cond3A_75 {
          %add3A_90 = arith.constant 2 : i32
          %add3A_91 = arith.addi %mul3A_51, %add3A_90 : i32
          %dma_start3A_92 = arith.constant 0 : i32
          %dma_start3A_93 = tpu.memref_slice %arg7[%add3A_91, %dma_start3A_92] : memref<16x128xi32, #tpu.memory_space<vmem>> -> memref<1x128xi32, #tpu.memory_space<vmem>>
          %dma_start3A_94 = tpu.memref_squeeze %dma_start3A_93 : memref<1x128xi32, #tpu.memory_space<vmem>> -> memref<128xi32, #tpu.memory_space<vmem>>
          %dma_start3A_95 = arith.constant 0 : i32
          %dma_start3A_96 = arith.constant 0 : i32
          %dma_start3A_97 = tpu.memref_slice %arg2[%dma_start3A_95, %dma_start3A_96] : memref<80000x64xi32, #tpu.memory_space<hbm>> -> memref<80000x64xi32, #tpu.memory_space<hbm>>
          tpu.enqueue_indirect_dma source(%dma_start3A_97 : memref<80000x64xi32, #tpu.memory_space<hbm>>) target(%arg10 : memref<128x64xi32, #tpu.memory_space<vmem>>) offsets(%dma_start3A_94 : memref<128xi32, #tpu.memory_space<vmem>>) semaphore(%arg15 : memref<!tpu.dma_semaphore, #tpu.memory_space<semaphore_mem>>)
        } else {
        }
        %dma_wait3A_76 = arith.constant 0 : i32
        %dma_wait3A_77 = tpu.memref_slice %arg7[%add3A_55, %dma_wait3A_76] : memref<16x128xi32, #tpu.memory_space<vmem>> -> memref<1x128xi32, #tpu.memory_space<vmem>>
        %dma_wait3A_78 = tpu.memref_squeeze %dma_wait3A_77 : memref<1x128xi32, #tpu.memory_space<vmem>> -> memref<128xi32, #tpu.memory_space<vmem>>
        %dma_wait3A_79 = arith.constant 0 : i32
        %dma_wait3A_80 = arith.constant 0 : i32
        %dma_wait3A_81 = tpu.memref_slice %arg2[%dma_wait3A_79, %dma_wait3A_80] : memref<80000x64xi32, #tpu.memory_space<hbm>> -> memref<80000x64xi32, #tpu.memory_space<hbm>>
        tpu.wait_indirect_dma semaphore(%arg16 : memref<!tpu.dma_semaphore, #tpu.memory_space<semaphore_mem>>) src(%dma_wait3A_81 : memref<80000x64xi32, #tpu.memory_space<hbm>>) dst(%arg11 : memref<128x64xi32, #tpu.memory_space<vmem>>)
        %scan3A_82 = arith.constant 0 : i32
        %scan3A_83 = arith.constant 0 : i32
        %scan3A_84 = arith.constant 128 : i32
        %scan3A_85 = arith.addi %scan3A_83, %scan3A_84 : i32
        %scan3A_86 = arith.constant 1 : i32
        %scan3A_87 = scf.for %scan3A_90 = %scan3A_83 to %scan3A_85 step %scan3A_86 iter_args(%scan3A_91 = %scan3A_82) -> (i32)  : i32 {
          %broadcast_in_dim3A = vector.broadcast %add3A_55 : i32 to vector<16xi32>
          %broadcast_in_dim3A_92 = vector.broadcast %scan3A_90 : i32 to vector<16xi32>
          %gather3A = tpu.vector_load_idx %arg9[%broadcast_in_dim3A, %broadcast_in_dim3A_92] : memref<16x128xf32, #tpu.memory_space<vmem>>[vector<16xi32>, vector<16xi32>], vector<16xf32>,
          %get3A = arith.index_cast %scan3A_90 : i32 to index
          %get3A_93 = arith.constant 0 : index
          %get3A_94 = tpu.vector_load %arg11[%get3A, %get3A_93] {strides = array<i32>} : memref<128x64xi32, #tpu.memory_space<vmem>>, vector<16xi32>,
          %shift_left3A = arith.constant 16 : i32
          %shift_left3A_95 = vector.broadcast %shift_left3A : i32 to vector<16xi32>
          %shift_left3A_96 = arith.shli %get3A_94, %shift_left3A_95 : vector<16xi32>
          %bitcast3A = vector.bitcast %shift_left3A_96 : vector<16xi32> to vector<16xf32>
          %broadcast_in_dim3A_97 = arith.constant -65536 : i32
          %broadcast_in_dim3A_98 = vector.broadcast %broadcast_in_dim3A_97 : i32 to vector<16xi32>
          %and3A = arith.andi %get3A_94, %broadcast_in_dim3A_98 : vector<16xi32>
          %bitcast3A_99 = vector.bitcast %and3A : vector<16xi32> to vector<16xf32>
          %mul3A_100 = arith.mulf %bitcast3A, %gather3A : vector<16xf32>
          %swap3A = arith.index_cast %scan3A_90 : i32 to index
          %swap3A_101 = arith.constant 0 : index
          %swap3A_102 = tpu.vector_load %arg12[%swap3A, %swap3A_101] {strides = array<i32>} : memref<128x128xf32, #tpu.memory_space<vmem>>, vector<16xf32>,
          tpu.vector_store %arg12[%swap3A, %swap3A_101], %mul3A_100 {strides = array<i32>} : memref<128x128xf32, #tpu.memory_space<vmem>>, vector<16xf32>,
          %mul3A_103 = arith.mulf %bitcast3A_99, %gather3A : vector<16xf32>
          %swap3A_104 = arith.index_cast %scan3A_90 : i32 to index
          %swap3A_105 = arith.constant 16 : index
          %swap3A_106 = tpu.vector_load %arg12[%swap3A_104, %swap3A_105] {strides = array<i32>} : memref<128x128xf32, #tpu.memory_space<vmem>>, vector<16xf32>,
          tpu.vector_store %arg12[%swap3A_104, %swap3A_105], %mul3A_103 {strides = array<i32>} : memref<128x128xf32, #tpu.memory_space<vmem>>, vector<16xf32>,
          %get3A_107 = arith.index_cast %scan3A_90 : i32 to index
          %get3A_108 = arith.constant 16 : index
          %get3A_109 = tpu.vector_load %arg11[%get3A_107, %get3A_108] {strides = array<i32>} : memref<128x64xi32, #tpu.memory_space<vmem>>, vector<16xi32>,
          %shift_left3A_110 = arith.constant 16 : i32
          %shift_left3A_111 = vector.broadcast %shift_left3A_110 : i32 to vector<16xi32>
          %shift_left3A_112 = arith.shli %get3A_109, %shift_left3A_111 : vector<16xi32>
          %bitcast3A_113 = vector.bitcast %shift_left3A_112 : vector<16xi32> to vector<16xf32>
          %broadcast_in_dim3A_114 = arith.constant -65536 : i32
          %broadcast_in_dim3A_115 = vector.broadcast %broadcast_in_dim3A_114 : i32 to vector<16xi32>
          %and3A_116 = arith.andi %get3A_109, %broadcast_in_dim3A_115 : vector<16xi32>
          %bitcast3A_117 = vector.bitcast %and3A_116 : vector<16xi32> to vector<16xf32>
          %mul3A_118 = arith.mulf %bitcast3A_113, %gather3A : vector<16xf32>
          %swap3A_119 = arith.index_cast %scan3A_90 : i32 to index
          %swap3A_120 = arith.constant 32 : index
          %swap3A_121 = tpu.vector_load %arg12[%swap3A_119, %swap3A_120] {strides = array<i32>} : memref<128x128xf32, #tpu.memory_space<vmem>>, vector<16xf32>,
          tpu.vector_store %arg12[%swap3A_119, %swap3A_120], %mul3A_118 {strides = array<i32>} : memref<128x128xf32, #tpu.memory_space<vmem>>, vector<16xf32>,
          %mul3A_122 = arith.mulf %bitcast3A_117, %gather3A : vector<16xf32>
          %swap3A_123 = arith.index_cast %scan3A_90 : i32 to index
          %swap3A_124 = arith.constant 48 : index
          %swap3A_125 = tpu.vector_load %arg12[%swap3A_123, %swap3A_124] {strides = array<i32>} : memref<128x128xf32, #tpu.memory_space<vmem>>, vector<16xf32>,
          tpu.vector_store %arg12[%swap3A_123, %swap3A_124], %mul3A_122 {strides = array<i32>} : memref<128x128xf32, #tpu.memory_space<vmem>>, vector<16xf32>,
          %get3A_126 = arith.index_cast %scan3A_90 : i32 to index
          %get3A_127 = arith.constant 32 : index
          %get3A_128 = tpu.vector_load %arg11[%get3A_126, %get3A_127] {strides = array<i32>} : memref<128x64xi32, #tpu.memory_space<vmem>>, vector<16xi32>,
          %shift_left3A_129 = arith.constant 16 : i32
          %shift_left3A_130 = vector.broadcast %shift_left3A_129 : i32 to vector<16xi32>
          %shift_left3A_131 = arith.shli %get3A_128, %shift_left3A_130 : vector<16xi32>
          %bitcast3A_132 = vector.bitcast %shift_left3A_131 : vector<16xi32> to vector<16xf32>
          %broadcast_in_dim3A_133 = arith.constant -65536 : i32
          %broadcast_in_dim3A_134 = vector.broadcast %broadcast_in_dim3A_133 : i32 to vector<16xi32>
          %and3A_135 = arith.andi %get3A_128, %broadcast_in_dim3A_134 : vector<16xi32>
          %bitcast3A_136 = vector.bitcast %and3A_135 : vector<16xi32> to vector<16xf32>
          %mul3A_137 = arith.mulf %bitcast3A_132, %gather3A : vector<16xf32>
          %swap3A_138 = arith.index_cast %scan3A_90 : i32 to index
          %swap3A_139 = arith.constant 64 : index
          %swap3A_140 = tpu.vector_load %arg12[%swap3A_138, %swap3A_139] {strides = array<i32>} : memref<128x128xf32, #tpu.memory_space<vmem>>, vector<16xf32>,
          tpu.vector_store %arg12[%swap3A_138, %swap3A_139], %mul3A_137 {strides = array<i32>} : memref<128x128xf32, #tpu.memory_space<vmem>>, vector<16xf32>,
          %mul3A_141 = arith.mulf %bitcast3A_136, %gather3A : vector<16xf32>
          %swap3A_142 = arith.index_cast %scan3A_90 : i32 to index
          %swap3A_143 = arith.constant 80 : index
          %swap3A_144 = tpu.vector_load %arg12[%swap3A_142, %swap3A_143] {strides = array<i32>} : memref<128x128xf32, #tpu.memory_space<vmem>>, vector<16xf32>,
          tpu.vector_store %arg12[%swap3A_142, %swap3A_143], %mul3A_141 {strides = array<i32>} : memref<128x128xf32, #tpu.memory_space<vmem>>, vector<16xf32>,
          %get3A_145 = arith.index_cast %scan3A_90 : i32 to index
          %get3A_146 = arith.constant 48 : index
          %get3A_147 = tpu.vector_load %arg11[%get3A_145, %get3A_146] {strides = array<i32>} : memref<128x64xi32, #tpu.memory_space<vmem>>, vector<16xi32>,
          %shift_left3A_148 = arith.constant 16 : i32
          %shift_left3A_149 = vector.broadcast %shift_left3A_148 : i32 to vector<16xi32>
          %shift_left3A_150 = arith.shli %get3A_147, %shift_left3A_149 : vector<16xi32>
          %bitcast3A_151 = vector.bitcast %shift_left3A_150 : vector<16xi32> to vector<16xf32>
          %broadcast_in_dim3A_152 = arith.constant -65536 : i32
          %broadcast_in_dim3A_153 = vector.broadcast %broadcast_in_dim3A_152 : i32 to vector<16xi32>
          %and3A_154 = arith.andi %get3A_147, %broadcast_in_dim3A_153 : vector<16xi32>
          %bitcast3A_155 = vector.bitcast %and3A_154 : vector<16xi32> to vector<16xf32>
          %mul3A_156 = arith.mulf %bitcast3A_151, %gather3A : vector<16xf32>
          %swap3A_157 = arith.index_cast %scan3A_90 : i32 to index
          %swap3A_158 = arith.constant 96 : index
          %swap3A_159 = tpu.vector_load %arg12[%swap3A_157, %swap3A_158] {strides = array<i32>} : memref<128x128xf32, #tpu.memory_space<vmem>>, vector<16xf32>,
          tpu.vector_store %arg12[%swap3A_157, %swap3A_158], %mul3A_156 {strides = array<i32>} : memref<128x128xf32, #tpu.memory_space<vmem>>, vector<16xf32>,
          %mul3A_160 = arith.mulf %bitcast3A_155, %gather3A : vector<16xf32>
          %swap3A_161 = arith.index_cast %scan3A_90 : i32 to index
          %swap3A_162 = arith.constant 112 : index
          %swap3A_163 = tpu.vector_load %arg12[%swap3A_161, %swap3A_162] {strides = array<i32>} : memref<128x128xf32, #tpu.memory_space<vmem>>, vector<16xf32>,
          tpu.vector_store %arg12[%swap3A_161, %swap3A_162], %mul3A_160 {strides = array<i32>} : memref<128x128xf32, #tpu.memory_space<vmem>>, vector<16xf32>,
          %scan3A_164 = arith.constant 0 : i32
          scf.yield %scan3A_164 : i32
        }
        %scan3A_88 = arith.constant 128 : i32
        "tpu.region"() ({
          %run_scoped3A = tpu.sem_alloc : memref<!tpu.dma_semaphore, #tpu.memory_space<semaphore_mem>>
          %dma_start3A_90 = arith.constant 0 : i32
          %dma_start3A_91 = tpu.memref_slice %arg8[%add3A_55, %dma_start3A_90] : memref<16x128xi32, #tpu.memory_space<vmem>> -> memref<1x128xi32, #tpu.memory_space<vmem>>
          %dma_start3A_92 = tpu.memref_squeeze %dma_start3A_91 : memref<1x128xi32, #tpu.memory_space<vmem>> -> memref<128xi32, #tpu.memory_space<vmem>>
          %dma_start3A_93 = arith.constant 0 : i32
          %dma_start3A_94 = arith.constant 0 : i32
          %dma_start3A_95 = tpu.memref_slice %arg14[%dma_start3A_93, %dma_start3A_94] : memref<10240x128xf32, #tpu.memory_space<vmem_shared>> -> memref<10240x128xf32, #tpu.memory_space<vmem_shared>>
          tpu.enqueue_indirect_dma source(%arg12 : memref<128x128xf32, #tpu.memory_space<vmem>>) target(%dma_start3A_95 : memref<10240x128xf32, #tpu.memory_space<vmem_shared>>) offsets(%dma_start3A_92 : memref<128xi32, #tpu.memory_space<vmem>>) semaphore(%run_scoped3A : memref<!tpu.dma_semaphore, #tpu.memory_space<semaphore_mem>>) {add = true}
          %dma_wait3A_96 = arith.constant 0 : i32
          %dma_wait3A_97 = tpu.memref_slice %arg8[%add3A_55, %dma_wait3A_96] : memref<16x128xi32, #tpu.memory_space<vmem>> -> memref<1x128xi32, #tpu.memory_space<vmem>>
          %dma_wait3A_98 = tpu.memref_squeeze %dma_wait3A_97 : memref<1x128xi32, #tpu.memory_space<vmem>> -> memref<128xi32, #tpu.memory_space<vmem>>
          %dma_wait3A_99 = arith.constant 0 : i32
          %dma_wait3A_100 = arith.constant 0 : i32
          %dma_wait3A_101 = tpu.memref_slice %arg14[%dma_wait3A_99, %dma_wait3A_100] : memref<10240x128xf32, #tpu.memory_space<vmem_shared>> -> memref<10240x128xf32, #tpu.memory_space<vmem_shared>>
          tpu.wait_indirect_dma semaphore(%run_scoped3A : memref<!tpu.dma_semaphore, #tpu.memory_space<semaphore_mem>>) src(%arg12 : memref<128x128xf32, #tpu.memory_space<vmem>>) dst(%dma_wait3A_101 : memref<10240x128xf32, #tpu.memory_space<vmem_shared>>)
          tpu.yield
        }) : () -> ()
        %scan3A_89 = arith.constant 0 : i32
        scf.yield %scan3A_89 : i32
      }
      %scan3A_46 = arith.constant 8 : i32
      %scan3A_47 = arith.constant 0 : i32
      scf.yield %scan3A_47 : i32
    }
    %scan3A_20 = arith.constant 5 : i32
    %barrier3A_21 = arith.constant 0 : index
    tpu.barrier barrier_id(%barrier3A_21)
    %mul3A_22 = arith.constant 640 : i32
    %mul3A_23 = arith.muli %arg1, %mul3A_22 : i32
    %mul3A_24 = arith.constant 640 : i32
    %mul3A_25 = arith.muli %arg1, %mul3A_24 : i32
    "tpu.region"() ({
      %run_scoped3A = tpu.sem_alloc : memref<!tpu.dma_semaphore, #tpu.memory_space<semaphore_mem>>
      %dma_start3A = arith.constant 0 : i32
      %dma_start3A_26 = tpu.memref_slice %arg6[%arg0, %mul3A_25, %dma_start3A] : memref<2x10240x128xf32, #tpu.memory_space<hbm>> -> memref<1x640x128xf32, #tpu.memory_space<hbm>>
      %dma_start3A_27 = tpu.memref_squeeze %dma_start3A_26 : memref<1x640x128xf32, #tpu.memory_space<hbm>> -> memref<640x128xf32, #tpu.memory_space<hbm>>
      %dma_start3A_28 = arith.constant 0 : i32
      %dma_start3A_29 = tpu.memref_slice %arg14[%mul3A_23, %dma_start3A_28] : memref<10240x128xf32, #tpu.memory_space<vmem_shared>> -> memref<640x128xf32, #tpu.memory_space<vmem_shared>>
      tpu.enqueue_dma source(%dma_start3A_29 : memref<640x128xf32, #tpu.memory_space<vmem_shared>>) target(%dma_start3A_27 : memref<640x128xf32, #tpu.memory_space<hbm>>) target_semaphore(%run_scoped3A : memref<!tpu.dma_semaphore, #tpu.memory_space<semaphore_mem>>)
      %dma_wait3A = arith.constant 0 : i32
      %dma_wait3A_30 = tpu.memref_slice %arg6[%arg0, %mul3A_25, %dma_wait3A] : memref<2x10240x128xf32, #tpu.memory_space<hbm>> -> memref<1x640x128xf32, #tpu.memory_space<hbm>>
      %dma_wait3A_31 = tpu.memref_squeeze %dma_wait3A_30 : memref<1x640x128xf32, #tpu.memory_space<hbm>> -> memref<640x128xf32, #tpu.memory_space<hbm>>
      %dma_wait3A_32 = arith.constant 0 : i32
      %dma_wait3A_33 = tpu.memref_slice %arg14[%mul3A_23, %dma_wait3A_32] : memref<10240x128xf32, #tpu.memory_space<vmem_shared>> -> memref<640x128xf32, #tpu.memory_space<vmem_shared>>
      tpu.wait_dma2 semaphore(%run_scoped3A : memref<!tpu.dma_semaphore, #tpu.memory_space<semaphore_mem>>) src(%dma_wait3A_33 : memref<640x128xf32, #tpu.memory_space<vmem_shared>>) dst(%dma_wait3A_31 : memref<640x128xf32, #tpu.memory_space<hbm>>)
      tpu.yield
    }) : () -> ()
    return
  }
}

#map = affine_map<(d0, d1) -> (0, 0)>
#map1 = affine_map<(d0, d1) -> (0, 0, 0)>
module attributes {stable_mosaic.version = 14 : i64} {
  func.func @_sc_scatter(%arg0: i32, %arg1: i32, %arg2: memref<80000x64xi32, #tpu.memory_space<hbm>>, %arg3: memref<32x80x128xi32, #tpu.memory_space<hbm>>, %arg4: memref<32x80x128xi32, #tpu.memory_space<hbm>>, %arg5: memref<32x80x128xf32, #tpu.memory_space<hbm>>, %arg6: memref<2x10240x128xf32, #tpu.memory_space<hbm>>, %arg7: memref<16x128xi32, #tpu.memory_space<vmem>>, %arg8: memref<16x128xi32, #tpu.memory_space<vmem>>, %arg9: memref<16x128xf32, #tpu.memory_space<vmem>>, %arg10: memref<128x64xi32, #tpu.memory_space<vmem>>, %arg11: memref<128x64xi32, #tpu.memory_space<vmem>>, %arg12: memref<128x128xf32, #tpu.memory_space<vmem>>, %arg13: memref<16x128xf32, #tpu.memory_space<vmem>>, %arg14: memref<10240x128xf32, #tpu.memory_space<vmem_shared>>, %arg15: memref<!tpu.dma_semaphore, #tpu.memory_space<semaphore_mem>>, %arg16: memref<!tpu.dma_semaphore, #tpu.memory_space<semaphore_mem>>) attributes {dimension_semantics = [#tpu.dimension_semantics<core_parallel>, #tpu.dimension_semantics<subcore_parallel>], iteration_bounds = array<i64: 2, 16>, scalar_prefetch = 0 : i64, scratch_operands = 10 : i64, tpu.core_type = #tpu.core_type<sc_vector_subcore>, window_params = [{transform_indices = #map}, {transform_indices = #map1}, {transform_indices = #map1}, {transform_indices = #map1}, {transform_indices = #map1}]} {
    %mul3A = arith.constant 16 : i32
    %mul3A_0 = arith.muli %arg0, %mul3A : i32
    %add3A = arith.addi %mul3A_0, %arg1 : i32
    %scan3A = arith.constant 0 : i32
    %scan3A_1 = arith.constant 0 : i32
    %scan3A_2 = arith.constant 128 : i32
    %scan3A_3 = arith.addi %scan3A_1, %scan3A_2 : i32
    %scan3A_4 = arith.constant 1 : i32
    %scan3A_5 = scf.for %scan3A_26 = %scan3A_1 to %scan3A_3 step %scan3A_4 iter_args(%scan3A_27 = %scan3A) -> (i32)  : i32 {
      %broadcast_in_dim3A = arith.constant 0.000000e+00 : f32
      %broadcast_in_dim3A_28 = vector.broadcast %broadcast_in_dim3A : f32 to vector<16xf32>
      %jit3A = arith.constant 8 : i32
      %div3A = arith.divsi %scan3A_26, %jit3A : i32
      %sign3A = arith.constant 0 : i32
      %sign3A_29 = arith.cmpi sgt, %scan3A_26, %sign3A : i32
      %sign3A_30 = arith.extui %sign3A_29 : i1 to i32
      %sign3A_31 = arith.constant 0 : i32
      %sign3A_32 = arith.cmpi slt, %scan3A_26, %sign3A_31 : i32
      %sign3A_33 = arith.extui %sign3A_32 : i1 to i32
      %sign3A_34 = arith.subi %sign3A_30, %sign3A_33 : i32
      %sign3A_35 = arith.constant 0 : i32
      %sign3A_36 = arith.cmpi sgt, %jit3A, %sign3A_35 : i32
      %sign3A_37 = arith.extui %sign3A_36 : i1 to i32
      %sign3A_38 = arith.constant 0 : i32
      %sign3A_39 = arith.cmpi slt, %jit3A, %sign3A_38 : i32
      %sign3A_40 = arith.extui %sign3A_39 : i1 to i32
      %sign3A_41 = arith.subi %sign3A_37, %sign3A_40 : i32
      %ne3A = arith.cmpi ne, %sign3A_34, %sign3A_41 : i32
      %rem3A = arith.remsi %scan3A_26, %jit3A : i32
      %ne3A_42 = arith.constant 0 : i32
      %ne3A_43 = arith.cmpi ne, %rem3A, %ne3A_42 : i32
      %and3A = arith.andi %ne3A, %ne3A_43 : i1
      %sub3A = arith.constant 1 : i32
      %sub3A_44 = arith.subi %div3A, %sub3A : i32
      %select_n3A = arith.select %and3A, %sub3A_44, %div3A : i32
      %jit3A_45 = arith.constant 8 : i32
      %eq3A = arith.constant 0 : i32
      %eq3A_46 = arith.cmpi eq, %jit3A_45, %eq3A : i32
      %jit3A_47 = arith.constant 1 : i32
      %select_n3A_48 = arith.select %eq3A_46, %jit3A_47, %jit3A_45 : i32
      %rem3A_49 = arith.remsi %scan3A_26, %select_n3A_48 : i32
      %ne3A_50 = arith.constant 0 : i32
      %ne3A_51 = arith.cmpi ne, %rem3A_49, %ne3A_50 : i32
      %lt3A = arith.constant 0 : i32
      %lt3A_52 = arith.cmpi slt, %rem3A_49, %lt3A : i32
      %lt3A_53 = arith.constant 0 : i32
      %lt3A_54 = arith.cmpi slt, %select_n3A_48, %lt3A_53 : i32
      %ne3A_55 = arith.xori %lt3A_52, %lt3A_54 : i1
      %and3A_56 = arith.andi %ne3A_55, %ne3A_51 : i1
      %add3A_57 = arith.addi %rem3A_49, %select_n3A_48 : i32
      %select_n3A_58 = arith.select %and3A_56, %add3A_57, %rem3A_49 : i32
      %mul3A_59 = arith.constant 16 : i32
      %mul3A_60 = arith.muli %select_n3A_58, %mul3A_59 : i32
      %swap3A = arith.index_cast %select_n3A : i32 to index
      %swap3A_61 = arith.index_cast %mul3A_60 : i32 to index
      %swap3A_62 = tpu.vector_load %arg13[%swap3A, %swap3A_61] {strides = array<i32>} : memref<16x128xf32, #tpu.memory_space<vmem>>, vector<16xf32>,
      tpu.vector_store %arg13[%swap3A, %swap3A_61], %broadcast_in_dim3A_28 {strides = array<i32>} : memref<16x128xf32, #tpu.memory_space<vmem>>, vector<16xf32>,
      %scan3A_63 = arith.constant 0 : i32
      scf.yield %scan3A_63 : i32
    }
    %scan3A_6 = arith.constant 128 : i32
    %scan3A_7 = arith.constant 0 : i32
    %scan3A_8 = arith.constant 0 : i32
    %scan3A_9 = arith.constant 40 : i32
    %scan3A_10 = arith.addi %scan3A_8, %scan3A_9 : i32
    %scan3A_11 = arith.constant 1 : i32
    %scan3A_12 = scf.for %scan3A_26 = %scan3A_8 to %scan3A_10 step %scan3A_11 iter_args(%scan3A_27 = %scan3A_7) -> (i32)  : i32 {
      %mul3A_28 = arith.constant 640 : i32
      %mul3A_29 = arith.muli %arg1, %mul3A_28 : i32
      %mul3A_30 = arith.constant 16 : i32
      %mul3A_31 = arith.muli %scan3A_26, %mul3A_30 : i32
      %add3A_32 = arith.addi %mul3A_29, %mul3A_31 : i32
      "tpu.region"() ({
        %run_scoped3A = tpu.sem_alloc : memref<!tpu.dma_semaphore, #tpu.memory_space<semaphore_mem>>
        %dma_start3A = arith.constant 0 : i32
        %dma_start3A_34 = tpu.memref_slice %arg14[%add3A_32, %dma_start3A] : memref<10240x128xf32, #tpu.memory_space<vmem_shared>> -> memref<16x128xf32, #tpu.memory_space<vmem_shared>>
        %dma_start3A_35 = arith.constant 0 : i32
        %dma_start3A_36 = tpu.memref_slice %arg14[%add3A_32, %dma_start3A_35] : memref<10240x128xf32, #tpu.memory_space<vmem_shared>> -> memref<16x128xf32, #tpu.memory_space<vmem_shared>>
        tpu.enqueue_dma source(%arg13 : memref<16x128xf32, #tpu.memory_space<vmem>>) target(%dma_start3A_36 : memref<16x128xf32, #tpu.memory_space<vmem_shared>>) target_semaphore(%run_scoped3A : memref<!tpu.dma_semaphore, #tpu.memory_space<semaphore_mem>>)
        %dma_wait3A = arith.constant 0 : i32
        %dma_wait3A_37 = tpu.memref_slice %arg14[%add3A_32, %dma_wait3A] : memref<10240x128xf32, #tpu.memory_space<vmem_shared>> -> memref<16x128xf32, #tpu.memory_space<vmem_shared>>
        %dma_wait3A_38 = arith.constant 0 : i32
        %dma_wait3A_39 = tpu.memref_slice %arg14[%add3A_32, %dma_wait3A_38] : memref<10240x128xf32, #tpu.memory_space<vmem_shared>> -> memref<16x128xf32, #tpu.memory_space<vmem_shared>>
        tpu.wait_dma2 semaphore(%run_scoped3A : memref<!tpu.dma_semaphore, #tpu.memory_space<semaphore_mem>>) src(%arg13 : memref<16x128xf32, #tpu.memory_space<vmem>>) dst(%dma_wait3A_39 : memref<16x128xf32, #tpu.memory_space<vmem_shared>>)
        tpu.yield
      }) : () -> ()
      %scan3A_33 = arith.constant 0 : i32
      scf.yield %scan3A_33 : i32
    }
    %scan3A_13 = arith.constant 40 : i32
    %barrier3A = arith.constant 0 : index
    tpu.barrier barrier_id(%barrier3A)
    %scan3A_14 = arith.constant 0 : i32
    %scan3A_15 = arith.constant 0 : i32
    %scan3A_16 = arith.constant 5 : i32
    %scan3A_17 = arith.addi %scan3A_15, %scan3A_16 : i32
    %scan3A_18 = arith.constant 1 : i32
    %scan3A_19 = scf.for %scan3A_26 = %scan3A_15 to %scan3A_17 step %scan3A_18 iter_args(%scan3A_27 = %scan3A_14) -> (i32)  : i32 {
      %mul3A_28 = arith.constant 16 : i32
      %mul3A_29 = arith.muli %scan3A_26, %mul3A_28 : i32
      "tpu.region"() ({
        %run_scoped3A = tpu.sem_alloc : memref<!tpu.dma_semaphore, #tpu.memory_space<semaphore_mem>>
        %dma_start3A_48 = arith.constant 0 : i32
        %dma_start3A_49 = tpu.memref_slice %arg3[%add3A, %mul3A_29, %dma_start3A_48] : memref<32x80x128xi32, #tpu.memory_space<hbm>> -> memref<1x16x128xi32, #tpu.memory_space<hbm>>
        %dma_start3A_50 = tpu.memref_squeeze %dma_start3A_49 : memref<1x16x128xi32, #tpu.memory_space<hbm>> -> memref<16x128xi32, #tpu.memory_space<hbm>>
        %dma_start3A_51 = arith.constant 0 : i32
        %dma_start3A_52 = tpu.memref_slice %arg3[%add3A, %mul3A_29, %dma_start3A_51] : memref<32x80x128xi32, #tpu.memory_space<hbm>> -> memref<1x16x128xi32, #tpu.memory_space<hbm>>
        %dma_start3A_53 = tpu.memref_squeeze %dma_start3A_52 : memref<1x16x128xi32, #tpu.memory_space<hbm>> -> memref<16x128xi32, #tpu.memory_space<hbm>>
        tpu.enqueue_dma source(%dma_start3A_53 : memref<16x128xi32, #tpu.memory_space<hbm>>) target(%arg7 : memref<16x128xi32, #tpu.memory_space<vmem>>) target_semaphore(%run_scoped3A : memref<!tpu.dma_semaphore, #tpu.memory_space<semaphore_mem>>)
        %dma_wait3A = arith.constant 0 : i32
        %dma_wait3A_54 = tpu.memref_slice %arg3[%add3A, %mul3A_29, %dma_wait3A] : memref<32x80x128xi32, #tpu.memory_space<hbm>> -> memref<1x16x128xi32, #tpu.memory_space<hbm>>
        %dma_wait3A_55 = tpu.memref_squeeze %dma_wait3A_54 : memref<1x16x128xi32, #tpu.memory_space<hbm>> -> memref<16x128xi32, #tpu.memory_space<hbm>>
        %dma_wait3A_56 = arith.constant 0 : i32
        %dma_wait3A_57 = tpu.memref_slice %arg3[%add3A, %mul3A_29, %dma_wait3A_56] : memref<32x80x128xi32, #tpu.memory_space<hbm>> -> memref<1x16x128xi32, #tpu.memory_space<hbm>>
        %dma_wait3A_58 = tpu.memref_squeeze %dma_wait3A_57 : memref<1x16x128xi32, #tpu.memory_space<hbm>> -> memref<16x128xi32, #tpu.memory_space<hbm>>
        tpu.wait_dma2 semaphore(%run_scoped3A : memref<!tpu.dma_semaphore, #tpu.memory_space<semaphore_mem>>) src(%dma_wait3A_58 : memref<16x128xi32, #tpu.memory_space<hbm>>) dst(%arg7 : memref<16x128xi32, #tpu.memory_space<vmem>>)
        tpu.yield
      }) : () -> ()
      %mul3A_30 = arith.constant 16 : i32
      %mul3A_31 = arith.muli %scan3A_26, %mul3A_30 : i32
      "tpu.region"() ({
        %run_scoped3A = tpu.sem_alloc : memref<!tpu.dma_semaphore, #tpu.memory_space<semaphore_mem>>
        %dma_start3A_48 = arith.constant 0 : i32
        %dma_start3A_49 = tpu.memref_slice %arg4[%add3A, %mul3A_31, %dma_start3A_48] : memref<32x80x128xi32, #tpu.memory_space<hbm>> -> memref<1x16x128xi32, #tpu.memory_space<hbm>>
        %dma_start3A_50 = tpu.memref_squeeze %dma_start3A_49 : memref<1x16x128xi32, #tpu.memory_space<hbm>> -> memref<16x128xi32, #tpu.memory_space<hbm>>
        %dma_start3A_51 = arith.constant 0 : i32
        %dma_start3A_52 = tpu.memref_slice %arg4[%add3A, %mul3A_31, %dma_start3A_51] : memref<32x80x128xi32, #tpu.memory_space<hbm>> -> memref<1x16x128xi32, #tpu.memory_space<hbm>>
        %dma_start3A_53 = tpu.memref_squeeze %dma_start3A_52 : memref<1x16x128xi32, #tpu.memory_space<hbm>> -> memref<16x128xi32, #tpu.memory_space<hbm>>
        tpu.enqueue_dma source(%dma_start3A_53 : memref<16x128xi32, #tpu.memory_space<hbm>>) target(%arg8 : memref<16x128xi32, #tpu.memory_space<vmem>>) target_semaphore(%run_scoped3A : memref<!tpu.dma_semaphore, #tpu.memory_space<semaphore_mem>>)
        %dma_wait3A = arith.constant 0 : i32
        %dma_wait3A_54 = tpu.memref_slice %arg4[%add3A, %mul3A_31, %dma_wait3A] : memref<32x80x128xi32, #tpu.memory_space<hbm>> -> memref<1x16x128xi32, #tpu.memory_space<hbm>>
        %dma_wait3A_55 = tpu.memref_squeeze %dma_wait3A_54 : memref<1x16x128xi32, #tpu.memory_space<hbm>> -> memref<16x128xi32, #tpu.memory_space<hbm>>
        %dma_wait3A_56 = arith.constant 0 : i32
        %dma_wait3A_57 = tpu.memref_slice %arg4[%add3A, %mul3A_31, %dma_wait3A_56] : memref<32x80x128xi32, #tpu.memory_space<hbm>> -> memref<1x16x128xi32, #tpu.memory_space<hbm>>
        %dma_wait3A_58 = tpu.memref_squeeze %dma_wait3A_57 : memref<1x16x128xi32, #tpu.memory_space<hbm>> -> memref<16x128xi32, #tpu.memory_space<hbm>>
        tpu.wait_dma2 semaphore(%run_scoped3A : memref<!tpu.dma_semaphore, #tpu.memory_space<semaphore_mem>>) src(%dma_wait3A_58 : memref<16x128xi32, #tpu.memory_space<hbm>>) dst(%arg8 : memref<16x128xi32, #tpu.memory_space<vmem>>)
        tpu.yield
      }) : () -> ()
      %mul3A_32 = arith.constant 16 : i32
      %mul3A_33 = arith.muli %scan3A_26, %mul3A_32 : i32
      "tpu.region"() ({
        %run_scoped3A = tpu.sem_alloc : memref<!tpu.dma_semaphore, #tpu.memory_space<semaphore_mem>>
        %dma_start3A_48 = arith.constant 0 : i32
        %dma_start3A_49 = tpu.memref_slice %arg5[%add3A, %mul3A_33, %dma_start3A_48] : memref<32x80x128xf32, #tpu.memory_space<hbm>> -> memref<1x16x128xf32, #tpu.memory_space<hbm>>
        %dma_start3A_50 = tpu.memref_squeeze %dma_start3A_49 : memref<1x16x128xf32, #tpu.memory_space<hbm>> -> memref<16x128xf32, #tpu.memory_space<hbm>>
        %dma_start3A_51 = arith.constant 0 : i32
        %dma_start3A_52 = tpu.memref_slice %arg5[%add3A, %mul3A_33, %dma_start3A_51] : memref<32x80x128xf32, #tpu.memory_space<hbm>> -> memref<1x16x128xf32, #tpu.memory_space<hbm>>
        %dma_start3A_53 = tpu.memref_squeeze %dma_start3A_52 : memref<1x16x128xf32, #tpu.memory_space<hbm>> -> memref<16x128xf32, #tpu.memory_space<hbm>>
        tpu.enqueue_dma source(%dma_start3A_53 : memref<16x128xf32, #tpu.memory_space<hbm>>) target(%arg9 : memref<16x128xf32, #tpu.memory_space<vmem>>) target_semaphore(%run_scoped3A : memref<!tpu.dma_semaphore, #tpu.memory_space<semaphore_mem>>)
        %dma_wait3A = arith.constant 0 : i32
        %dma_wait3A_54 = tpu.memref_slice %arg5[%add3A, %mul3A_33, %dma_wait3A] : memref<32x80x128xf32, #tpu.memory_space<hbm>> -> memref<1x16x128xf32, #tpu.memory_space<hbm>>
        %dma_wait3A_55 = tpu.memref_squeeze %dma_wait3A_54 : memref<1x16x128xf32, #tpu.memory_space<hbm>> -> memref<16x128xf32, #tpu.memory_space<hbm>>
        %dma_wait3A_56 = arith.constant 0 : i32
        %dma_wait3A_57 = tpu.memref_slice %arg5[%add3A, %mul3A_33, %dma_wait3A_56] : memref<32x80x128xf32, #tpu.memory_space<hbm>> -> memref<1x16x128xf32, #tpu.memory_space<hbm>>
        %dma_wait3A_58 = tpu.memref_squeeze %dma_wait3A_57 : memref<1x16x128xf32, #tpu.memory_space<hbm>> -> memref<16x128xf32, #tpu.memory_space<hbm>>
        tpu.wait_dma2 semaphore(%run_scoped3A : memref<!tpu.dma_semaphore, #tpu.memory_space<semaphore_mem>>) src(%dma_wait3A_58 : memref<16x128xf32, #tpu.memory_space<hbm>>) dst(%arg9 : memref<16x128xf32, #tpu.memory_space<vmem>>)
        tpu.yield
      }) : () -> ()
      %dma_start3A = arith.constant 0 : i32
      %dma_start3A_34 = arith.constant 0 : i32
      %dma_start3A_35 = tpu.memref_slice %arg7[%dma_start3A, %dma_start3A_34] : memref<16x128xi32, #tpu.memory_space<vmem>> -> memref<1x128xi32, #tpu.memory_space<vmem>>
      %dma_start3A_36 = tpu.memref_squeeze %dma_start3A_35 : memref<1x128xi32, #tpu.memory_space<vmem>> -> memref<128xi32, #tpu.memory_space<vmem>>
      %dma_start3A_37 = arith.constant 0 : i32
      %dma_start3A_38 = arith.constant 0 : i32
      %dma_start3A_39 = tpu.memref_slice %arg2[%dma_start3A_37, %dma_start3A_38] : memref<80000x64xi32, #tpu.memory_space<hbm>> -> memref<80000x64xi32, #tpu.memory_space<hbm>>
      tpu.enqueue_indirect_dma source(%dma_start3A_39 : memref<80000x64xi32, #tpu.memory_space<hbm>>) target(%arg10 : memref<128x64xi32, #tpu.memory_space<vmem>>) offsets(%dma_start3A_36 : memref<128xi32, #tpu.memory_space<vmem>>) semaphore(%arg15 : memref<!tpu.dma_semaphore, #tpu.memory_space<semaphore_mem>>)
      %scan3A_40 = arith.constant 0 : i32
      %scan3A_41 = arith.constant 0 : i32
      %scan3A_42 = arith.constant 8 : i32
      %scan3A_43 = arith.addi %scan3A_41, %scan3A_42 : i32
      %scan3A_44 = arith.constant 1 : i32
      %scan3A_45 = scf.for %scan3A_48 = %scan3A_41 to %scan3A_43 step %scan3A_44 iter_args(%scan3A_49 = %scan3A_40) -> (i32)  : i32 {
        %mul3A_50 = arith.constant 2 : i32
        %mul3A_51 = arith.muli %mul3A_50, %scan3A_48 : i32
        %mul3A_52 = arith.constant 2 : i32
        %mul3A_53 = arith.muli %mul3A_52, %scan3A_48 : i32
        %add3A_54 = arith.constant 1 : i32
        %add3A_55 = arith.addi %mul3A_53, %add3A_54 : i32
        %dma_start3A_56 = arith.constant 0 : i32
        %dma_start3A_57 = tpu.memref_slice %arg7[%add3A_55, %dma_start3A_56] : memref<16x128xi32, #tpu.memory_space<vmem>> -> memref<1x128xi32, #tpu.memory_space<vmem>>
        %dma_start3A_58 = tpu.memref_squeeze %dma_start3A_57 : memref<1x128xi32, #tpu.memory_space<vmem>> -> memref<128xi32, #tpu.memory_space<vmem>>
        %dma_start3A_59 = arith.constant 0 : i32
        %dma_start3A_60 = arith.constant 0 : i32
        %dma_start3A_61 = tpu.memref_slice %arg2[%dma_start3A_59, %dma_start3A_60] : memref<80000x64xi32, #tpu.memory_space<hbm>> -> memref<80000x64xi32, #tpu.memory_space<hbm>>
        tpu.enqueue_indirect_dma source(%dma_start3A_61 : memref<80000x64xi32, #tpu.memory_space<hbm>>) target(%arg11 : memref<128x64xi32, #tpu.memory_space<vmem>>) offsets(%dma_start3A_58 : memref<128xi32, #tpu.memory_space<vmem>>) semaphore(%arg16 : memref<!tpu.dma_semaphore, #tpu.memory_space<semaphore_mem>>)
        %dma_wait3A = arith.constant 0 : i32
        %dma_wait3A_62 = tpu.memref_slice %arg7[%mul3A_51, %dma_wait3A] : memref<16x128xi32, #tpu.memory_space<vmem>> -> memref<1x128xi32, #tpu.memory_space<vmem>>
        %dma_wait3A_63 = tpu.memref_squeeze %dma_wait3A_62 : memref<1x128xi32, #tpu.memory_space<vmem>> -> memref<128xi32, #tpu.memory_space<vmem>>
        %dma_wait3A_64 = arith.constant 0 : i32
        %dma_wait3A_65 = arith.constant 0 : i32
        %dma_wait3A_66 = tpu.memref_slice %arg2[%dma_wait3A_64, %dma_wait3A_65] : memref<80000x64xi32, #tpu.memory_space<hbm>> -> memref<80000x64xi32, #tpu.memory_space<hbm>>
        tpu.wait_indirect_dma semaphore(%arg15 : memref<!tpu.dma_semaphore, #tpu.memory_space<semaphore_mem>>) src(%dma_wait3A_66 : memref<80000x64xi32, #tpu.memory_space<hbm>>) dst(%arg10 : memref<128x64xi32, #tpu.memory_space<vmem>>)
        %scan3A_67 = arith.constant 0 : i32
        %scan3A_68 = arith.constant 0 : i32
        %scan3A_69 = arith.constant 128 : i32
        %scan3A_70 = arith.addi %scan3A_68, %scan3A_69 : i32
        %scan3A_71 = arith.constant 1 : i32
        %scan3A_72 = scf.for %scan3A_90 = %scan3A_68 to %scan3A_70 step %scan3A_71 iter_args(%scan3A_91 = %scan3A_67) -> (i32)  : i32 {
          %broadcast_in_dim3A = vector.broadcast %mul3A_51 : i32 to vector<16xi32>
          %broadcast_in_dim3A_92 = vector.broadcast %scan3A_90 : i32 to vector<16xi32>
          %gather3A = tpu.vector_load_idx %arg9[%broadcast_in_dim3A, %broadcast_in_dim3A_92] : memref<16x128xf32, #tpu.memory_space<vmem>>[vector<16xi32>, vector<16xi32>], vector<16xf32>,
          %get3A = arith.index_cast %scan3A_90 : i32 to index
          %get3A_93 = arith.constant 0 : index
          %get3A_94 = tpu.vector_load %arg10[%get3A, %get3A_93] {strides = array<i32>} : memref<128x64xi32, #tpu.memory_space<vmem>>, vector<16xi32>,
          %shift_left3A = arith.constant 16 : i32
          %shift_left3A_95 = vector.broadcast %shift_left3A : i32 to vector<16xi32>
          %shift_left3A_96 = arith.shli %get3A_94, %shift_left3A_95 : vector<16xi32>
          %bitcast3A = vector.bitcast %shift_left3A_96 : vector<16xi32> to vector<16xf32>
          %broadcast_in_dim3A_97 = arith.constant -65536 : i32
          %broadcast_in_dim3A_98 = vector.broadcast %broadcast_in_dim3A_97 : i32 to vector<16xi32>
          %and3A = arith.andi %get3A_94, %broadcast_in_dim3A_98 : vector<16xi32>
          %bitcast3A_99 = vector.bitcast %and3A : vector<16xi32> to vector<16xf32>
          %mul3A_100 = arith.mulf %bitcast3A, %gather3A : vector<16xf32>
          %swap3A = arith.index_cast %scan3A_90 : i32 to index
          %swap3A_101 = arith.constant 0 : index
          %swap3A_102 = tpu.vector_load %arg12[%swap3A, %swap3A_101] {strides = array<i32>} : memref<128x128xf32, #tpu.memory_space<vmem>>, vector<16xf32>,
          tpu.vector_store %arg12[%swap3A, %swap3A_101], %mul3A_100 {strides = array<i32>} : memref<128x128xf32, #tpu.memory_space<vmem>>, vector<16xf32>,
          %mul3A_103 = arith.mulf %bitcast3A_99, %gather3A : vector<16xf32>
          %swap3A_104 = arith.index_cast %scan3A_90 : i32 to index
          %swap3A_105 = arith.constant 16 : index
          %swap3A_106 = tpu.vector_load %arg12[%swap3A_104, %swap3A_105] {strides = array<i32>} : memref<128x128xf32, #tpu.memory_space<vmem>>, vector<16xf32>,
          tpu.vector_store %arg12[%swap3A_104, %swap3A_105], %mul3A_103 {strides = array<i32>} : memref<128x128xf32, #tpu.memory_space<vmem>>, vector<16xf32>,
          %get3A_107 = arith.index_cast %scan3A_90 : i32 to index
          %get3A_108 = arith.constant 16 : index
          %get3A_109 = tpu.vector_load %arg10[%get3A_107, %get3A_108] {strides = array<i32>} : memref<128x64xi32, #tpu.memory_space<vmem>>, vector<16xi32>,
          %shift_left3A_110 = arith.constant 16 : i32
          %shift_left3A_111 = vector.broadcast %shift_left3A_110 : i32 to vector<16xi32>
          %shift_left3A_112 = arith.shli %get3A_109, %shift_left3A_111 : vector<16xi32>
          %bitcast3A_113 = vector.bitcast %shift_left3A_112 : vector<16xi32> to vector<16xf32>
          %broadcast_in_dim3A_114 = arith.constant -65536 : i32
          %broadcast_in_dim3A_115 = vector.broadcast %broadcast_in_dim3A_114 : i32 to vector<16xi32>
          %and3A_116 = arith.andi %get3A_109, %broadcast_in_dim3A_115 : vector<16xi32>
          %bitcast3A_117 = vector.bitcast %and3A_116 : vector<16xi32> to vector<16xf32>
          %mul3A_118 = arith.mulf %bitcast3A_113, %gather3A : vector<16xf32>
          %swap3A_119 = arith.index_cast %scan3A_90 : i32 to index
          %swap3A_120 = arith.constant 32 : index
          %swap3A_121 = tpu.vector_load %arg12[%swap3A_119, %swap3A_120] {strides = array<i32>} : memref<128x128xf32, #tpu.memory_space<vmem>>, vector<16xf32>,
          tpu.vector_store %arg12[%swap3A_119, %swap3A_120], %mul3A_118 {strides = array<i32>} : memref<128x128xf32, #tpu.memory_space<vmem>>, vector<16xf32>,
          %mul3A_122 = arith.mulf %bitcast3A_117, %gather3A : vector<16xf32>
          %swap3A_123 = arith.index_cast %scan3A_90 : i32 to index
          %swap3A_124 = arith.constant 48 : index
          %swap3A_125 = tpu.vector_load %arg12[%swap3A_123, %swap3A_124] {strides = array<i32>} : memref<128x128xf32, #tpu.memory_space<vmem>>, vector<16xf32>,
          tpu.vector_store %arg12[%swap3A_123, %swap3A_124], %mul3A_122 {strides = array<i32>} : memref<128x128xf32, #tpu.memory_space<vmem>>, vector<16xf32>,
          %get3A_126 = arith.index_cast %scan3A_90 : i32 to index
          %get3A_127 = arith.constant 32 : index
          %get3A_128 = tpu.vector_load %arg10[%get3A_126, %get3A_127] {strides = array<i32>} : memref<128x64xi32, #tpu.memory_space<vmem>>, vector<16xi32>,
          %shift_left3A_129 = arith.constant 16 : i32
          %shift_left3A_130 = vector.broadcast %shift_left3A_129 : i32 to vector<16xi32>
          %shift_left3A_131 = arith.shli %get3A_128, %shift_left3A_130 : vector<16xi32>
          %bitcast3A_132 = vector.bitcast %shift_left3A_131 : vector<16xi32> to vector<16xf32>
          %broadcast_in_dim3A_133 = arith.constant -65536 : i32
          %broadcast_in_dim3A_134 = vector.broadcast %broadcast_in_dim3A_133 : i32 to vector<16xi32>
          %and3A_135 = arith.andi %get3A_128, %broadcast_in_dim3A_134 : vector<16xi32>
          %bitcast3A_136 = vector.bitcast %and3A_135 : vector<16xi32> to vector<16xf32>
          %mul3A_137 = arith.mulf %bitcast3A_132, %gather3A : vector<16xf32>
          %swap3A_138 = arith.index_cast %scan3A_90 : i32 to index
          %swap3A_139 = arith.constant 64 : index
          %swap3A_140 = tpu.vector_load %arg12[%swap3A_138, %swap3A_139] {strides = array<i32>} : memref<128x128xf32, #tpu.memory_space<vmem>>, vector<16xf32>,
          tpu.vector_store %arg12[%swap3A_138, %swap3A_139], %mul3A_137 {strides = array<i32>} : memref<128x128xf32, #tpu.memory_space<vmem>>, vector<16xf32>,
          %mul3A_141 = arith.mulf %bitcast3A_136, %gather3A : vector<16xf32>
          %swap3A_142 = arith.index_cast %scan3A_90 : i32 to index
          %swap3A_143 = arith.constant 80 : index
          %swap3A_144 = tpu.vector_load %arg12[%swap3A_142, %swap3A_143] {strides = array<i32>} : memref<128x128xf32, #tpu.memory_space<vmem>>, vector<16xf32>,
          tpu.vector_store %arg12[%swap3A_142, %swap3A_143], %mul3A_141 {strides = array<i32>} : memref<128x128xf32, #tpu.memory_space<vmem>>, vector<16xf32>,
          %get3A_145 = arith.index_cast %scan3A_90 : i32 to index
          %get3A_146 = arith.constant 48 : index
          %get3A_147 = tpu.vector_load %arg10[%get3A_145, %get3A_146] {strides = array<i32>} : memref<128x64xi32, #tpu.memory_space<vmem>>, vector<16xi32>,
          %shift_left3A_148 = arith.constant 16 : i32
          %shift_left3A_149 = vector.broadcast %shift_left3A_148 : i32 to vector<16xi32>
          %shift_left3A_150 = arith.shli %get3A_147, %shift_left3A_149 : vector<16xi32>
          %bitcast3A_151 = vector.bitcast %shift_left3A_150 : vector<16xi32> to vector<16xf32>
          %broadcast_in_dim3A_152 = arith.constant -65536 : i32
          %broadcast_in_dim3A_153 = vector.broadcast %broadcast_in_dim3A_152 : i32 to vector<16xi32>
          %and3A_154 = arith.andi %get3A_147, %broadcast_in_dim3A_153 : vector<16xi32>
          %bitcast3A_155 = vector.bitcast %and3A_154 : vector<16xi32> to vector<16xf32>
          %mul3A_156 = arith.mulf %bitcast3A_151, %gather3A : vector<16xf32>
          %swap3A_157 = arith.index_cast %scan3A_90 : i32 to index
          %swap3A_158 = arith.constant 96 : index
          %swap3A_159 = tpu.vector_load %arg12[%swap3A_157, %swap3A_158] {strides = array<i32>} : memref<128x128xf32, #tpu.memory_space<vmem>>, vector<16xf32>,
          tpu.vector_store %arg12[%swap3A_157, %swap3A_158], %mul3A_156 {strides = array<i32>} : memref<128x128xf32, #tpu.memory_space<vmem>>, vector<16xf32>,
          %mul3A_160 = arith.mulf %bitcast3A_155, %gather3A : vector<16xf32>
          %swap3A_161 = arith.index_cast %scan3A_90 : i32 to index
          %swap3A_162 = arith.constant 112 : index
          %swap3A_163 = tpu.vector_load %arg12[%swap3A_161, %swap3A_162] {strides = array<i32>} : memref<128x128xf32, #tpu.memory_space<vmem>>, vector<16xf32>,
          tpu.vector_store %arg12[%swap3A_161, %swap3A_162], %mul3A_160 {strides = array<i32>} : memref<128x128xf32, #tpu.memory_space<vmem>>, vector<16xf32>,
          %scan3A_164 = arith.constant 0 : i32
          scf.yield %scan3A_164 : i32
        }
        %scan3A_73 = arith.constant 128 : i32
        "tpu.region"() ({
          %run_scoped3A = tpu.sem_alloc : memref<!tpu.dma_semaphore, #tpu.memory_space<semaphore_mem>>
          %dma_start3A_90 = arith.constant 0 : i32
          %dma_start3A_91 = tpu.memref_slice %arg8[%mul3A_51, %dma_start3A_90] : memref<16x128xi32, #tpu.memory_space<vmem>> -> memref<1x128xi32, #tpu.memory_space<vmem>>
          %dma_start3A_92 = tpu.memref_squeeze %dma_start3A_91 : memref<1x128xi32, #tpu.memory_space<vmem>> -> memref<128xi32, #tpu.memory_space<vmem>>
          %dma_start3A_93 = arith.constant 0 : i32
          %dma_start3A_94 = arith.constant 0 : i32
          %dma_start3A_95 = tpu.memref_slice %arg14[%dma_start3A_93, %dma_start3A_94] : memref<10240x128xf32, #tpu.memory_space<vmem_shared>> -> memref<10240x128xf32, #tpu.memory_space<vmem_shared>>
          tpu.enqueue_indirect_dma source(%arg12 : memref<128x128xf32, #tpu.memory_space<vmem>>) target(%dma_start3A_95 : memref<10240x128xf32, #tpu.memory_space<vmem_shared>>) offsets(%dma_start3A_92 : memref<128xi32, #tpu.memory_space<vmem>>) semaphore(%run_scoped3A : memref<!tpu.dma_semaphore, #tpu.memory_space<semaphore_mem>>) {add = true}
          %dma_wait3A_96 = arith.constant 0 : i32
          %dma_wait3A_97 = tpu.memref_slice %arg8[%mul3A_51, %dma_wait3A_96] : memref<16x128xi32, #tpu.memory_space<vmem>> -> memref<1x128xi32, #tpu.memory_space<vmem>>
          %dma_wait3A_98 = tpu.memref_squeeze %dma_wait3A_97 : memref<1x128xi32, #tpu.memory_space<vmem>> -> memref<128xi32, #tpu.memory_space<vmem>>
          %dma_wait3A_99 = arith.constant 0 : i32
          %dma_wait3A_100 = arith.constant 0 : i32
          %dma_wait3A_101 = tpu.memref_slice %arg14[%dma_wait3A_99, %dma_wait3A_100] : memref<10240x128xf32, #tpu.memory_space<vmem_shared>> -> memref<10240x128xf32, #tpu.memory_space<vmem_shared>>
          tpu.wait_indirect_dma semaphore(%run_scoped3A : memref<!tpu.dma_semaphore, #tpu.memory_space<semaphore_mem>>) src(%arg12 : memref<128x128xf32, #tpu.memory_space<vmem>>) dst(%dma_wait3A_101 : memref<10240x128xf32, #tpu.memory_space<vmem_shared>>)
          tpu.yield
        }) : () -> ()
        %lt3A = arith.constant 7 : i32
        %lt3A_74 = arith.cmpi slt, %scan3A_48, %lt3A : i32
        %convert_element_type3A = arith.extui %lt3A_74 : i1 to i32
        %cond3A = arith.constant 0 : i32
        %cond3A_75 = arith.cmpi ne, %convert_element_type3A, %cond3A : i32
        scf.if %cond3A_75 {
          %add3A_90 = arith.constant 2 : i32
          %add3A_91 = arith.addi %mul3A_51, %add3A_90 : i32
          %dma_start3A_92 = arith.constant 0 : i32
          %dma_start3A_93 = tpu.memref_slice %arg7[%add3A_91, %dma_start3A_92] : memref<16x128xi32, #tpu.memory_space<vmem>> -> memref<1x128xi32, #tpu.memory_space<vmem>>
          %dma_start3A_94 = tpu.memref_squeeze %dma_start3A_93 : memref<1x128xi32, #tpu.memory_space<vmem>> -> memref<128xi32, #tpu.memory_space<vmem>>
          %dma_start3A_95 = arith.constant 0 : i32
          %dma_start3A_96 = arith.constant 0 : i32
          %dma_start3A_97 = tpu.memref_slice %arg2[%dma_start3A_95, %dma_start3A_96] : memref<80000x64xi32, #tpu.memory_space<hbm>> -> memref<80000x64xi32, #tpu.memory_space<hbm>>
          tpu.enqueue_indirect_dma source(%dma_start3A_97 : memref<80000x64xi32, #tpu.memory_space<hbm>>) target(%arg10 : memref<128x64xi32, #tpu.memory_space<vmem>>) offsets(%dma_start3A_94 : memref<128xi32, #tpu.memory_space<vmem>>) semaphore(%arg15 : memref<!tpu.dma_semaphore, #tpu.memory_space<semaphore_mem>>)
        } else {
        }
        %dma_wait3A_76 = arith.constant 0 : i32
        %dma_wait3A_77 = tpu.memref_slice %arg7[%add3A_55, %dma_wait3A_76] : memref<16x128xi32, #tpu.memory_space<vmem>> -> memref<1x128xi32, #tpu.memory_space<vmem>>
        %dma_wait3A_78 = tpu.memref_squeeze %dma_wait3A_77 : memref<1x128xi32, #tpu.memory_space<vmem>> -> memref<128xi32, #tpu.memory_space<vmem>>
        %dma_wait3A_79 = arith.constant 0 : i32
        %dma_wait3A_80 = arith.constant 0 : i32
        %dma_wait3A_81 = tpu.memref_slice %arg2[%dma_wait3A_79, %dma_wait3A_80] : memref<80000x64xi32, #tpu.memory_space<hbm>> -> memref<80000x64xi32, #tpu.memory_space<hbm>>
        tpu.wait_indirect_dma semaphore(%arg16 : memref<!tpu.dma_semaphore, #tpu.memory_space<semaphore_mem>>) src(%dma_wait3A_81 : memref<80000x64xi32, #tpu.memory_space<hbm>>) dst(%arg11 : memref<128x64xi32, #tpu.memory_space<vmem>>)
        %scan3A_82 = arith.constant 0 : i32
        %scan3A_83 = arith.constant 0 : i32
        %scan3A_84 = arith.constant 128 : i32
        %scan3A_85 = arith.addi %scan3A_83, %scan3A_84 : i32
        %scan3A_86 = arith.constant 1 : i32
        %scan3A_87 = scf.for %scan3A_90 = %scan3A_83 to %scan3A_85 step %scan3A_86 iter_args(%scan3A_91 = %scan3A_82) -> (i32)  : i32 {
          %broadcast_in_dim3A = vector.broadcast %add3A_55 : i32 to vector<16xi32>
          %broadcast_in_dim3A_92 = vector.broadcast %scan3A_90 : i32 to vector<16xi32>
          %gather3A = tpu.vector_load_idx %arg9[%broadcast_in_dim3A, %broadcast_in_dim3A_92] : memref<16x128xf32, #tpu.memory_space<vmem>>[vector<16xi32>, vector<16xi32>], vector<16xf32>,
          %get3A = arith.index_cast %scan3A_90 : i32 to index
          %get3A_93 = arith.constant 0 : index
          %get3A_94 = tpu.vector_load %arg11[%get3A, %get3A_93] {strides = array<i32>} : memref<128x64xi32, #tpu.memory_space<vmem>>, vector<16xi32>,
          %shift_left3A = arith.constant 16 : i32
          %shift_left3A_95 = vector.broadcast %shift_left3A : i32 to vector<16xi32>
          %shift_left3A_96 = arith.shli %get3A_94, %shift_left3A_95 : vector<16xi32>
          %bitcast3A = vector.bitcast %shift_left3A_96 : vector<16xi32> to vector<16xf32>
          %broadcast_in_dim3A_97 = arith.constant -65536 : i32
          %broadcast_in_dim3A_98 = vector.broadcast %broadcast_in_dim3A_97 : i32 to vector<16xi32>
          %and3A = arith.andi %get3A_94, %broadcast_in_dim3A_98 : vector<16xi32>
          %bitcast3A_99 = vector.bitcast %and3A : vector<16xi32> to vector<16xf32>
          %mul3A_100 = arith.mulf %bitcast3A, %gather3A : vector<16xf32>
          %swap3A = arith.index_cast %scan3A_90 : i32 to index
          %swap3A_101 = arith.constant 0 : index
          %swap3A_102 = tpu.vector_load %arg12[%swap3A, %swap3A_101] {strides = array<i32>} : memref<128x128xf32, #tpu.memory_space<vmem>>, vector<16xf32>,
          tpu.vector_store %arg12[%swap3A, %swap3A_101], %mul3A_100 {strides = array<i32>} : memref<128x128xf32, #tpu.memory_space<vmem>>, vector<16xf32>,
          %mul3A_103 = arith.mulf %bitcast3A_99, %gather3A : vector<16xf32>
          %swap3A_104 = arith.index_cast %scan3A_90 : i32 to index
          %swap3A_105 = arith.constant 16 : index
          %swap3A_106 = tpu.vector_load %arg12[%swap3A_104, %swap3A_105] {strides = array<i32>} : memref<128x128xf32, #tpu.memory_space<vmem>>, vector<16xf32>,
          tpu.vector_store %arg12[%swap3A_104, %swap3A_105], %mul3A_103 {strides = array<i32>} : memref<128x128xf32, #tpu.memory_space<vmem>>, vector<16xf32>,
          %get3A_107 = arith.index_cast %scan3A_90 : i32 to index
          %get3A_108 = arith.constant 16 : index
          %get3A_109 = tpu.vector_load %arg11[%get3A_107, %get3A_108] {strides = array<i32>} : memref<128x64xi32, #tpu.memory_space<vmem>>, vector<16xi32>,
          %shift_left3A_110 = arith.constant 16 : i32
          %shift_left3A_111 = vector.broadcast %shift_left3A_110 : i32 to vector<16xi32>
          %shift_left3A_112 = arith.shli %get3A_109, %shift_left3A_111 : vector<16xi32>
          %bitcast3A_113 = vector.bitcast %shift_left3A_112 : vector<16xi32> to vector<16xf32>
          %broadcast_in_dim3A_114 = arith.constant -65536 : i32
          %broadcast_in_dim3A_115 = vector.broadcast %broadcast_in_dim3A_114 : i32 to vector<16xi32>
          %and3A_116 = arith.andi %get3A_109, %broadcast_in_dim3A_115 : vector<16xi32>
          %bitcast3A_117 = vector.bitcast %and3A_116 : vector<16xi32> to vector<16xf32>
          %mul3A_118 = arith.mulf %bitcast3A_113, %gather3A : vector<16xf32>
          %swap3A_119 = arith.index_cast %scan3A_90 : i32 to index
          %swap3A_120 = arith.constant 32 : index
          %swap3A_121 = tpu.vector_load %arg12[%swap3A_119, %swap3A_120] {strides = array<i32>} : memref<128x128xf32, #tpu.memory_space<vmem>>, vector<16xf32>,
          tpu.vector_store %arg12[%swap3A_119, %swap3A_120], %mul3A_118 {strides = array<i32>} : memref<128x128xf32, #tpu.memory_space<vmem>>, vector<16xf32>,
          %mul3A_122 = arith.mulf %bitcast3A_117, %gather3A : vector<16xf32>
          %swap3A_123 = arith.index_cast %scan3A_90 : i32 to index
          %swap3A_124 = arith.constant 48 : index
          %swap3A_125 = tpu.vector_load %arg12[%swap3A_123, %swap3A_124] {strides = array<i32>} : memref<128x128xf32, #tpu.memory_space<vmem>>, vector<16xf32>,
          tpu.vector_store %arg12[%swap3A_123, %swap3A_124], %mul3A_122 {strides = array<i32>} : memref<128x128xf32, #tpu.memory_space<vmem>>, vector<16xf32>,
          %get3A_126 = arith.index_cast %scan3A_90 : i32 to index
          %get3A_127 = arith.constant 32 : index
          %get3A_128 = tpu.vector_load %arg11[%get3A_126, %get3A_127] {strides = array<i32>} : memref<128x64xi32, #tpu.memory_space<vmem>>, vector<16xi32>,
          %shift_left3A_129 = arith.constant 16 : i32
          %shift_left3A_130 = vector.broadcast %shift_left3A_129 : i32 to vector<16xi32>
          %shift_left3A_131 = arith.shli %get3A_128, %shift_left3A_130 : vector<16xi32>
          %bitcast3A_132 = vector.bitcast %shift_left3A_131 : vector<16xi32> to vector<16xf32>
          %broadcast_in_dim3A_133 = arith.constant -65536 : i32
          %broadcast_in_dim3A_134 = vector.broadcast %broadcast_in_dim3A_133 : i32 to vector<16xi32>
          %and3A_135 = arith.andi %get3A_128, %broadcast_in_dim3A_134 : vector<16xi32>
          %bitcast3A_136 = vector.bitcast %and3A_135 : vector<16xi32> to vector<16xf32>
          %mul3A_137 = arith.mulf %bitcast3A_132, %gather3A : vector<16xf32>
          %swap3A_138 = arith.index_cast %scan3A_90 : i32 to index
          %swap3A_139 = arith.constant 64 : index
          %swap3A_140 = tpu.vector_load %arg12[%swap3A_138, %swap3A_139] {strides = array<i32>} : memref<128x128xf32, #tpu.memory_space<vmem>>, vector<16xf32>,
          tpu.vector_store %arg12[%swap3A_138, %swap3A_139], %mul3A_137 {strides = array<i32>} : memref<128x128xf32, #tpu.memory_space<vmem>>, vector<16xf32>,
          %mul3A_141 = arith.mulf %bitcast3A_136, %gather3A : vector<16xf32>
          %swap3A_142 = arith.index_cast %scan3A_90 : i32 to index
          %swap3A_143 = arith.constant 80 : index
          %swap3A_144 = tpu.vector_load %arg12[%swap3A_142, %swap3A_143] {strides = array<i32>} : memref<128x128xf32, #tpu.memory_space<vmem>>, vector<16xf32>,
          tpu.vector_store %arg12[%swap3A_142, %swap3A_143], %mul3A_141 {strides = array<i32>} : memref<128x128xf32, #tpu.memory_space<vmem>>, vector<16xf32>,
          %get3A_145 = arith.index_cast %scan3A_90 : i32 to index
          %get3A_146 = arith.constant 48 : index
          %get3A_147 = tpu.vector_load %arg11[%get3A_145, %get3A_146] {strides = array<i32>} : memref<128x64xi32, #tpu.memory_space<vmem>>, vector<16xi32>,
          %shift_left3A_148 = arith.constant 16 : i32
          %shift_left3A_149 = vector.broadcast %shift_left3A_148 : i32 to vector<16xi32>
          %shift_left3A_150 = arith.shli %get3A_147, %shift_left3A_149 : vector<16xi32>
          %bitcast3A_151 = vector.bitcast %shift_left3A_150 : vector<16xi32> to vector<16xf32>
          %broadcast_in_dim3A_152 = arith.constant -65536 : i32
          %broadcast_in_dim3A_153 = vector.broadcast %broadcast_in_dim3A_152 : i32 to vector<16xi32>
          %and3A_154 = arith.andi %get3A_147, %broadcast_in_dim3A_153 : vector<16xi32>
          %bitcast3A_155 = vector.bitcast %and3A_154 : vector<16xi32> to vector<16xf32>
          %mul3A_156 = arith.mulf %bitcast3A_151, %gather3A : vector<16xf32>
          %swap3A_157 = arith.index_cast %scan3A_90 : i32 to index
          %swap3A_158 = arith.constant 96 : index
          %swap3A_159 = tpu.vector_load %arg12[%swap3A_157, %swap3A_158] {strides = array<i32>} : memref<128x128xf32, #tpu.memory_space<vmem>>, vector<16xf32>,
          tpu.vector_store %arg12[%swap3A_157, %swap3A_158], %mul3A_156 {strides = array<i32>} : memref<128x128xf32, #tpu.memory_space<vmem>>, vector<16xf32>,
          %mul3A_160 = arith.mulf %bitcast3A_155, %gather3A : vector<16xf32>
          %swap3A_161 = arith.index_cast %scan3A_90 : i32 to index
          %swap3A_162 = arith.constant 112 : index
          %swap3A_163 = tpu.vector_load %arg12[%swap3A_161, %swap3A_162] {strides = array<i32>} : memref<128x128xf32, #tpu.memory_space<vmem>>, vector<16xf32>,
          tpu.vector_store %arg12[%swap3A_161, %swap3A_162], %mul3A_160 {strides = array<i32>} : memref<128x128xf32, #tpu.memory_space<vmem>>, vector<16xf32>,
          %scan3A_164 = arith.constant 0 : i32
          scf.yield %scan3A_164 : i32
        }
        %scan3A_88 = arith.constant 128 : i32
        "tpu.region"() ({
          %run_scoped3A = tpu.sem_alloc : memref<!tpu.dma_semaphore, #tpu.memory_space<semaphore_mem>>
          %dma_start3A_90 = arith.constant 0 : i32
          %dma_start3A_91 = tpu.memref_slice %arg8[%add3A_55, %dma_start3A_90] : memref<16x128xi32, #tpu.memory_space<vmem>> -> memref<1x128xi32, #tpu.memory_space<vmem>>
          %dma_start3A_92 = tpu.memref_squeeze %dma_start3A_91 : memref<1x128xi32, #tpu.memory_space<vmem>> -> memref<128xi32, #tpu.memory_space<vmem>>
          %dma_start3A_93 = arith.constant 0 : i32
          %dma_start3A_94 = arith.constant 0 : i32
          %dma_start3A_95 = tpu.memref_slice %arg14[%dma_start3A_93, %dma_start3A_94] : memref<10240x128xf32, #tpu.memory_space<vmem_shared>> -> memref<10240x128xf32, #tpu.memory_space<vmem_shared>>
          tpu.enqueue_indirect_dma source(%arg12 : memref<128x128xf32, #tpu.memory_space<vmem>>) target(%dma_start3A_95 : memref<10240x128xf32, #tpu.memory_space<vmem_shared>>) offsets(%dma_start3A_92 : memref<128xi32, #tpu.memory_space<vmem>>) semaphore(%run_scoped3A : memref<!tpu.dma_semaphore, #tpu.memory_space<semaphore_mem>>) {add = true}
          %dma_wait3A_96 = arith.constant 0 : i32
          %dma_wait3A_97 = tpu.memref_slice %arg8[%add3A_55, %dma_wait3A_96] : memref<16x128xi32, #tpu.memory_space<vmem>> -> memref<1x128xi32, #tpu.memory_space<vmem>>
          %dma_wait3A_98 = tpu.memref_squeeze %dma_wait3A_97 : memref<1x128xi32, #tpu.memory_space<vmem>> -> memref<128xi32, #tpu.memory_space<vmem>>
          %dma_wait3A_99 = arith.constant 0 : i32
          %dma_wait3A_100 = arith.constant 0 : i32
          %dma_wait3A_101 = tpu.memref_slice %arg14[%dma_wait3A_99, %dma_wait3A_100] : memref<10240x128xf32, #tpu.memory_space<vmem_shared>> -> memref<10240x128xf32, #tpu.memory_space<vmem_shared>>
          tpu.wait_indirect_dma semaphore(%run_scoped3A : memref<!tpu.dma_semaphore, #tpu.memory_space<semaphore_mem>>) src(%arg12 : memref<128x128xf32, #tpu.memory_space<vmem>>) dst(%dma_wait3A_101 : memref<10240x128xf32, #tpu.memory_space<vmem_shared>>)
          tpu.yield
        }) : () -> ()
        %scan3A_89 = arith.constant 0 : i32
        scf.yield %scan3A_89 : i32
      }
      %scan3A_46 = arith.constant 8 : i32
      %scan3A_47 = arith.constant 0 : i32
      scf.yield %scan3A_47 : i32
    }
    %scan3A_20 = arith.constant 5 : i32
    %barrier3A_21 = arith.constant 0 : index
    tpu.barrier barrier_id(%barrier3A_21)
    %mul3A_22 = arith.constant 640 : i32
    %mul3A_23 = arith.muli %arg1, %mul3A_22 : i32
    %mul3A_24 = arith.constant 640 : i32
    %mul3A_25 = arith.muli %arg1, %mul3A_24 : i32
    "tpu.region"() ({
      %run_scoped3A = tpu.sem_alloc : memref<!tpu.dma_semaphore, #tpu.memory_space<semaphore_mem>>
      %dma_start3A = arith.constant 0 : i32
      %dma_start3A_26 = tpu.memref_slice %arg6[%arg0, %mul3A_25, %dma_start3A] : memref<2x10240x128xf32, #tpu.memory_space<hbm>> -> memref<1x640x128xf32, #tpu.memory_space<hbm>>
      %dma_start3A_27 = tpu.memref_squeeze %dma_start3A_26 : memref<1x640x128xf32, #tpu.memory_space<hbm>> -> memref<640x128xf32, #tpu.memory_space<hbm>>
      %dma_start3A_28 = arith.constant 0 : i32
      %dma_start3A_29 = tpu.memref_slice %arg14[%mul3A_23, %dma_start3A_28] : memref<10240x128xf32, #tpu.memory_space<vmem_shared>> -> memref<640x128xf32, #tpu.memory_space<vmem_shared>>
      tpu.enqueue_dma source(%dma_start3A_29 : memref<640x128xf32, #tpu.memory_space<vmem_shared>>) target(%dma_start3A_27 : memref<640x128xf32, #tpu.memory_space<hbm>>) target_semaphore(%run_scoped3A : memref<!tpu.dma_semaphore, #tpu.memory_space<semaphore_mem>>)
      %dma_wait3A = arith.constant 0 : i32
      %dma_wait3A_30 = tpu.memref_slice %arg6[%arg0, %mul3A_25, %dma_wait3A] : memref<2x10240x128xf32, #tpu.memory_space<hbm>> -> memref<1x640x128xf32, #tpu.memory_space<hbm>>
      %dma_wait3A_31 = tpu.memref_squeeze %dma_wait3A_30 : memref<1x640x128xf32, #tpu.memory_space<hbm>> -> memref<640x128xf32, #tpu.memory_space<hbm>>
      %dma_wait3A_32 = arith.constant 0 : i32
      %dma_wait3A_33 = tpu.memref_slice %arg14[%mul3A_23, %dma_wait3A_32] : memref<10240x128xf32, #tpu.memory_space<vmem_shared>> -> memref<640x128xf32, #tpu.memory_space<vmem_shared>>
      tpu.wait_dma2 semaphore(%run_scoped3A : memref<!tpu.dma_semaphore, #tpu.memory_space<semaphore_mem>>) src(%dma_wait3A_33 : memref<640x128xf32, #tpu.memory_space<vmem_shared>>) dst(%dma_wait3A_31 : memref<640x128xf32, #tpu.memory_space<hbm>>)
      tpu.yield
    }) : () -> ()
    return
  }
}

#map = affine_map<(d0, d1) -> (0, 0, 0)>
module attributes {stable_mosaic.version = 14 : i64} {
  func.func @_sc_prep(%arg0: i32, %arg1: i32, %arg2: memref<32x80x128xi32, #tpu.memory_space<hbm>>, %arg3: memref<32x80x128xf32, #tpu.memory_space<hbm>>, %arg4: memref<80x128xi32, #tpu.memory_space<vmem>>, %arg5: memref<80x128xf32, #tpu.memory_space<vmem>>, %arg6: memref<5008xf32, #tpu.memory_space<vmem>>, %arg7: memref<128xf32, #tpu.memory_space<vmem>>, %arg8: memref<80128xf32, #tpu.memory_space<vmem_shared>>) attributes {dimension_semantics = [#tpu.dimension_semantics<core_parallel>, #tpu.dimension_semantics<subcore_parallel>], iteration_bounds = array<i64: 2, 16>, scalar_prefetch = 0 : i64, scratch_operands = 5 : i64, tpu.core_type = #tpu.core_type<sc_vector_subcore>, window_params = [{transform_indices = #map}, {transform_indices = #map}]} {
    %mul3A = arith.constant 16 : i32
    %mul3A_0 = arith.muli %arg0, %mul3A : i32
    %add3A = arith.addi %mul3A_0, %arg1 : i32
    %scan3A = arith.constant 0 : i32
    %scan3A_1 = arith.constant 0 : i32
    %scan3A_2 = arith.constant 313 : i32
    %scan3A_3 = arith.addi %scan3A_1, %scan3A_2 : i32
    %scan3A_4 = arith.constant 1 : i32
    %scan3A_5 = scf.for %scan3A_43 = %scan3A_1 to %scan3A_3 step %scan3A_4 iter_args(%scan3A_44 = %scan3A) -> (i32)  : i32 {
      %broadcast_in_dim3A = arith.constant 0.000000e+00 : f32
      %broadcast_in_dim3A_45 = vector.broadcast %broadcast_in_dim3A : f32 to vector<16xf32>
      %mul3A_46 = arith.constant 16 : i32
      %mul3A_47 = arith.muli %scan3A_43, %mul3A_46 : i32
      %swap3A = arith.index_cast %mul3A_47 : i32 to index
      %swap3A_48 = tpu.vector_load %arg6[%swap3A] {strides = array<i32>} : memref<5008xf32, #tpu.memory_space<vmem>>, vector<16xf32>,
      tpu.vector_store %arg6[%swap3A], %broadcast_in_dim3A_45 {strides = array<i32>} : memref<5008xf32, #tpu.memory_space<vmem>>, vector<16xf32>,
      %scan3A_49 = arith.constant 0 : i32
      scf.yield %scan3A_49 : i32
    }
    %scan3A_6 = arith.constant 313 : i32
    %scan3A_7 = arith.constant 0 : i32
    %scan3A_8 = arith.constant 0 : i32
    %scan3A_9 = arith.constant 8 : i32
    %scan3A_10 = arith.addi %scan3A_8, %scan3A_9 : i32
    %scan3A_11 = arith.constant 1 : i32
    %scan3A_12 = scf.for %scan3A_43 = %scan3A_8 to %scan3A_10 step %scan3A_11 iter_args(%scan3A_44 = %scan3A_7) -> (i32)  : i32 {
      %broadcast_in_dim3A = arith.constant 1.000000e+00 : f32
      %broadcast_in_dim3A_45 = vector.broadcast %broadcast_in_dim3A : f32 to vector<16xf32>
      %mul3A_46 = arith.constant 16 : i32
      %mul3A_47 = arith.muli %scan3A_43, %mul3A_46 : i32
      %swap3A = arith.index_cast %mul3A_47 : i32 to index
      %swap3A_48 = tpu.vector_load %arg7[%swap3A] {strides = array<i32>} : memref<128xf32, #tpu.memory_space<vmem>>, vector<16xf32>,
      tpu.vector_store %arg7[%swap3A], %broadcast_in_dim3A_45 {strides = array<i32>} : memref<128xf32, #tpu.memory_space<vmem>>, vector<16xf32>,
      %scan3A_49 = arith.constant 0 : i32
      scf.yield %scan3A_49 : i32
    }
    %scan3A_13 = arith.constant 8 : i32
    %mul3A_14 = arith.constant 5008 : i32
    %mul3A_15 = arith.muli %arg1, %mul3A_14 : i32
    "tpu.region"() ({
      %run_scoped3A = tpu.sem_alloc : memref<!tpu.dma_semaphore, #tpu.memory_space<semaphore_mem>>
      %dma_start3A = tpu.memref_slice %arg8[%mul3A_15] : memref<80128xf32, #tpu.memory_space<vmem_shared>> -> memref<5008xf32, #tpu.memory_space<vmem_shared>>
      %dma_start3A_43 = tpu.memref_slice %arg8[%mul3A_15] : memref<80128xf32, #tpu.memory_space<vmem_shared>> -> memref<5008xf32, #tpu.memory_space<vmem_shared>>
      tpu.enqueue_dma source(%arg6 : memref<5008xf32, #tpu.memory_space<vmem>>) target(%dma_start3A_43 : memref<5008xf32, #tpu.memory_space<vmem_shared>>) target_semaphore(%run_scoped3A : memref<!tpu.dma_semaphore, #tpu.memory_space<semaphore_mem>>)
      %dma_wait3A = tpu.memref_slice %arg8[%mul3A_15] : memref<80128xf32, #tpu.memory_space<vmem_shared>> -> memref<5008xf32, #tpu.memory_space<vmem_shared>>
      %dma_wait3A_44 = tpu.memref_slice %arg8[%mul3A_15] : memref<80128xf32, #tpu.memory_space<vmem_shared>> -> memref<5008xf32, #tpu.memory_space<vmem_shared>>
      tpu.wait_dma2 semaphore(%run_scoped3A : memref<!tpu.dma_semaphore, #tpu.memory_space<semaphore_mem>>) src(%arg6 : memref<5008xf32, #tpu.memory_space<vmem>>) dst(%dma_wait3A_44 : memref<5008xf32, #tpu.memory_space<vmem_shared>>)
      tpu.yield
    }) : () -> ()
    %barrier3A = arith.constant 0 : index
    tpu.barrier barrier_id(%barrier3A)
    %scan3A_16 = arith.constant 0 : i32
    %scan3A_17 = arith.constant 0 : i32
    %scan3A_18 = arith.constant 2 : i32
    %scan3A_19 = arith.addi %scan3A_17, %scan3A_18 : i32
    %scan3A_20 = arith.constant 1 : i32
    %scan3A_21 = scf.for %scan3A_43 = %scan3A_17 to %scan3A_19 step %scan3A_20 iter_args(%scan3A_44 = %scan3A_16) -> (i32)  : i32 {
      %mul3A_45 = arith.constant 2 : i32
      %mul3A_46 = arith.muli %mul3A_45, %arg1 : i32
      %add3A_47 = arith.addi %mul3A_46, %scan3A_43 : i32
      "tpu.region"() ({
        %run_scoped3A = tpu.sem_alloc : memref<!tpu.dma_semaphore, #tpu.memory_space<semaphore_mem>>
        %dma_start3A = arith.constant 0 : i32
        %dma_start3A_56 = arith.constant 0 : i32
        %dma_start3A_57 = tpu.memref_slice %arg2[%add3A_47, %dma_start3A, %dma_start3A_56] : memref<32x80x128xi32, #tpu.memory_space<hbm>> -> memref<1x80x128xi32, #tpu.memory_space<hbm>>
        %dma_start3A_58 = tpu.memref_squeeze %dma_start3A_57 : memref<1x80x128xi32, #tpu.memory_space<hbm>> -> memref<80x128xi32, #tpu.memory_space<hbm>>
        %dma_start3A_59 = arith.constant 0 : i32
        %dma_start3A_60 = arith.constant 0 : i32
        %dma_start3A_61 = tpu.memref_slice %arg2[%add3A_47, %dma_start3A_59, %dma_start3A_60] : memref<32x80x128xi32, #tpu.memory_space<hbm>> -> memref<1x80x128xi32, #tpu.memory_space<hbm>>
        %dma_start3A_62 = tpu.memref_squeeze %dma_start3A_61 : memref<1x80x128xi32, #tpu.memory_space<hbm>> -> memref<80x128xi32, #tpu.memory_space<hbm>>
        tpu.enqueue_dma source(%dma_start3A_62 : memref<80x128xi32, #tpu.memory_space<hbm>>) target(%arg4 : memref<80x128xi32, #tpu.memory_space<vmem>>) target_semaphore(%run_scoped3A : memref<!tpu.dma_semaphore, #tpu.memory_space<semaphore_mem>>)
        %dma_wait3A = arith.constant 0 : i32
        %dma_wait3A_63 = arith.constant 0 : i32
        %dma_wait3A_64 = tpu.memref_slice %arg2[%add3A_47, %dma_wait3A, %dma_wait3A_63] : memref<32x80x128xi32, #tpu.memory_space<hbm>> -> memref<1x80x128xi32, #tpu.memory_space<hbm>>
        %dma_wait3A_65 = tpu.memref_squeeze %dma_wait3A_64 : memref<1x80x128xi32, #tpu.memory_space<hbm>> -> memref<80x128xi32, #tpu.memory_space<hbm>>
        %dma_wait3A_66 = arith.constant 0 : i32
        %dma_wait3A_67 = arith.constant 0 : i32
        %dma_wait3A_68 = tpu.memref_slice %arg2[%add3A_47, %dma_wait3A_66, %dma_wait3A_67] : memref<32x80x128xi32, #tpu.memory_space<hbm>> -> memref<1x80x128xi32, #tpu.memory_space<hbm>>
        %dma_wait3A_69 = tpu.memref_squeeze %dma_wait3A_68 : memref<1x80x128xi32, #tpu.memory_space<hbm>> -> memref<80x128xi32, #tpu.memory_space<hbm>>
        tpu.wait_dma2 semaphore(%run_scoped3A : memref<!tpu.dma_semaphore, #tpu.memory_space<semaphore_mem>>) src(%dma_wait3A_69 : memref<80x128xi32, #tpu.memory_space<hbm>>) dst(%arg4 : memref<80x128xi32, #tpu.memory_space<vmem>>)
        tpu.yield
      }) : () -> ()
      %scan3A_48 = arith.constant 0 : i32
      %scan3A_49 = arith.constant 0 : i32
      %scan3A_50 = arith.constant 80 : i32
      %scan3A_51 = arith.addi %scan3A_49, %scan3A_50 : i32
      %scan3A_52 = arith.constant 1 : i32
      %scan3A_53 = scf.for %scan3A_56 = %scan3A_49 to %scan3A_51 step %scan3A_52 iter_args(%scan3A_57 = %scan3A_48) -> (i32)  : i32 {
        "tpu.region"() ({
          %run_scoped3A = tpu.sem_alloc : memref<!tpu.dma_semaphore, #tpu.memory_space<semaphore_mem>>
          %dma_start3A = arith.constant 0 : i32
          %dma_start3A_59 = tpu.memref_slice %arg4[%scan3A_56, %dma_start3A] : memref<80x128xi32, #tpu.memory_space<vmem>> -> memref<1x128xi32, #tpu.memory_space<vmem>>
          %dma_start3A_60 = tpu.memref_squeeze %dma_start3A_59 : memref<1x128xi32, #tpu.memory_space<vmem>> -> memref<128xi32, #tpu.memory_space<vmem>>
          %dma_start3A_61 = arith.constant 0 : i32
          %dma_start3A_62 = tpu.memref_slice %arg8[%dma_start3A_61] : memref<80128xf32, #tpu.memory_space<vmem_shared>> -> memref<80128xf32, #tpu.memory_space<vmem_shared>>
          tpu.enqueue_indirect_dma source(%arg7 : memref<128xf32, #tpu.memory_space<vmem>>) target(%dma_start3A_62 : memref<80128xf32, #tpu.memory_space<vmem_shared>>) offsets(%dma_start3A_60 : memref<128xi32, #tpu.memory_space<vmem>>) semaphore(%run_scoped3A : memref<!tpu.dma_semaphore, #tpu.memory_space<semaphore_mem>>) {add = true}
          %dma_wait3A = arith.constant 0 : i32
          %dma_wait3A_63 = tpu.memref_slice %arg4[%scan3A_56, %dma_wait3A] : memref<80x128xi32, #tpu.memory_space<vmem>> -> memref<1x128xi32, #tpu.memory_space<vmem>>
          %dma_wait3A_64 = tpu.memref_squeeze %dma_wait3A_63 : memref<1x128xi32, #tpu.memory_space<vmem>> -> memref<128xi32, #tpu.memory_space<vmem>>
          %dma_wait3A_65 = arith.constant 0 : i32
          %dma_wait3A_66 = tpu.memref_slice %arg8[%dma_wait3A_65] : memref<80128xf32, #tpu.memory_space<vmem_shared>> -> memref<80128xf32, #tpu.memory_space<vmem_shared>>
          tpu.wait_indirect_dma semaphore(%run_scoped3A : memref<!tpu.dma_semaphore, #tpu.memory_space<semaphore_mem>>) src(%arg7 : memref<128xf32, #tpu.memory_space<vmem>>) dst(%dma_wait3A_66 : memref<80128xf32, #tpu.memory_space<vmem_shared>>)
          tpu.yield
        }) : () -> ()
        %scan3A_58 = arith.constant 0 : i32
        scf.yield %scan3A_58 : i32
      }
      %scan3A_54 = arith.constant 80 : i32
      %scan3A_55 = arith.constant 0 : i32
      scf.yield %scan3A_55 : i32
    }
    %scan3A_22 = arith.constant 2 : i32
    %barrier3A_23 = arith.constant 0 : index
    tpu.barrier barrier_id(%barrier3A_23)
    %mul3A_24 = arith.constant 5008 : i32
    %mul3A_25 = arith.muli %arg1, %mul3A_24 : i32
    "tpu.region"() ({
      %run_scoped3A = tpu.sem_alloc : memref<!tpu.dma_semaphore, #tpu.memory_space<semaphore_mem>>
      %dma_start3A = tpu.memref_slice %arg8[%mul3A_25] : memref<80128xf32, #tpu.memory_space<vmem_shared>> -> memref<5008xf32, #tpu.memory_space<vmem_shared>>
      %dma_start3A_43 = tpu.memref_slice %arg8[%mul3A_25] : memref<80128xf32, #tpu.memory_space<vmem_shared>> -> memref<5008xf32, #tpu.memory_space<vmem_shared>>
      tpu.enqueue_dma source(%dma_start3A_43 : memref<5008xf32, #tpu.memory_space<vmem_shared>>) target(%arg6 : memref<5008xf32, #tpu.memory_space<vmem>>) target_semaphore(%run_scoped3A : memref<!tpu.dma_semaphore, #tpu.memory_space<semaphore_mem>>)
      %dma_wait3A = tpu.memref_slice %arg8[%mul3A_25] : memref<80128xf32, #tpu.memory_space<vmem_shared>> -> memref<5008xf32, #tpu.memory_space<vmem_shared>>
      %dma_wait3A_44 = tpu.memref_slice %arg8[%mul3A_25] : memref<80128xf32, #tpu.memory_space<vmem_shared>> -> memref<5008xf32, #tpu.memory_space<vmem_shared>>
      tpu.wait_dma2 semaphore(%run_scoped3A : memref<!tpu.dma_semaphore, #tpu.memory_space<semaphore_mem>>) src(%dma_wait3A_44 : memref<5008xf32, #tpu.memory_space<vmem_shared>>) dst(%arg6 : memref<5008xf32, #tpu.memory_space<vmem>>)
      tpu.yield
    }) : () -> ()
    %scan3A_26 = arith.constant 0 : i32
    %scan3A_27 = arith.constant 0 : i32
    %scan3A_28 = arith.constant 313 : i32
    %scan3A_29 = arith.addi %scan3A_27, %scan3A_28 : i32
    %scan3A_30 = arith.constant 1 : i32
    %scan3A_31 = scf.for %scan3A_43 = %scan3A_27 to %scan3A_29 step %scan3A_30 iter_args(%scan3A_44 = %scan3A_26) -> (i32)  : i32 {
      %mul3A_45 = arith.constant 16 : i32
      %mul3A_46 = arith.muli %scan3A_43, %mul3A_45 : i32
      %get3A = arith.index_cast %mul3A_46 : i32 to index
      %get3A_47 = tpu.vector_load %arg6[%get3A] {strides = array<i32>} : memref<5008xf32, #tpu.memory_space<vmem>>, vector<16xf32>,
      %max3A = arith.constant 1.000000e+00 : f32
      %max3A_48 = vector.broadcast %max3A : f32 to vector<16xf32>
      %max3A_49 = arith.maximumf %get3A_47, %max3A_48 : vector<16xf32>
      %div3A = arith.constant 1.000000e+00 : f32
      %div3A_50 = vector.broadcast %div3A : f32 to vector<16xf32>
      %div3A_51 = arith.divf %div3A_50, %max3A_49 : vector<16xf32>
      %mul3A_52 = arith.constant 16 : i32
      %mul3A_53 = arith.muli %scan3A_43, %mul3A_52 : i32
      %swap3A = arith.index_cast %mul3A_53 : i32 to index
      %swap3A_54 = tpu.vector_load %arg6[%swap3A] {strides = array<i32>} : memref<5008xf32, #tpu.memory_space<vmem>>, vector<16xf32>,
      tpu.vector_store %arg6[%swap3A], %div3A_51 {strides = array<i32>} : memref<5008xf32, #tpu.memory_space<vmem>>, vector<16xf32>,
      %scan3A_55 = arith.constant 0 : i32
      scf.yield %scan3A_55 : i32
    }
    %scan3A_32 = arith.constant 313 : i32
    %mul3A_33 = arith.constant 5008 : i32
    %mul3A_34 = arith.muli %arg1, %mul3A_33 : i32
    "tpu.region"() ({
      %run_scoped3A = tpu.sem_alloc : memref<!tpu.dma_semaphore, #tpu.memory_space<semaphore_mem>>
      %dma_start3A = tpu.memref_slice %arg8[%mul3A_34] : memref<80128xf32, #tpu.memory_space<vmem_shared>> -> memref<5008xf32, #tpu.memory_space<vmem_shared>>
      %dma_start3A_43 = tpu.memref_slice %arg8[%mul3A_34] : memref<80128xf32, #tpu.memory_space<vmem_shared>> -> memref<5008xf32, #tpu.memory_space<vmem_shared>>
      tpu.enqueue_dma source(%arg6 : memref<5008xf32, #tpu.memory_space<vmem>>) target(%dma_start3A_43 : memref<5008xf32, #tpu.memory_space<vmem_shared>>) target_semaphore(%run_scoped3A : memref<!tpu.dma_semaphore, #tpu.memory_space<semaphore_mem>>)
      %dma_wait3A = tpu.memref_slice %arg8[%mul3A_34] : memref<80128xf32, #tpu.memory_space<vmem_shared>> -> memref<5008xf32, #tpu.memory_space<vmem_shared>>
      %dma_wait3A_44 = tpu.memref_slice %arg8[%mul3A_34] : memref<80128xf32, #tpu.memory_space<vmem_shared>> -> memref<5008xf32, #tpu.memory_space<vmem_shared>>
      tpu.wait_dma2 semaphore(%run_scoped3A : memref<!tpu.dma_semaphore, #tpu.memory_space<semaphore_mem>>) src(%arg6 : memref<5008xf32, #tpu.memory_space<vmem>>) dst(%dma_wait3A_44 : memref<5008xf32, #tpu.memory_space<vmem_shared>>)
      tpu.yield
    }) : () -> ()
    %barrier3A_35 = arith.constant 0 : index
    tpu.barrier barrier_id(%barrier3A_35)
    "tpu.region"() ({
      %run_scoped3A = tpu.sem_alloc : memref<!tpu.dma_semaphore, #tpu.memory_space<semaphore_mem>>
      %dma_start3A = arith.constant 0 : i32
      %dma_start3A_43 = arith.constant 0 : i32
      %dma_start3A_44 = tpu.memref_slice %arg2[%add3A, %dma_start3A, %dma_start3A_43] : memref<32x80x128xi32, #tpu.memory_space<hbm>> -> memref<1x80x128xi32, #tpu.memory_space<hbm>>
      %dma_start3A_45 = tpu.memref_squeeze %dma_start3A_44 : memref<1x80x128xi32, #tpu.memory_space<hbm>> -> memref<80x128xi32, #tpu.memory_space<hbm>>
      %dma_start3A_46 = arith.constant 0 : i32
      %dma_start3A_47 = arith.constant 0 : i32
      %dma_start3A_48 = tpu.memref_slice %arg2[%add3A, %dma_start3A_46, %dma_start3A_47] : memref<32x80x128xi32, #tpu.memory_space<hbm>> -> memref<1x80x128xi32, #tpu.memory_space<hbm>>
      %dma_start3A_49 = tpu.memref_squeeze %dma_start3A_48 : memref<1x80x128xi32, #tpu.memory_space<hbm>> -> memref<80x128xi32, #tpu.memory_space<hbm>>
      tpu.enqueue_dma source(%dma_start3A_49 : memref<80x128xi32, #tpu.memory_space<hbm>>) target(%arg4 : memref<80x128xi32, #tpu.memory_space<vmem>>) target_semaphore(%run_scoped3A : memref<!tpu.dma_semaphore, #tpu.memory_space<semaphore_mem>>)
      %dma_wait3A = arith.constant 0 : i32
      %dma_wait3A_50 = arith.constant 0 : i32
      %dma_wait3A_51 = tpu.memref_slice %arg2[%add3A, %dma_wait3A, %dma_wait3A_50] : memref<32x80x128xi32, #tpu.memory_space<hbm>> -> memref<1x80x128xi32, #tpu.memory_space<hbm>>
      %dma_wait3A_52 = tpu.memref_squeeze %dma_wait3A_51 : memref<1x80x128xi32, #tpu.memory_space<hbm>> -> memref<80x128xi32, #tpu.memory_space<hbm>>
      %dma_wait3A_53 = arith.constant 0 : i32
      %dma_wait3A_54 = arith.constant 0 : i32
      %dma_wait3A_55 = tpu.memref_slice %arg2[%add3A, %dma_wait3A_53, %dma_wait3A_54] : memref<32x80x128xi32, #tpu.memory_space<hbm>> -> memref<1x80x128xi32, #tpu.memory_space<hbm>>
      %dma_wait3A_56 = tpu.memref_squeeze %dma_wait3A_55 : memref<1x80x128xi32, #tpu.memory_space<hbm>> -> memref<80x128xi32, #tpu.memory_space<hbm>>
      tpu.wait_dma2 semaphore(%run_scoped3A : memref<!tpu.dma_semaphore, #tpu.memory_space<semaphore_mem>>) src(%dma_wait3A_56 : memref<80x128xi32, #tpu.memory_space<hbm>>) dst(%arg4 : memref<80x128xi32, #tpu.memory_space<vmem>>)
      tpu.yield
    }) : () -> ()
    %scan3A_36 = arith.constant 0 : i32
    %scan3A_37 = arith.constant 0 : i32
    %scan3A_38 = arith.constant 80 : i32
    %scan3A_39 = arith.addi %scan3A_37, %scan3A_38 : i32
    %scan3A_40 = arith.constant 1 : i32
    %scan3A_41 = scf.for %scan3A_43 = %scan3A_37 to %scan3A_39 step %scan3A_40 iter_args(%scan3A_44 = %scan3A_36) -> (i32)  : i32 {
      "tpu.region"() ({
        %run_scoped3A = tpu.sem_alloc : memref<!tpu.dma_semaphore, #tpu.memory_space<semaphore_mem>>
        %dma_start3A = arith.constant 0 : i32
        %dma_start3A_46 = tpu.memref_slice %arg5[%scan3A_43, %dma_start3A] : memref<80x128xf32, #tpu.memory_space<vmem>> -> memref<1x128xf32, #tpu.memory_space<vmem>>
        %dma_start3A_47 = tpu.memref_squeeze %dma_start3A_46 : memref<1x128xf32, #tpu.memory_space<vmem>> -> memref<128xf32, #tpu.memory_space<vmem>>
        %dma_start3A_48 = arith.constant 0 : i32
        %dma_start3A_49 = tpu.memref_slice %arg4[%scan3A_43, %dma_start3A_48] : memref<80x128xi32, #tpu.memory_space<vmem>> -> memref<1x128xi32, #tpu.memory_space<vmem>>
        %dma_start3A_50 = tpu.memref_squeeze %dma_start3A_49 : memref<1x128xi32, #tpu.memory_space<vmem>> -> memref<128xi32, #tpu.memory_space<vmem>>
        %dma_start3A_51 = arith.constant 0 : i32
        %dma_start3A_52 = tpu.memref_slice %arg8[%dma_start3A_51] : memref<80128xf32, #tpu.memory_space<vmem_shared>> -> memref<80128xf32, #tpu.memory_space<vmem_shared>>
        tpu.enqueue_indirect_dma source(%dma_start3A_52 : memref<80128xf32, #tpu.memory_space<vmem_shared>>) target(%dma_start3A_47 : memref<128xf32, #tpu.memory_space<vmem>>) offsets(%dma_start3A_50 : memref<128xi32, #tpu.memory_space<vmem>>) semaphore(%run_scoped3A : memref<!tpu.dma_semaphore, #tpu.memory_space<semaphore_mem>>)
        %dma_wait3A = arith.constant 0 : i32
        %dma_wait3A_53 = tpu.memref_slice %arg5[%scan3A_43, %dma_wait3A] : memref<80x128xf32, #tpu.memory_space<vmem>> -> memref<1x128xf32, #tpu.memory_space<vmem>>
        %dma_wait3A_54 = tpu.memref_squeeze %dma_wait3A_53 : memref<1x128xf32, #tpu.memory_space<vmem>> -> memref<128xf32, #tpu.memory_space<vmem>>
        %dma_wait3A_55 = arith.constant 0 : i32
        %dma_wait3A_56 = tpu.memref_slice %arg4[%scan3A_43, %dma_wait3A_55] : memref<80x128xi32, #tpu.memory_space<vmem>> -> memref<1x128xi32, #tpu.memory_space<vmem>>
        %dma_wait3A_57 = tpu.memref_squeeze %dma_wait3A_56 : memref<1x128xi32, #tpu.memory_space<vmem>> -> memref<128xi32, #tpu.memory_space<vmem>>
        %dma_wait3A_58 = arith.constant 0 : i32
        %dma_wait3A_59 = tpu.memref_slice %arg8[%dma_wait3A_58] : memref<80128xf32, #tpu.memory_space<vmem_shared>> -> memref<80128xf32, #tpu.memory_space<vmem_shared>>
        tpu.wait_indirect_dma semaphore(%run_scoped3A : memref<!tpu.dma_semaphore, #tpu.memory_space<semaphore_mem>>) src(%dma_wait3A_59 : memref<80128xf32, #tpu.memory_space<vmem_shared>>) dst(%dma_wait3A_54 : memref<128xf32, #tpu.memory_space<vmem>>)
        tpu.yield
      }) : () -> ()
      %scan3A_45 = arith.constant 0 : i32
      scf.yield %scan3A_45 : i32
    }
    %scan3A_42 = arith.constant 80 : i32
    "tpu.region"() ({
      %run_scoped3A = tpu.sem_alloc : memref<!tpu.dma_semaphore, #tpu.memory_space<semaphore_mem>>
      %dma_start3A = arith.constant 0 : i32
      %dma_start3A_43 = arith.constant 0 : i32
      %dma_start3A_44 = tpu.memref_slice %arg3[%add3A, %dma_start3A, %dma_start3A_43] : memref<32x80x128xf32, #tpu.memory_space<hbm>> -> memref<1x80x128xf32, #tpu.memory_space<hbm>>
      %dma_start3A_45 = tpu.memref_squeeze %dma_start3A_44 : memref<1x80x128xf32, #tpu.memory_space<hbm>> -> memref<80x128xf32, #tpu.memory_space<hbm>>
      %dma_start3A_46 = arith.constant 0 : i32
      %dma_start3A_47 = arith.constant 0 : i32
      %dma_start3A_48 = tpu.memref_slice %arg3[%add3A, %dma_start3A_46, %dma_start3A_47] : memref<32x80x128xf32, #tpu.memory_space<hbm>> -> memref<1x80x128xf32, #tpu.memory_space<hbm>>
      %dma_start3A_49 = tpu.memref_squeeze %dma_start3A_48 : memref<1x80x128xf32, #tpu.memory_space<hbm>> -> memref<80x128xf32, #tpu.memory_space<hbm>>
      tpu.enqueue_dma source(%arg5 : memref<80x128xf32, #tpu.memory_space<vmem>>) target(%dma_start3A_49 : memref<80x128xf32, #tpu.memory_space<hbm>>) target_semaphore(%run_scoped3A : memref<!tpu.dma_semaphore, #tpu.memory_space<semaphore_mem>>)
      %dma_wait3A = arith.constant 0 : i32
      %dma_wait3A_50 = arith.constant 0 : i32
      %dma_wait3A_51 = tpu.memref_slice %arg3[%add3A, %dma_wait3A, %dma_wait3A_50] : memref<32x80x128xf32, #tpu.memory_space<hbm>> -> memref<1x80x128xf32, #tpu.memory_space<hbm>>
      %dma_wait3A_52 = tpu.memref_squeeze %dma_wait3A_51 : memref<1x80x128xf32, #tpu.memory_space<hbm>> -> memref<80x128xf32, #tpu.memory_space<hbm>>
      %dma_wait3A_53 = arith.constant 0 : i32
      %dma_wait3A_54 = arith.constant 0 : i32
      %dma_wait3A_55 = tpu.memref_slice %arg3[%add3A, %dma_wait3A_53, %dma_wait3A_54] : memref<32x80x128xf32, #tpu.memory_space<hbm>> -> memref<1x80x128xf32, #tpu.memory_space<hbm>>
      %dma_wait3A_56 = tpu.memref_squeeze %dma_wait3A_55 : memref<1x80x128xf32, #tpu.memory_space<hbm>> -> memref<80x128xf32, #tpu.memory_space<hbm>>
      tpu.wait_dma2 semaphore(%run_scoped3A : memref<!tpu.dma_semaphore, #tpu.memory_space<semaphore_mem>>) src(%arg5 : memref<80x128xf32, #tpu.memory_space<vmem>>) dst(%dma_wait3A_56 : memref<80x128xf32, #tpu.memory_space<hbm>>)
      tpu.yield
    }) : () -> ()
    return
  }
}

module attributes {stable_mosaic.version = 14 : i64} {
  func.func @_tab_body(%arg0: i32, %arg1: i32, %arg2: memref<1000x128xf32, #tpu.memory_space<vmem>>, %arg3: memref<4x128x128xf32, #tpu.memory_space<vmem>>, %arg4: memref<8x4xf32, #tpu.memory_space<smem>>, %arg5: memref<1x1000x64xi32, #tpu.memory_space<vmem>>) attributes {dimension_semantics = [#tpu.dimension_semantics<arbitrary>, #tpu.dimension_semantics<arbitrary>], iteration_bounds = array<i64: 8, 10>, scalar_prefetch = 0 : i64, scratch_operands = 0 : i64, tpu.core_type = #tpu.core_type<tc>, window_params = [{transform_indices = @transform_0, window_bounds = array<i64: 1000, 128>}, {pipeline_mode = #tpu.pipeline_mode<synchronous>, transform_indices = @transform_1, window_bounds = array<i64: 4, 128, 128>}, {transform_indices = @transform_2, window_bounds = array<i64: 8, 4>}, {transform_indices = @transform_3, window_bounds = array<i64: 1, 1000, 64>}]} {
    %broadcast_in_dim3A = arith.constant 0.000000e+00 : f32
    %broadcast_in_dim3A_0 = vector.broadcast %broadcast_in_dim3A : f32 to vector<128x128xf32>
    %get3A = arith.index_cast %arg0 : i32 to index
    %get3A_1 = arith.constant 0 : index
    %get3A_2 = memref.load %arg4[%get3A, %get3A_1] : memref<8x4xf32, #tpu.memory_space<smem>>
    %get3A_3 = arith.constant 0 : index
    %get3A_4 = arith.constant 0 : index
    %get3A_5 = arith.constant 0 : index
    %get3A_6 = vector.load %arg3[%get3A_3, %get3A_4, %get3A_5] : memref<4x128x128xf32, #tpu.memory_space<vmem>>, vector<1x128x128xf32>
    %get3A_7 = vector.shape_cast %get3A_6 : vector<1x128x128xf32> to vector<128x128xf32>
    %mul3A = vector.broadcast %get3A_2 : f32 to vector<128x128xf32>
    %mul3A_8 = arith.mulf %mul3A, %get3A_7 : vector<128x128xf32>
    %add3A = arith.addf %broadcast_in_dim3A_0, %mul3A_8 : vector<128x128xf32>
    %get3A_9 = arith.index_cast %arg0 : i32 to index
    %get3A_10 = arith.constant 1 : index
    %get3A_11 = memref.load %arg4[%get3A_9, %get3A_10] : memref<8x4xf32, #tpu.memory_space<smem>>
    %get3A_12 = arith.constant 1 : index
    %get3A_13 = arith.constant 0 : index
    %get3A_14 = arith.constant 0 : index
    %get3A_15 = vector.load %arg3[%get3A_12, %get3A_13, %get3A_14] : memref<4x128x128xf32, #tpu.memory_space<vmem>>, vector<1x128x128xf32>
    %get3A_16 = vector.shape_cast %get3A_15 : vector<1x128x128xf32> to vector<128x128xf32>
    %mul3A_17 = vector.broadcast %get3A_11 : f32 to vector<128x128xf32>
    %mul3A_18 = arith.mulf %mul3A_17, %get3A_16 : vector<128x128xf32>
    %add3A_19 = arith.addf %add3A, %mul3A_18 : vector<128x128xf32>
    %get3A_20 = arith.index_cast %arg0 : i32 to index
    %get3A_21 = arith.constant 2 : index
    %get3A_22 = memref.load %arg4[%get3A_20, %get3A_21] : memref<8x4xf32, #tpu.memory_space<smem>>
    %get3A_23 = arith.constant 2 : index
    %get3A_24 = arith.constant 0 : index
    %get3A_25 = arith.constant 0 : index
    %get3A_26 = vector.load %arg3[%get3A_23, %get3A_24, %get3A_25] : memref<4x128x128xf32, #tpu.memory_space<vmem>>, vector<1x128x128xf32>
    %get3A_27 = vector.shape_cast %get3A_26 : vector<1x128x128xf32> to vector<128x128xf32>
    %mul3A_28 = vector.broadcast %get3A_22 : f32 to vector<128x128xf32>
    %mul3A_29 = arith.mulf %mul3A_28, %get3A_27 : vector<128x128xf32>
    %add3A_30 = arith.addf %add3A_19, %mul3A_29 : vector<128x128xf32>
    %get3A_31 = arith.index_cast %arg0 : i32 to index
    %get3A_32 = arith.constant 3 : index
    %get3A_33 = memref.load %arg4[%get3A_31, %get3A_32] : memref<8x4xf32, #tpu.memory_space<smem>>
    %get3A_34 = arith.constant 3 : index
    %get3A_35 = arith.constant 0 : index
    %get3A_36 = arith.constant 0 : index
    %get3A_37 = vector.load %arg3[%get3A_34, %get3A_35, %get3A_36] : memref<4x128x128xf32, #tpu.memory_space<vmem>>, vector<1x128x128xf32>
    %get3A_38 = vector.shape_cast %get3A_37 : vector<1x128x128xf32> to vector<128x128xf32>
    %mul3A_39 = vector.broadcast %get3A_33 : f32 to vector<128x128xf32>
    %mul3A_40 = arith.mulf %mul3A_39, %get3A_38 : vector<128x128xf32>
    %add3A_41 = arith.addf %add3A_30, %mul3A_40 : vector<128x128xf32>
    %get3A_42 = arith.constant 0 : index
    %get3A_43 = arith.constant 0 : index
    %get3A_44 = vector.load %arg2[%get3A_42, %get3A_43] : memref<1000x128xf32, #tpu.memory_space<vmem>>, vector<1000x128xf32>
    %dot_general3A = arith.constant dense<0.000000e+00> : vector<1000x128xf32>
    %dot_general3A_45 = tpu.matmul %get3A_44, %add3A_41, %dot_general3A {dimension_numbers = #tpu.dot_dimension_numbers<[1], [0], [0], [1], [0, 0, 1, 1], [], []>, transpose_lhs_hint = false} : vector<1000x128xf32>, vector<128x128xf32>, vector<1000x128xf32> -> vector<1000x128xf32>
    %slice3A = vector.extract_strided_slice %dot_general3A_45 {offsets = [0, 0], sizes = [1000, 64], strides = [1, 1]} : vector<1000x128xf32> to vector<1000x64xf32>
    %bitcast_convert_type3A = tpu.bitcast %slice3A : vector<1000x64xf32> -> vector<1000x64xi32>
    %add3A_46 = arith.constant 32767 : i32
    %add3A_47 = vector.broadcast %add3A_46 : i32 to vector<1000x64xi32>
    %add3A_48 = arith.addi %bitcast_convert_type3A, %add3A_47 : vector<1000x64xi32>
    %shift_right_arithmetic3A = arith.constant 16 : i32
    %shift_right_arithmetic3A_49 = vector.broadcast %shift_right_arithmetic3A : i32 to vector<1000x64xi32>
    %shift_right_arithmetic3A_50 = arith.shrsi %bitcast_convert_type3A, %shift_right_arithmetic3A_49 : vector<1000x64xi32>
    %and3A = arith.constant 1 : i32
    %and3A_51 = vector.broadcast %and3A : i32 to vector<1000x64xi32>
    %and3A_52 = arith.andi %shift_right_arithmetic3A_50, %and3A_51 : vector<1000x64xi32>
    %add3A_53 = arith.addi %add3A_48, %and3A_52 : vector<1000x64xi32>
    %shift_right_arithmetic3A_54 = arith.constant 16 : i32
    %shift_right_arithmetic3A_55 = vector.broadcast %shift_right_arithmetic3A_54 : i32 to vector<1000x64xi32>
    %shift_right_arithmetic3A_56 = arith.shrsi %add3A_53, %shift_right_arithmetic3A_55 : vector<1000x64xi32>
    %and3A_57 = arith.constant 65535 : i32
    %and3A_58 = vector.broadcast %and3A_57 : i32 to vector<1000x64xi32>
    %and3A_59 = arith.andi %shift_right_arithmetic3A_56, %and3A_58 : vector<1000x64xi32>
    %slice3A_60 = vector.extract_strided_slice %dot_general3A_45 {offsets = [0, 64], sizes = [1000, 64], strides = [1, 1]} : vector<1000x128xf32> to vector<1000x64xf32>
    %bitcast_convert_type3A_61 = tpu.bitcast %slice3A_60 : vector<1000x64xf32> -> vector<1000x64xi32>
    %add3A_62 = arith.constant 32767 : i32
    %add3A_63 = vector.broadcast %add3A_62 : i32 to vector<1000x64xi32>
    %add3A_64 = arith.addi %bitcast_convert_type3A_61, %add3A_63 : vector<1000x64xi32>
    %shift_right_arithmetic3A_65 = arith.constant 16 : i32
    %shift_right_arithmetic3A_66 = vector.broadcast %shift_right_arithmetic3A_65 : i32 to vector<1000x64xi32>
    %shift_right_arithmetic3A_67 = arith.shrsi %bitcast_convert_type3A_61, %shift_right_arithmetic3A_66 : vector<1000x64xi32>
    %and3A_68 = arith.constant 1 : i32
    %and3A_69 = vector.broadcast %and3A_68 : i32 to vector<1000x64xi32>
    %and3A_70 = arith.andi %shift_right_arithmetic3A_67, %and3A_69 : vector<1000x64xi32>
    %add3A_71 = arith.addi %add3A_64, %and3A_70 : vector<1000x64xi32>
    %shift_right_arithmetic3A_72 = arith.constant 16 : i32
    %shift_right_arithmetic3A_73 = vector.broadcast %shift_right_arithmetic3A_72 : i32 to vector<1000x64xi32>
    %shift_right_arithmetic3A_74 = arith.shrsi %add3A_71, %shift_right_arithmetic3A_73 : vector<1000x64xi32>
    %and3A_75 = arith.constant 65535 : i32
    %and3A_76 = vector.broadcast %and3A_75 : i32 to vector<1000x64xi32>
    %and3A_77 = arith.andi %shift_right_arithmetic3A_74, %and3A_76 : vector<1000x64xi32>
    %shift_left3A = arith.constant 16 : i32
    %shift_left3A_78 = vector.broadcast %shift_left3A : i32 to vector<1000x64xi32>
    %shift_left3A_79 = arith.shli %and3A_77, %shift_left3A_78 : vector<1000x64xi32>
    %or3A = arith.ori %and3A_59, %shift_left3A_79 : vector<1000x64xi32>
    %swap3A = arith.constant 0 : index
    %swap3A_80 = arith.constant 0 : index
    %swap3A_81 = arith.constant 0 : index
    %swap3A_82 = vector.load %arg5[%swap3A, %swap3A_80, %swap3A_81] : memref<1x1000x64xi32, #tpu.memory_space<vmem>>, vector<1x1000x64xi32>
    %swap3A_83 = vector.shape_cast %swap3A_82 : vector<1x1000x64xi32> to vector<1000x64xi32>
    %swap3A_84 = vector.shape_cast %or3A : vector<1000x64xi32> to vector<1x1000x64xi32>
    tpu.vector_store %arg5[%swap3A, %swap3A_80, %swap3A_81], %swap3A_84 {strides = array<i32>} : memref<1x1000x64xi32, #tpu.memory_space<vmem>>, vector<1x1000x64xi32>,
    return
  }
  func.func @transform_0(%arg0: i32, %arg1: i32) -> (i32, i32) {
    %c0_i32 = arith.constant 0 : i32
    %c0_i32_0 = arith.constant 0 : i32
    return %arg1, %c0_i32 : i32, i32
  }
  func.func @transform_1(%arg0: i32, %arg1: i32) -> (i32, i32, i32) {
    %c0_i32 = arith.constant 0 : i32
    %c0_i32_0 = arith.constant 0 : i32
    %c0_i32_1 = arith.constant 0 : i32
    %c0_i32_2 = arith.constant 0 : i32
    return %c0_i32, %c0_i32_0, %c0_i32_1 : i32, i32, i32
  }
  func.func @transform_2(%arg0: i32, %arg1: i32) -> (i32, i32) {
    %c0_i32 = arith.constant 0 : i32
    %c0_i32_0 = arith.constant 0 : i32
    %c0_i32_1 = arith.constant 0 : i32
    return %c0_i32, %c0_i32_0 : i32, i32
  }
  func.func @transform_3(%arg0: i32, %arg1: i32) -> (i32, i32, i32) {
    %c0_i32 = arith.constant 0 : i32
    %c0_i32_0 = arith.constant 0 : i32
    return %arg0, %arg1, %c0_i32 : i32, i32, i32
  }
}

module attributes {stable_mosaic.version = 14 : i64} {
  func.func @_add_body(%arg0: i32, %arg1: memref<2x1000x128xf32, #tpu.memory_space<vmem>>, %arg2: memref<1000x128xf32, #tpu.memory_space<vmem>>, %arg3: memref<128x128xf32, #tpu.memory_space<vmem>>, %arg4: memref<8x128xf32, #tpu.memory_space<vmem>>, %arg5: memref<1000x128xf32, #tpu.memory_space<vmem>>) attributes {dimension_semantics = [#tpu.dimension_semantics<arbitrary>], iteration_bounds = array<i64: 10>, scalar_prefetch = 0 : i64, scratch_operands = 0 : i64, tpu.core_type = #tpu.core_type<tc>, window_params = [{transform_indices = @transform_0, window_bounds = array<i64: 2, 1000, 128>}, {transform_indices = @transform_1, window_bounds = array<i64: 1000, 128>}, {pipeline_mode = #tpu.pipeline_mode<synchronous>, transform_indices = @transform_2, window_bounds = array<i64: 128, 128>}, {pipeline_mode = #tpu.pipeline_mode<synchronous>, transform_indices = @transform_3, window_bounds = array<i64: 8, 128>}, {transform_indices = @transform_4, window_bounds = array<i64: 1000, 128>}]} {
    %get3A = arith.constant 0 : index
    %get3A_0 = arith.constant 0 : index
    %get3A_1 = vector.load %arg2[%get3A, %get3A_0] : memref<1000x128xf32, #tpu.memory_space<vmem>>, vector<1000x128xf32>
    %get3A_2 = arith.constant 0 : index
    %get3A_3 = arith.constant 0 : index
    %get3A_4 = vector.load %arg3[%get3A_2, %get3A_3] : memref<128x128xf32, #tpu.memory_space<vmem>>, vector<128x128xf32>
    %dot_general3A = arith.constant dense<0.000000e+00> : vector<1000x128xf32>
    %dot_general3A_5 = tpu.matmul %get3A_1, %get3A_4, %dot_general3A {dimension_numbers = #tpu.dot_dimension_numbers<[1], [0], [0], [1], [0, 0, 1, 1], [], []>, transpose_lhs_hint = false} : vector<1000x128xf32>, vector<128x128xf32>, vector<1000x128xf32> -> vector<1000x128xf32>
    %get3A_6 = arith.constant 0 : index
    %get3A_7 = arith.constant 0 : index
    %get3A_8 = arith.constant 0 : index
    %get3A_9 = vector.load %arg1[%get3A_6, %get3A_7, %get3A_8] : memref<2x1000x128xf32, #tpu.memory_space<vmem>>, vector<1x1000x128xf32>
    %get3A_10 = vector.shape_cast %get3A_9 : vector<1x1000x128xf32> to vector<1000x128xf32>
    %get3A_11 = arith.constant 1 : index
    %get3A_12 = arith.constant 0 : index
    %get3A_13 = arith.constant 0 : index
    %get3A_14 = vector.load %arg1[%get3A_11, %get3A_12, %get3A_13] : memref<2x1000x128xf32, #tpu.memory_space<vmem>>, vector<1x1000x128xf32>
    %get3A_15 = vector.shape_cast %get3A_14 : vector<1x1000x128xf32> to vector<1000x128xf32>
    %add3A = arith.addf %get3A_10, %get3A_15 : vector<1000x128xf32>
    %add3A_16 = arith.addf %add3A, %dot_general3A_5 : vector<1000x128xf32>
    %get3A_17 = arith.constant 0 : index
    %get3A_18 = arith.constant 0 : index
    %get3A_19 = vector.load %arg4[%get3A_17, %get3A_18] : memref<8x128xf32, #tpu.memory_space<vmem>>, vector<1x128xf32>
    %get3A_20 = vector.shape_cast %get3A_19 : vector<1x128xf32> to vector<128xf32>
    %broadcast_in_dim3A = vector.shape_cast %get3A_20 : vector<128xf32> to vector<1x128xf32>
    %add3A_21 = vector.broadcast %broadcast_in_dim3A : vector<1x128xf32> to vector<1000x128xf32>
    %add3A_22 = arith.addf %add3A_16, %add3A_21 : vector<1000x128xf32>
    %max3A = arith.constant 0.000000e+00 : f32
    %max3A_23 = vector.broadcast %max3A : f32 to vector<1000x128xf32>
    %max3A_24 = arith.maximumf %add3A_22, %max3A_23 : vector<1000x128xf32>
    %swap3A = arith.constant 0 : index
    %swap3A_25 = arith.constant 0 : index
    %swap3A_26 = vector.load %arg5[%swap3A, %swap3A_25] : memref<1000x128xf32, #tpu.memory_space<vmem>>, vector<1000x128xf32>
    tpu.vector_store %arg5[%swap3A, %swap3A_25], %max3A_24 {strides = array<i32>} : memref<1000x128xf32, #tpu.memory_space<vmem>>, vector<1000x128xf32>,
    return
  }
  func.func @transform_0(%arg0: i32) -> (i32, i32, i32) {
    %c0_i32 = arith.constant 0 : i32
    %c0_i32_0 = arith.constant 0 : i32
    %c0_i32_1 = arith.constant 0 : i32
    return %c0_i32, %arg0, %c0_i32_0 : i32, i32, i32
  }
  func.func @transform_1(%arg0: i32) -> (i32, i32) {
    %c0_i32 = arith.constant 0 : i32
    %c0_i32_0 = arith.constant 0 : i32
    return %arg0, %c0_i32 : i32, i32
  }
  func.func @transform_2(%arg0: i32) -> (i32, i32) {
    %c0_i32 = arith.constant 0 : i32
    %c0_i32_0 = arith.constant 0 : i32
    %c0_i32_1 = arith.constant 0 : i32
    return %c0_i32, %c0_i32_0 : i32, i32
  }
  func.func @transform_3(%arg0: i32) -> (i32, i32) {
    %c0_i32 = arith.constant 0 : i32
    %c0_i32_0 = arith.constant 0 : i32
    %c0_i32_1 = arith.constant 0 : i32
    return %c0_i32, %c0_i32_0 : i32, i32
  }
  func.func @transform_4(%arg0: i32) -> (i32, i32) {
    %c0_i32 = arith.constant 0 : i32
    %c0_i32_0 = arith.constant 0 : i32
    return %arg0, %c0_i32 : i32, i32
  }
}

module attributes {stable_mosaic.version = 14 : i64} {
  func.func @_add_body(%arg0: i32, %arg1: memref<2x1000x128xf32, #tpu.memory_space<vmem>>, %arg2: memref<1000x128xf32, #tpu.memory_space<vmem>>, %arg3: memref<128x128xf32, #tpu.memory_space<vmem>>, %arg4: memref<8x128xf32, #tpu.memory_space<vmem>>, %arg5: memref<1000x128xf32, #tpu.memory_space<vmem>>) attributes {dimension_semantics = [#tpu.dimension_semantics<arbitrary>], iteration_bounds = array<i64: 10>, scalar_prefetch = 0 : i64, scratch_operands = 0 : i64, tpu.core_type = #tpu.core_type<tc>, window_params = [{transform_indices = @transform_0, window_bounds = array<i64: 2, 1000, 128>}, {transform_indices = @transform_1, window_bounds = array<i64: 1000, 128>}, {pipeline_mode = #tpu.pipeline_mode<synchronous>, transform_indices = @transform_2, window_bounds = array<i64: 128, 128>}, {pipeline_mode = #tpu.pipeline_mode<synchronous>, transform_indices = @transform_3, window_bounds = array<i64: 8, 128>}, {transform_indices = @transform_4, window_bounds = array<i64: 1000, 128>}]} {
    %get3A = arith.constant 0 : index
    %get3A_0 = arith.constant 0 : index
    %get3A_1 = vector.load %arg2[%get3A, %get3A_0] : memref<1000x128xf32, #tpu.memory_space<vmem>>, vector<1000x128xf32>
    %get3A_2 = arith.constant 0 : index
    %get3A_3 = arith.constant 0 : index
    %get3A_4 = vector.load %arg3[%get3A_2, %get3A_3] : memref<128x128xf32, #tpu.memory_space<vmem>>, vector<128x128xf32>
    %dot_general3A = arith.constant dense<0.000000e+00> : vector<1000x128xf32>
    %dot_general3A_5 = tpu.matmul %get3A_1, %get3A_4, %dot_general3A {dimension_numbers = #tpu.dot_dimension_numbers<[1], [0], [0], [1], [0, 0, 1, 1], [], []>, transpose_lhs_hint = false} : vector<1000x128xf32>, vector<128x128xf32>, vector<1000x128xf32> -> vector<1000x128xf32>
    %get3A_6 = arith.constant 0 : index
    %get3A_7 = arith.constant 0 : index
    %get3A_8 = arith.constant 0 : index
    %get3A_9 = vector.load %arg1[%get3A_6, %get3A_7, %get3A_8] : memref<2x1000x128xf32, #tpu.memory_space<vmem>>, vector<1x1000x128xf32>
    %get3A_10 = vector.shape_cast %get3A_9 : vector<1x1000x128xf32> to vector<1000x128xf32>
    %get3A_11 = arith.constant 1 : index
    %get3A_12 = arith.constant 0 : index
    %get3A_13 = arith.constant 0 : index
    %get3A_14 = vector.load %arg1[%get3A_11, %get3A_12, %get3A_13] : memref<2x1000x128xf32, #tpu.memory_space<vmem>>, vector<1x1000x128xf32>
    %get3A_15 = vector.shape_cast %get3A_14 : vector<1x1000x128xf32> to vector<1000x128xf32>
    %add3A = arith.addf %get3A_10, %get3A_15 : vector<1000x128xf32>
    %add3A_16 = arith.addf %add3A, %dot_general3A_5 : vector<1000x128xf32>
    %get3A_17 = arith.constant 0 : index
    %get3A_18 = arith.constant 0 : index
    %get3A_19 = vector.load %arg4[%get3A_17, %get3A_18] : memref<8x128xf32, #tpu.memory_space<vmem>>, vector<1x128xf32>
    %get3A_20 = vector.shape_cast %get3A_19 : vector<1x128xf32> to vector<128xf32>
    %broadcast_in_dim3A = vector.shape_cast %get3A_20 : vector<128xf32> to vector<1x128xf32>
    %add3A_21 = vector.broadcast %broadcast_in_dim3A : vector<1x128xf32> to vector<1000x128xf32>
    %add3A_22 = arith.addf %add3A_16, %add3A_21 : vector<1000x128xf32>
    %swap3A = arith.constant 0 : index
    %swap3A_23 = arith.constant 0 : index
    %swap3A_24 = vector.load %arg5[%swap3A, %swap3A_23] : memref<1000x128xf32, #tpu.memory_space<vmem>>, vector<1000x128xf32>
    tpu.vector_store %arg5[%swap3A, %swap3A_23], %add3A_22 {strides = array<i32>} : memref<1000x128xf32, #tpu.memory_space<vmem>>, vector<1000x128xf32>,
    return
  }
  func.func @transform_0(%arg0: i32) -> (i32, i32, i32) {
    %c0_i32 = arith.constant 0 : i32
    %c0_i32_0 = arith.constant 0 : i32
    %c0_i32_1 = arith.constant 0 : i32
    return %c0_i32, %arg0, %c0_i32_0 : i32, i32, i32
  }
  func.func @transform_1(%arg0: i32) -> (i32, i32) {
    %c0_i32 = arith.constant 0 : i32
    %c0_i32_0 = arith.constant 0 : i32
    return %arg0, %c0_i32 : i32, i32
  }
  func.func @transform_2(%arg0: i32) -> (i32, i32) {
    %c0_i32 = arith.constant 0 : i32
    %c0_i32_0 = arith.constant 0 : i32
    %c0_i32_1 = arith.constant 0 : i32
    return %c0_i32, %c0_i32_0 : i32, i32
  }
  func.func @transform_3(%arg0: i32) -> (i32, i32) {
    %c0_i32 = arith.constant 0 : i32
    %c0_i32_0 = arith.constant 0 : i32
    %c0_i32_1 = arith.constant 0 : i32
    return %c0_i32, %c0_i32_0 : i32, i32
  }
  func.func @transform_4(%arg0: i32) -> (i32, i32) {
    %c0_i32 = arith.constant 0 : i32
    %c0_i32_0 = arith.constant 0 : i32
    return %arg0, %c0_i32 : i32, i32
  }
}

</mosaic_0001>

<sc_bundles>
// kernel: kernel.12.cloned.1.call-start
scs
__scs_entry_jumppad:
0x0: {  	(pc) =	sbr.rel $0x88, $3  }
0x1: {  	(tag) =	ssettag $0x0;
	lr =	simm.s32 $0x1  }
0x2: {  	[smem:$0x3F96] =	sst lr;
	_ =	strace $0xD0000000  }
0x3: {  	_ = 	snop  }
0x4: {  	_ = 	snop  }
0x5: {  	_ = 	snop  }
0x6: {  	_ = 	snop  }
0x7: {  	_ = 	snop  }
__scs_overlays_trampoline_lowered:
0x8: {  	[smem:$0x3FA5] =	sst s0  }
0x9: {  	[smem:$0x3FA6] =	sst s1  }
0xa: {  	[smem:$0x3FA7] =	sst s2  }
0xb: {  	[smem:$0x3FA8] =	sst s3  }
0xc: {  	[smem:$0x3FA9] =	sst s4  }
0xd: {  	[smem:$0x3FAA] =	sst s5  }
0xe: {  	[smem:$0x3FAB] =	sst s6  }
0xf: {  	[smem:$0x3FAC] =	sst s7  }
0x10: {  	[smem:$0x3FAD] =	sst s8  }
0x11: {  	[smem:$0x3FAE] =	sst s9;
	s0 =	simm.s32 @!p0 $0x0  }
0x12: {  	s1 =	sld [smem:$0x3F94];
	s0 =	simm.s32 @p0 $0x1  }
0x13: {  	[smem:$0x3FAF] =	sst s0;
	s0 =	simm.s32 @!p1 $0x0  }
0x14: {  	s2 =	sld [smem:$0x3F93];
	s0 =	simm.s32 @p1 $0x1  }
0x15: {  	[smem:$0x3FB0] =	sst s0;
	s0 =	simm.s32 @!p2 $0x0  }
0x16: {  	s3 =	sld [smem:$0x3FDB];
	s0 =	simm.s32 @p2 $0x1  }
0x17: {  	s4 =	simm.s32 $0x1BF5;
	[smem:$0x3FB2] =	sst s0  }
0x18: {  	s0 =	sld [smem:$0x3F95];
	_ =	swait.ge [sflag:s4], $0x0  }
0x19: {  	s7 =	sld [smem:$0x3F96]  }
0x1a: {  	s8 =	sadd.s32 $0xFFFFE003, lr  }
0x1b: {  	s9 =	sadd.s32 $0xFFFFFEF7, lr;
	s5 =	simm.s32 $0xFFFFFFFF;
	p2 =	slt.u32 s8, $0xFFFFF086  }
0x1c: {  	p1 =	slt.u32 s9, $0xF7A;
	s5 =	simm.s32 @!p2 $0x0  }
0x1d: {  	s5 =	simm.s32 @p1 $0x1;
	p0 =	seq.s32 s7, s2  }
0x1e: {  	s7 =	smul.u32 @!p0 $0xF7A, s2;
	p2 =	seq.s32 @!p0 s5, $0x0  }
0x1f: {  	s9 =	smul.u32 $0xF7A, s1;
	s8 =	simm.s32 @!p0 $0x1BF5;
	p2 =	por !p2, p0  }
0x20: {  	[sflag:s8] =	ssyncset.s32 @!p0 $0xFFFFF086;
	s6 =	sadd.s32 @!p0 s3, s7;
	s7 =	simm.s32 @!p0 $0x108  }
0x21: {  	s3 =	sadd.s32 s3, s9;
	s6 =	sadd.s32 @!p0 $0x88, s6;
	s7 =	simm.s32 @p2 $0x1082  }
0x22: {  	[simem:s7], [sflag:s8] =	dma.local @!p0 [hbm:s6], $0xF7A  }
0x23: {  	s9 =	sor.u32 $0xD0000000, s2;
	s6 =	simm.s32 $0x108;
	_ =	swait.ge @!p0 [sflag:s8], $0x0  }
0x24: {  	s3 =	sadd.s32 $0x88, s3;
	s6 =	simm.s32 @!p1 $0x1082;
	[sflag:s4] =	ssyncset.s32 $0xFFFFF086  }
0x25: {  	[simem:s6], [sflag:s4] =	dma.local [hbm:s3], $0xF7A  }
0x26: {  	[smem:$0x3F96] =	sst s1;
	(tag) =	ssettag s2;
	_ =	strace s9  }
0x27: {  	s1 =	sld [smem:$0x3FA6]  }
0x28: {  	s2 =	sld [smem:$0x3FA7]  }
0x29: {  	s4 =	sld [smem:$0x3FA9]  }
0x2a: {  	p0 =	seq.s32 s5, $0x0;
	s5 =	sld [smem:$0x3FAA]  }
0x2b: {  	s6 =	sld [smem:$0x3FAB]  }
0x2c: {  	s7 =	sld [smem:$0x3FAC]  }
0x2d: {  	s3 =	simm.s32 $0x108;
	s8 =	sld [smem:$0x3FAD]  }
0x2e: {  	s3 =	simm.s32 @!p0 $0x1082;
	s9 =	sld [smem:$0x3FAE]  }
0x2f: {  	lr =	sadd.s32 s0, s3;
	s0 =	sld [smem:$0x3FA5]  }
0x30: {  	s3 =	sld [smem:$0x3FA8]  }
0x31: {  	[smem:$0x3FB1] =	sst s10  }
0x32: {  	s10 =	sld [smem:$0x3FAF];
	_ =	sdelay $0x3  }
0x33: {  	p0 =	seq.s32 s10, $0x1;
	s10 =	sld [smem:$0x3FB1];
	_ =	sdelay $0x3  }
0x34: {  	[smem:$0x3FB1] =	sst s10  }
0x35: {  	s10 =	sld [smem:$0x3FB0];
	_ =	sdelay $0x3  }
0x36: {  	p1 =	seq.s32 s10, $0x1;
	s10 =	sld [smem:$0x3FB1];
	_ =	sdelay $0x3  }
0x37: {  	[smem:$0x3FB1] =	sst s10  }
0x38: {  	s10 =	sld [smem:$0x3FB2]  }
0x39: {  	_ = 	snop;
	(pc) =	sbr.ind lr, $3  }
0x3a: {  	_ = 	snop  }
0x3b: {  	_ = 	snop  }
0x3c: {  	p2 =	seq.s32 s10, $0x1;
	s10 =	sld [smem:$0x3FB1]  }
0x3d: {  	_ =	shalt  }
0x3e: {  	_ =	shalt  }
0x3f: {  	_ =	shalt  }
0x40: {  	_ =	shalt  }
0x41: {  	_ =	shalt  }
0x42: {  	_ =	shalt  }
0x43: {  	_ =	shalt  }
0x44: {  	_ =	shalt  }
0x45: {  	_ =	shalt  }
0x46: {  	_ =	shalt  }
0x47: {  	_ =	shalt  }
0x48: {  	_ =	shalt  }
0x49: {  	_ =	shalt  }
0x4a: {  	_ =	shalt  }
0x4b: {  	_ =	shalt  }
0x4c: {  	_ =	shalt  }
0x4d: {  	_ =	shalt  }
0x4e: {  	_ =	shalt  }
0x4f: {  	_ =	shalt  }
0x50: {  	_ =	shalt  }
0x51: {  	_ =	shalt  }
0x52: {  	_ =	shalt  }
0x53: {  	_ =	shalt  }
0x54: {  	_ =	shalt  }
0x55: {  	_ =	shalt  }
0x56: {  	_ =	shalt  }
0x57: {  	_ =	shalt  }
0x58: {  	_ =	shalt  }
0x59: {  	_ =	shalt  }
0x5a: {  	_ =	shalt  }
0x5b: {  	_ =	shalt  }
0x5c: {  	_ =	shalt  }
0x5d: {  	_ =	shalt  }
0x5e: {  	_ =	shalt  }
0x5f: {  	_ =	shalt  }
0x60: {  	_ =	shalt  }
0x61: {  	_ =	shalt  }
0x62: {  	_ =	shalt  }
0x63: {  	_ =	shalt  }
0x64: {  	_ =	shalt  }
0x65: {  	_ =	shalt  }
0x66: {  	_ =	shalt  }
0x67: {  	_ =	shalt  }
0x68: {  	_ =	shalt  }
0x69: {  	_ =	shalt  }
0x6a: {  	_ =	shalt  }
0x6b: {  	_ =	shalt  }
0x6c: {  	_ =	shalt  }
0x6d: {  	_ =	shalt  }
0x6e: {  	_ =	shalt  }
0x6f: {  	_ =	shalt  }
0x70: {  	_ =	shalt  }
0x71: {  	_ =	shalt  }
0x72: {  	_ =	shalt  }
0x73: {  	_ =	shalt  }
0x74: {  	_ =	shalt  }
0x75: {  	_ =	shalt  }
0x76: {  	_ =	shalt  }
0x77: {  	_ =	shalt  }
0x78: {  	_ =	shalt  }
0x79: {  	_ =	shalt  }
0x7a: {  	_ =	shalt  }
0x7b: {  	_ =	shalt  }
0x7c: {  	_ =	shalt  }
0x7d: {  	_ =	shalt  }
0x7e: {  	_ =	shalt  }
0x7f: {  	_ =	shalt  }
0x80: {  	_ =	shalt  }
0x81: {  	_ =	shalt  }
0x82: {  	_ =	shalt  }
0x83: {  	_ =	shalt  }
0x84: {  	_ =	shalt  }
0x85: {  	_ =	shalt  }
0x86: {  	_ =	shalt  }
0x87: {  	_ =	shalt  }
.Lfunc_end0:
.L_simem_size_0:
called_computation.1_lowered:
.L_overlay_start_0:
0x88: {  	s2 =	sld [smem:$0x3FD9]  }
0x89: {  	s3 =	sld [smem:$0x3FFE];
	_ =	sdelay $0x1  }
0x8a: {  	s1 =	srdreg.scid  }
0x8b: {  	s0 =	sand.u32 $0x1, s1  }
0x8c: {  	s16 =	sshll.u32 s0, $0xA;
	s2 =	sadd.s32 s3, s2  }
0x8d: {  	s2 =	sadd.s32 s2, s16  }
0x8e: {  	[smem:$0x3FBD] =	sst s2  }
0x8f: {  	_ = 	snop  }
0x90: {  	(tm) =	ssettm $0x1  }
0x91: {  	s17 =	sld [smem:$0x3FFB];
	_ =	sdelay $0x3  }
0x92: {  	_ =	strace s17  }
0x93: {  	s2 =	sld [smem:$0x3FFC];
	_ =	sdelay $0x3  }
0x94: {  	_ =	strace s2  }
0x95: {  	s2 =	sld [smem:$0x3FFD];
	_ =	sdelay $0x3  }
0x96: {  	_ =	strace s2  }
0x97: {  	_ =	strace $0x8FFFFFFF  }
0x98: {  	s18 =	sld [smem:$0x3FDB];
	_ =	sdelay $0x1  }
0x99: {  	s19 =	simm.s32 $_scs_section_size  }
0x9a: {  	s4 =	simm.s32 $_size__tile_overlayer_lowered;
	s5 =	simm.s32 $_tile_overlayer_lowered  }
0x9b: {  	s22 =	simm.s32 $0x1BFF;
	s21 =	sshll.u32 s5, $0x1;
	s2 =	sadd.s32 s19, s18  }
0x9c: {  	s6 =	simm.s32 $0x0;
	s20 =	sshll.u32 s4, $0x1;
	s4 =	sadd.s32 s21, s2  }
0x9d: {  	[timem:s6], [sflag:s22] =	dma.local [hbm:s4], s20  }
0x9e: {  	_ =	swait.ge [sflag:s22], s20  }
0x9f: {  	s3 =	ssub.s32 $0x0, s20;
	[sflag:s22] =	ssyncset.done $0x0  }
0xa0: {  	[sflag:s22] =	ssyncadd.s32 s3;
	_ =	sdelay $0x1  }
0xa1: {  	s23 =	simm.s32 $0x1B8B  }
0xa2: {  	_ =	swait.ge [sflag:s23], $0x1  }
0xa3: {  	[sflag:s23] =	ssyncset.done $0x0  }
0xa4: {  	s25 =	simm.s32 $0x1B8E;
	s24 =	sld [smem:$0x3FFE];
	[sflag:s23] =	ssyncadd.s32 $0xFFFFFFFF  }
0xa5: {  	s26 =	simm.s32 $execute0_lowered;
	[smem:$0x3FD2] =	sst s25  }
0xa6: {  	s4 =	sshll.u32 s26, $0x1;
	_ =	strace $0x80000049;
	[dreg:$0x1] =	wrdreg $0xFFFFFFFF  }
0xa7: {  	s28 =	simm.s32 $_size_execute0_lowered;
	s2 =	sadd.s32 s2, s4;
	[dreg:$0x0] =	wrdreg $0x0  }
0xa8: {  	s4 =	sshll.u32 s28, $0x1;
	[dreg:$0x2] =	wrdreg s2  }
0xa9: {  	[dreg:$0x3] =	wrdreg s4  }
0xaa: {  	[dreg:$0x4] =	wrdreg $0xC0  }
0xab: {  	_ =	task [dreg:s6], $0x5FFFF  }
0xac: {  	[dreg:$0x1] =	wrdreg $0xFFFFFFFF  }
0xad: {  	[dreg:$0x0] =	wrdreg $0x60  }
0xae: {  	[dreg:$0x2] =	wrdreg s24  }
0xaf: {  	[dreg:$0x3] =	wrdreg $0xA0000  }
0xb0: {  	[dreg:$0x4] =	wrdreg $0x9  }
0xb1: {  	_ =	task.clear_ibuf [dreg:s6], $0x5FFFF;
	_ =	strace $0x90000049  }
0xb2: {  	s29 =	simm.s32 $0x9;
	_ =	strace $0x8000004B  }
0xb3: {  	_ =	swait.ge [sflag:s29], $0x1  }
0xb4: {  	[sflag:s29] =	ssyncadd.s32 $0xFFFFFFFF  }
0xb5: {  	_ =	strace $0x9000004B  }
0xb6: {  	_ =	sfence  }
0xb7: {  	s30 =	sld [smem:$0x0];
	_ =	sdelay $0x2  }
0xb8: {  	s31 =	sshll.u32 s1, $0xD;
	s1 =	sshrl.u32 s1, $0x2  }
0xb9: {  	s3 =	sand.u32 $0x4000, s31;
	s1 =	sadd.s32 s1, s30  }
0xba: {  	s0 =	sor.u32 s3, s0;
	s1 =	sshll.u32 s1, $0x11  }
0xbb: {  	s0 =	sor.u32 s1, s0  }
0xbc: {  	s0 =	sadd.s32 $0x8F2B, s0  }
0xbd: {  	[sflag:s0] =	ssyncadd.remote.s32 $0x1  }
0xbe: {  	_ =	sfence.sel $0xFFFF  }
0xbf: {  	[dreg:$0x0] =	wrdreg $0xFFFFFFFF;
	(pc) =	sbr.abs _section_cstart, $3  }
0xc0: {  	[dreg:$0x1] =	wrdreg $0xFFFFFFFF  }
0xc1: {  	_ =	task.clear_ibuf [dreg:s6], $0x2FFFF;
	_ =	strace $0x9FFFFFFF  }
0xc2: {  	(tm) =	ssettm $0x7FFFFFFF  }
0xc3: {  	_ =	shalt  }
tec
execute0_lowered:
.L_overlay_start_1:
0x0: {  	(tag) =	ssettag $0x1  }
0x1: {  	s0 =	rddreg [dreg:$0x0]  }
0x2: {  	s1 =	rddreg [dreg:$0x1];
	s2 =	srdreg.scid;
	s3 =	simm.s32 $0x0  }
0x3: {  	s13 =	stileid.u32;
	s14 =	simm.s32 $0x800;
	s15 =	simm.s32 $0x1000  }
0x4: {  	s16 =	simm.s32 $0x80;
	s17 =	simm.s32 $0x1800;
	s18 =	simm.s32 $0x3800  }
0x5: {  	s19 =	simm.s32 $0x1;
	s20 =	simm.s32 $0x5800;
	s21 =	simm.s32 $0x2  }
0x6: {  	s2 =	sand.u32 $0x1, s2;
	[smem:$0x7FF] =	sst s3;
	s11 =	smul.u32 $0x14000, s13  }
0x7: {  	s4 =	sadd.s32 $0x158E00, s0;
	s5 =	sadd.s32 $0x2600, s0;
	s9 =	smul.u32 $0x50000, s13  }
0x8: {  	s6 =	smul.u32 $0x140000, s2;
	_ =	strace $0x8000004A;
	s30 =	ssub.s32 $0x2, s2  }
0x9: {  	s2 =	sshll.u32 s2, $0x4;
	s10 =	sshrl.u32 s30, $0x1;
	s9 =	sshrl.u32 s9, $0x2  }
0xa: {  	s2 =	sor.u32 s13, s2;
	s31 =	sadd.s32 s11, s1;
	s13 =	simm.s32 $0x3  }
0xb: {  	s7 =	sadd.s32 s11, s6;
	s6 =	sadd.s32 $0xC600, s0;
	s12 =	ssub.s32 s30, s10  }
0xc: {  	s22 =	sshrl.u32 s31, $0x3;
	s8 =	sshrl.u32 s7, $0x3;
	s7 =	sadd.s32 $0x16600, s0  }
0xd: {  	s11 =	smax.u32 s12, $0x1;
	s12 =	simm.s32 $0x9800;
	s0 =	sadd.s32 s8, s0  }
0xe: {  	v0 =	vimm.f32 $0.0e+00;
	s8 =	sadd.s32 s9, s1;
	s9 =	smul.u32 $0x2800, s2;
	s10 =	sadd.s32 $0x20600, s0  }
.LBB2_1:
0xf: {  	s0 =	simm.s32 $0x0;
	s2 =	simm.s32 $0x0  }
.LBB2_2:
0x10: {  	p0 =	sne.s32 s2, $0x1FC0  }
.Ltmp0:
0x11: {  	_ = 	snop;
	(pc) =	sbr.rel @p0 .LBB2_2-.Ltmp0, $4  }
0x12: {  	s23 =	sand.u32 $0x1E00, s2  }
0x13: {  	s24 =	sand.u32 $0x70, s0;
	s23 =	sshrl.u32 s23, $0x2  }
0x14: {  	s23 =	sor.u32 s24, s23  }
0x15: {  	s0 =	sadd.s32 $0x10, s0;
	s2 =	sadd.s32 $0x40, s2;
	[tilespmem:s23+$0x9800] =	vst v0  }
0x16: {  	s0 =	sadd.s32 $0x0, s8  }
0x17: {  	[spmem:s0] =	stream.linear.scatter [tilespmem:s12], [sflag:$0x3], $0x800, $0x38;
	[tilespmem:$0x1E000] =	vst v63  }
0x18: {  	s0 =	simm.s32 $0x2000;
	_ =	swait.ge [sflag:s13], $0x800  }
.LBB2_4:
0x19: {  	s2 =	sshra.s32 s0, $0x2;
	[sflag:s13] =	ssyncset.done $0x0;
	p0 =	sne.s32 s0, $0x4E000  }
.Ltmp1:
0x1a: {  	s2 =	sadd.s32 s2, s8;
	[sflag:s13] =	ssyncadd.s32 $0xFFFFF800;
	(pc) =	sbr.rel @p0 .LBB2_4-.Ltmp1, $3  }
0x1b: {  	[spmem:s2] =	stream.linear.scatter [tilespmem:s12], [sflag:$0x3], $0x800, $0x38;
	[tilespmem:$0x1E000] =	vst v63  }
0x1c: {  	s0 =	sadd.s32 $0x2000, s0;
	_ =	sdelay $0x1  }
0x1d: {  	_ =	swait.ge [sflag:s13], $0x800  }
0x1e: {  	[sflag:s13] =	ssyncset.done $0x0  }
0x1f: {  	[sflag:s13] =	ssyncadd.s32 $0xFFFFF800  }
0x20: {  	s23 =	simm.s32 $0x0;
	s24 =	simm.s32 $0x0;
	[bflag:$0x0] =	sbarrier.arrive $0xFFFF  }
.LBB2_6:
0x21: {  	s0 =	sshll.u32 s24, $0xB  }
0x22: {  	s0 =	sadd.s32 s9, s0  }
0x23: {  	s0 =	sshrl.u32 s0, $0x3  }
0x24: {  	s2 =	sadd.s32 s5, s0  }
0x25: {  	[tilespmem:s23], [sflag:$0x3] =	stream.linear.gather [hbm4b:s2+s23], $0x800, $0x38;
	[tilespmem:$0x1E000] =	vst v63  }
0x26: {  	_ =	swait.ge [sflag:s13], $0x800  }
0x27: {  	[sflag:s13] =	ssyncset.done $0x0  }
0x28: {  	s31 =	sadd.s32 s6, s0;
	[sflag:s13] =	ssyncadd.s32 $0xFFFFF800  }
0x29: {  	[tilespmem:s14], [sflag:$0x3] =	stream.linear.gather [hbm4b:s31+s23], $0x800, $0x38;
	[tilespmem:$0x1E000] =	vst v63  }
0x2a: {  	_ =	swait.ge [sflag:s13], $0x800  }
0x2b: {  	[sflag:s13] =	ssyncset.done $0x0  }
0x2c: {  	s0 =	sadd.s32 s7, s0;
	[sflag:s13] =	ssyncadd.s32 $0xFFFFF800  }
0x2d: {  	[tilespmem:s15], [sflag:$0x3] =	stream.linear.gather [hbm4b:s0+s23], $0x800, $0x38;
	[tilespmem:$0x1E000] =	vst v63  }
0x2e: {  	_ =	swait.ge [sflag:s13], $0x800  }
0x2f: {  	[sflag:s13] =	ssyncset.done $0x0  }
0x30: {  	s25 =	simm.s32 $0x0;
	[sflag:s13] =	ssyncadd.s32 $0xFFFFF800  }
0x31: {  	[tilespmem:s17], [sflag:$0x1] =	stream.indirect.gather [hbm4b:s4+s16], $0x40, s23, s16, $0xb8;
	[tilespmem:$0x1E000] =	vst v63  }
.LBB2_7:
0x32: {  	s0 =	simm.s32 $0x0  }
0x33: {  	s2 =	sshll.u32 s25, $0x8;
	v2 =	vmov s0  }
0x34: {  	v1 =	vmov s2;
	v2 =	vand.u32 $0x7F, v2  }
0x35: {  	s26 =	sshllo.u32 s25, $0x1;
	v2 =	vor.u32 v1, v2  }
0x36: {  	s26 =	sshll.u32 s26, $0x7;
	v2 =	vbroadcast v2, $0x0  }
0x37: {  	[tilespmem:s18], [sflag:$0x2] =	stream.indirect.gather [hbm4b:s4+s16], $0x40, s26, s16, $0xb8;
	[tilespmem:$0x1E000] =	vst v63  }
0x38: {  	_ =	swait.ge [sflag:s19], $0x2000  }
0x39: {  	[sflag:s19] =	ssyncset.done $0x0  }
0x3a: {  	s29 =	simm.s32 $0x1820;
	[sflag:s19] =	ssyncadd.s32 $0xFFFFE000  }
0x3b: {  	v3 =	vld [tilespmem:s29+$0xFFFFFFE0]  }
0x3c: {  	v2 =	vld.idx.msk [tilespmem:v2+s15+$0x0], $0xffff;
	_ =	sdelay $0x3  }
0x3d: {  	v4 =	vshll.u32 v3, $0x10  }
0x3e: {  	v3 =	vand.u32 $0xFFFF0000, v3;
	v4 =	vmul.f32 v4, v2  }
0x3f: {  	s28 =	simm.s32 $0x5840;
	v3 =	vmul.f32 v3, v2  }
0x40: {  	[tilespmem:s28+$0xFFFFFFC0] =	vst v4  }
0x41: {  	[tilespmem:s28+$0xFFFFFFD0] =	vst v3  }
0x42: {  	v3 =	vld [tilespmem:s29+$0xFFFFFFF0];
	_ =	sdelay $0x4  }
0x43: {  	v4 =	vshll.u32 v3, $0x10  }
0x44: {  	v3 =	vand.u32 $0xFFFF0000, v3;
	v4 =	vmul.f32 v4, v2  }
0x45: {  	v3 =	vmul.f32 v3, v2  }
0x46: {  	[tilespmem:s28+$0xFFFFFFE0] =	vst v4  }
0x47: {  	[tilespmem:s28+$0xFFFFFFF0] =	vst v3  }
0x48: {  	v3 =	vld [tilespmem:s29+$0x0];
	_ =	sdelay $0x4  }
0x49: {  	v4 =	vshll.u32 v3, $0x10  }
0x4a: {  	v3 =	vand.u32 $0xFFFF0000, v3;
	v4 =	vmul.f32 v4, v2  }
0x4b: {  	v3 =	vmul.f32 v3, v2  }
0x4c: {  	[tilespmem:s28+$0x0] =	vst v4  }
0x4d: {  	[tilespmem:s28+$0x10] =	vst v3  }
0x4e: {  	s2 =	simm.s32 $0x1;
	v3 =	vld [tilespmem:s29+$0x10]  }
0x4f: {  	v4 =	vmov s2  }
0x50: {  	v4 =	vand.u32 $0x7F, v4  }
0x51: {  	s31 =	simm.s32 $0x2;
	s30 =	simm.s32 $0x5840;
	v4 =	vor.u32 v1, v4  }
.LBB2_8:
0x52: {  	s28 =	sadd.s32 $0x80, s28  }
0x53: {  	v4 =	vbroadcast v4, $0x0;
	v5 =	vshll.u32 v3, $0x10;
	v3 =	vand.u32 $0xFFFF0000, v3;
	s29 =	sadd.s32 $0x40, s29;
	s0 =	smov.u32 s31;
	s2 =	sadd.s32 $0x1, s31  }
0x54: {  	p0 =	sne.s32 s31, $0x7F;
	v5 =	vmul.f32 v5, v2;
	v2 =	vmul.f32 v3, v2;
	_ =	sdelay $0x1  }
0x55: {  	[tilespmem:s30+$0x20] =	vst v5  }
0x56: {  	[tilespmem:s30+$0x30] =	vst v2;
	s30 =	smov.u32 s28  }
0x57: {  	v3 =	vld [tilespmem:s29+$0xFFFFFFE0]  }
0x58: {  	v2 =	vld.idx.msk [tilespmem:v4+s15+$0x0], $0xffff;
	_ =	sdelay $0x4  }
0x59: {  	v4 =	vshll.u32 v3, $0x10;
	v3 =	vand.u32 $0xFFFF0000, v3  }
0x5a: {  	v4 =	vmul.f32 v4, v2;
	v3 =	vmul.f32 v3, v2;
	_ =	sdelay $0x1  }
0x5b: {  	[tilespmem:s28+$0xFFFFFFC0] =	vst v4  }
0x5c: {  	[tilespmem:s28+$0xFFFFFFD0] =	vst v3  }
0x5d: {  	v3 =	vld [tilespmem:s29+$0xFFFFFFF0];
	_ =	sdelay $0x4  }
0x5e: {  	v4 =	vshll.u32 v3, $0x10;
	v3 =	vand.u32 $0xFFFF0000, v3  }
0x5f: {  	v4 =	vmul.f32 v4, v2;
	v3 =	vmul.f32 v3, v2;
	_ =	sdelay $0x1  }
0x60: {  	[tilespmem:s28+$0xFFFFFFE0] =	vst v4  }
0x61: {  	[tilespmem:s28+$0xFFFFFFF0] =	vst v3  }
0x62: {  	v3 =	vld [tilespmem:s29+$0x0];
	_ =	sdelay $0x4  }
0x63: {  	v4 =	vshll.u32 v3, $0x10;
	v3 =	vand.u32 $0xFFFF0000, v3  }
0x64: {  	v4 =	vmul.f32 v4, v2;
	v3 =	vmul.f32 v3, v2;
	_ =	sdelay $0x1  }
0x65: {  	[tilespmem:s28+$0x0] =	vst v4  }
0x66: {  	[tilespmem:s28+$0x10] =	vst v3  }
.Ltmp2:
0x67: {  	v3 =	vld [tilespmem:s29+$0x10];
	(pc) =	sbr.rel @p0 .LBB2_8-.Ltmp2, $4  }
0x68: {  	_ = 	snop  }
0x69: {  	v4 =	vmov s0  }
0x6a: {  	v4 =	vand.u32 $0x7F, v4  }
0x6b: {  	s31 =	smov.u32 s2;
	v4 =	vor.u32 v1, v4  }
0x6c: {  	v1 =	vbroadcast v4, $0x0;
	v4 =	vshll.u32 v3, $0x10  }
0x6d: {  	v3 =	vand.u32 $0xFFFF0000, v3;
	v4 =	vmul.f32 v4, v2  }
0x6e: {  	v2 =	vmul.f32 v3, v2  }
0x6f: {  	[tilespmem:s30+$0x20] =	vst v4  }
0x70: {  	s0 =	sadd.s32 $0x40, s29;
	[tilespmem:s30+$0x30] =	vst v2  }
0x71: {  	v2 =	vld [tilespmem:s0+$0xFFFFFFE0]  }
0x72: {  	v1 =	vld.idx.msk [tilespmem:v1+s15+$0x0], $0xffff;
	_ =	sdelay $0x3  }
0x73: {  	v3 =	vshll.u32 v2, $0x10  }
0x74: {  	v2 =	vand.u32 $0xFFFF0000, v2;
	v3 =	vmul.f32 v3, v1  }
0x75: {  	s2 =	sadd.s32 $0x80, s28;
	v2 =	vmul.f32 v2, v1  }
0x76: {  	[tilespmem:s2+$0xFFFFFFC0] =	vst v3  }
0x77: {  	[tilespmem:s2+$0xFFFFFFD0] =	vst v2  }
0x78: {  	v2 =	vld [tilespmem:s0+$0xFFFFFFF0];
	_ =	sdelay $0x4  }
0x79: {  	v3 =	vshll.u32 v2, $0x10  }
0x7a: {  	v2 =	vand.u32 $0xFFFF0000, v2;
	v3 =	vmul.f32 v3, v1  }
0x7b: {  	v2 =	vmul.f32 v2, v1  }
0x7c: {  	[tilespmem:s2+$0xFFFFFFE0] =	vst v3  }
0x7d: {  	[tilespmem:s2+$0xFFFFFFF0] =	vst v2  }
0x7e: {  	v2 =	vld [tilespmem:s0+$0x0];
	_ =	sdelay $0x4  }
0x7f: {  	v3 =	vshll.u32 v2, $0x10  }
0x80: {  	v2 =	vand.u32 $0xFFFF0000, v2;
	v3 =	vmul.f32 v3, v1  }
0x81: {  	v2 =	vmul.f32 v2, v1  }
0x82: {  	[tilespmem:s2+$0x0] =	vst v3  }
0x83: {  	[tilespmem:s2+$0x10] =	vst v2  }
0x84: {  	v2 =	vld [tilespmem:s0+$0x10];
	_ =	sdelay $0x4  }
0x85: {  	v3 =	vshll.u32 v2, $0x10  }
0x86: {  	v2 =	vand.u32 $0xFFFF0000, v2;
	v3 =	vmul.f32 v3, v1  }
0x87: {  	s0 =	sshll.u32 s25, $0xA;
	v1 =	vmul.f32 v2, v1  }
0x88: {  	s28 =	sshrl.u32 s0, $0x2;
	[tilespmem:s2+$0x20] =	vst v3  }
0x89: {  	s31 =	sadd.s32 $0x800, s28;
	[tilespmem:s2+$0x30] =	vst v1  }
0x8a: {  	[spmem:s1] =	stream.indirect.scatter.add.f32 [tilespmem:s20], [sflag:$0x3], $0x80, s31, s16, $0xb8;
	[tilespmem:$0x1E000] =	vst v63  }
0x8b: {  	s31 =	simm.s32 $0x0  }
0x8c: {  	p0 =	seq.s32 s25, $0x7;
	v2 =	vmov s31  }
0x8d: {  	s0 =	sshrl.u32 @!p0 s0, $0x2;
	v1 =	vmov s26;
	_ =	swait.ge [sflag:s13], $0x4000;
	v2 =	vand.u32 $0x7F, v2  }
0x8e: {  	s0 =	sadd.s32 @!p0 $0x100, s0;
	[sflag:s13] =	ssyncset.done $0x0;
	v2 =	vor.u32 v1, v2  }
0x8f: {  	s28 =	simm.s32 @!p0 $0x1800;
	s2 =	simm.s32 @!p0 $0x80;
	[sflag:s13] =	ssyncadd.s32 $0xFFFFC000;
	v2 =	vbroadcast v2, $0x0  }
0x90: {  	[tilespmem:s28], [sflag:$0x1] =	stream.indirect.gather @!p0 [hbm4b:s4+s2], $0x40, s0, s2, $0xb8;
	[tilespmem:$0x1E000] =	vst v63  }
0x91: {  	_ =	swait.ge [sflag:s21], $0x2000  }
0x92: {  	[sflag:s21] =	ssyncset.done $0x0  }
0x93: {  	s29 =	simm.s32 $0x3820;
	[sflag:s21] =	ssyncadd.s32 $0xFFFFE000  }
0x94: {  	v3 =	vld [tilespmem:s29+$0xFFFFFFE0]  }
0x95: {  	v2 =	vld.idx.msk [tilespmem:v2+s15+$0x0], $0xffff;
	_ =	sdelay $0x3  }
0x96: {  	v4 =	vshll.u32 v3, $0x10  }
0x97: {  	v3 =	vand.u32 $0xFFFF0000, v3;
	v4 =	vmul.f32 v4, v2  }
0x98: {  	s28 =	simm.s32 $0x5840;
	v3 =	vmul.f32 v3, v2  }
0x99: {  	[tilespmem:s28+$0xFFFFFFC0] =	vst v4  }
0x9a: {  	[tilespmem:s28+$0xFFFFFFD0] =	vst v3  }
0x9b: {  	v3 =	vld [tilespmem:s29+$0xFFFFFFF0];
	_ =	sdelay $0x4  }
0x9c: {  	v4 =	vshll.u32 v3, $0x10  }
0x9d: {  	v3 =	vand.u32 $0xFFFF0000, v3;
	v4 =	vmul.f32 v4, v2  }
0x9e: {  	v3 =	vmul.f32 v3, v2  }
0x9f: {  	[tilespmem:s28+$0xFFFFFFE0] =	vst v4  }
0xa0: {  	[tilespmem:s28+$0xFFFFFFF0] =	vst v3  }
0xa1: {  	v3 =	vld [tilespmem:s29+$0x0];
	_ =	sdelay $0x4  }
0xa2: {  	v4 =	vshll.u32 v3, $0x10  }
0xa3: {  	v3 =	vand.u32 $0xFFFF0000, v3;
	v4 =	vmul.f32 v4, v2  }
0xa4: {  	v3 =	vmul.f32 v3, v2  }
0xa5: {  	[tilespmem:s28+$0x0] =	vst v4  }
0xa6: {  	[tilespmem:s28+$0x10] =	vst v3  }
0xa7: {  	s31 =	simm.s32 $0x1;
	v3 =	vld [tilespmem:s29+$0x10]  }
0xa8: {  	v4 =	vmov s31  }
0xa9: {  	v4 =	vand.u32 $0x7F, v4  }
0xaa: {  	s30 =	simm.s32 $0x5840;
	s2 =	simm.s32 $0x2;
	v4 =	vor.u32 v1, v4  }
.LBB2_10:
0xab: {  	s28 =	sadd.s32 $0x80, s28  }
0xac: {  	v4 =	vbroadcast v4, $0x0;
	v5 =	vshll.u32 v3, $0x10;
	v3 =	vand.u32 $0xFFFF0000, v3;
	s29 =	sadd.s32 $0x40, s29;
	s0 =	smov.u32 s2;
	s31 =	sadd.s32 $0x1, s2  }
0xad: {  	p0 =	sne.s32 s2, $0x7F;
	v5 =	vmul.f32 v5, v2;
	v2 =	vmul.f32 v3, v2;
	_ =	sdelay $0x1  }
0xae: {  	[tilespmem:s30+$0x20] =	vst v5  }
0xaf: {  	[tilespmem:s30+$0x30] =	vst v2;
	s30 =	smov.u32 s28  }
0xb0: {  	v3 =	vld [tilespmem:s29+$0xFFFFFFE0]  }
0xb1: {  	v2 =	vld.idx.msk [tilespmem:v4+s15+$0x0], $0xffff;
	_ =	sdelay $0x4  }
0xb2: {  	v4 =	vshll.u32 v3, $0x10;
	v3 =	vand.u32 $0xFFFF0000, v3  }
0xb3: {  	v4 =	vmul.f32 v4, v2;
	v3 =	vmul.f32 v3, v2;
	_ =	sdelay $0x1  }
0xb4: {  	[tilespmem:s28+$0xFFFFFFC0] =	vst v4  }
0xb5: {  	[tilespmem:s28+$0xFFFFFFD0] =	vst v3  }
0xb6: {  	v3 =	vld [tilespmem:s29+$0xFFFFFFF0];
	_ =	sdelay $0x4  }
0xb7: {  	v4 =	vshll.u32 v3, $0x10;
	v3 =	vand.u32 $0xFFFF0000, v3  }
0xb8: {  	v4 =	vmul.f32 v4, v2;
	v3 =	vmul.f32 v3, v2;
	_ =	sdelay $0x1  }
0xb9: {  	[tilespmem:s28+$0xFFFFFFE0] =	vst v4  }
0xba: {  	[tilespmem:s28+$0xFFFFFFF0] =	vst v3  }
0xbb: {  	v3 =	vld [tilespmem:s29+$0x0];
	_ =	sdelay $0x4  }
0xbc: {  	v4 =	vshll.u32 v3, $0x10;
	v3 =	vand.u32 $0xFFFF0000, v3  }
0xbd: {  	v4 =	vmul.f32 v4, v2;
	v3 =	vmul.f32 v3, v2;
	_ =	sdelay $0x1  }
0xbe: {  	[tilespmem:s28+$0x0] =	vst v4  }
0xbf: {  	[tilespmem:s28+$0x10] =	vst v3  }
.Ltmp3:
0xc0: {  	v3 =	vld [tilespmem:s29+$0x10];
	(pc) =	sbr.rel @p0 .LBB2_10-.Ltmp3, $4  }
0xc1: {  	_ = 	snop  }
0xc2: {  	v4 =	vmov s0  }
0xc3: {  	v4 =	vand.u32 $0x7F, v4  }
0xc4: {  	s2 =	smov.u32 s31;
	v4 =	vor.u32 v1, v4  }
0xc5: {  	v1 =	vbroadcast v4, $0x0;
	v63 =	vshll.u32 v3, $0x10  }
0xc6: {  	v3 =	vand.u32 $0xFFFF0000, v3;
	v4 =	vmul.f32 v63, v2  }
0xc7: {  	v2 =	vmul.f32 v3, v2  }
0xc8: {  	[tilespmem:s30+$0x20] =	vst v4  }
0xc9: {  	s0 =	sadd.s32 $0x40, s29;
	[tilespmem:s30+$0x30] =	vst v2  }
0xca: {  	v2 =	vld [tilespmem:s0+$0xFFFFFFE0]  }
0xcb: {  	v1 =	vld.idx.msk [tilespmem:v1+s15+$0x0], $0xffff;
	_ =	sdelay $0x3  }
0xcc: {  	v3 =	vshll.u32 v2, $0x10  }
0xcd: {  	v2 =	vand.u32 $0xFFFF0000, v2;
	v3 =	vmul.f32 v3, v1  }
0xce: {  	s2 =	sadd.s32 $0x80, s28;
	v2 =	vmul.f32 v2, v1  }
0xcf: {  	[tilespmem:s2+$0xFFFFFFC0] =	vst v3  }
0xd0: {  	[tilespmem:s2+$0xFFFFFFD0] =	vst v2  }
0xd1: {  	v2 =	vld [tilespmem:s0+$0xFFFFFFF0];
	_ =	sdelay $0x4  }
0xd2: {  	v3 =	vshll.u32 v2, $0x10  }
0xd3: {  	v2 =	vand.u32 $0xFFFF0000, v2;
	v3 =	vmul.f32 v3, v1  }
0xd4: {  	v2 =	vmul.f32 v2, v1  }
0xd5: {  	[tilespmem:s2+$0xFFFFFFE0] =	vst v3  }
0xd6: {  	[tilespmem:s2+$0xFFFFFFF0] =	vst v2  }
0xd7: {  	v2 =	vld [tilespmem:s0+$0x0];
	_ =	sdelay $0x4  }
0xd8: {  	v3 =	vshll.u32 v2, $0x10  }
0xd9: {  	v2 =	vand.u32 $0xFFFF0000, v2;
	v3 =	vmul.f32 v3, v1  }
0xda: {  	v2 =	vmul.f32 v2, v1  }
0xdb: {  	[tilespmem:s2+$0x0] =	vst v3  }
0xdc: {  	[tilespmem:s2+$0x10] =	vst v2  }
0xdd: {  	v2 =	vld [tilespmem:s0+$0x10];
	_ =	sdelay $0x4  }
0xde: {  	v3 =	vshll.u32 v2, $0x10  }
0xdf: {  	v2 =	vand.u32 $0xFFFF0000, v2;
	v3 =	vmul.f32 v3, v1  }
0xe0: {  	s25 =	sadd.s32 $0x1, s25;
	v1 =	vmul.f32 v2, v1  }
0xe1: {  	p0 =	sne.s32 s25, $0x8;
	[tilespmem:s2+$0x20] =	vst v3  }
.Ltmp4:
0xe2: {  	s31 =	sadd.s32 $0x800, s26;
	[tilespmem:s2+$0x30] =	vst v1;
	(pc) =	sbr.rel @p0 .LBB2_7-.Ltmp4, $4  }
0xe3: {  	[spmem:s1] =	stream.indirect.scatter.add.f32 [tilespmem:s20], [sflag:$0x3], $0x80, s31, s16, $0xb8;
	[tilespmem:$0x1E000] =	vst v63  }
0xe4: {  	_ =	swait.ge [sflag:s13], $0x4000  }
0xe5: {  	[sflag:s13] =	ssyncset.done $0x0  }
0xe6: {  	[sflag:s13] =	ssyncadd.s32 $0xFFFFC000  }
0xe7: {  	s24 =	sadd.s32 $0x1, s24  }
0xe8: {  	p0 =	sne.s32 s24, $0x5  }
.Ltmp5:
0xe9: {  	_ = 	snop;
	(pc) =	sbr.rel @p0 .LBB2_6-.Ltmp5, $1  }
0xea: {  	_ =	sdelay $0x3  }
0xeb: {  	s0 =	stileid.u32;
	s3 =	sadd.s32 $0x1, s3  }
0xec: {  	s0 =	sshll.u32 s0, $0x6;
	p0 =	sne.s32 s3, s11  }
.Ltmp6:
0xed: {  	[bflag:$0x0] =	sbarrier.arrive $0xFFFF;
	s0 =	sor.u32 $0x1C03, s0;
	(pc) =	sbr.rel @p0 .LBB2_1-.Ltmp6, $4  }
0xee: {  	[hbm:s10], [sflag:s0] =	dma.local [spmem:s22], $0x2800  }
0xef: {  	_ =	swait.ge [sflag:s13], $0x2800  }
0xf0: {  	[sflag:s13] =	ssyncset.done $0x0  }
0xf1: {  	[sflag:s13] =	ssyncadd.s32 $0xFFFFD800  }
0xf2: {  	_ =	sfence.sel $0x180000  }
0xf3: {  	[bflag:$0x0] =	sbarrier.arrive $0xFFFF  }
0xf4: {  	_ =	strace $0x9000004A  }
0xf5: {  	s0 =	stileid.u32;
	[bflag:$0x2] =	sbarrier.arrive $0xFFFF  }
0xf6: {  	p0 =	sne.s32 s0, $0x0;
	s0 =	rddreg [dreg:$0x2]  }
0xf7: {  	s0 =	sadd.s32 @!p0 $0x100000, s0  }
0xf8: {  	[sflag:s0] =	ssyncadd.tile.s32 @!p0 $0x1;
	_ =	shalt  }
.Lfunc_end2:
_tile_overlayer_lowered:
.L_overlay_start_2:
0xf9: {  	(tag) =	ssettag $0x2  }
0xfa: {  	s0 =	rddreg [dreg:$0x0];
	s2 =	stileid.u32  }
0xfb: {  	s1 =	rddreg [dreg:$0x1];
	p0 =	sne.s32 s2, $0x0  }
0xfc: {  	s3 =	rddreg [dreg:$0x2];
	[bflag:$0x3] =	sbarrier.arrive $0xFFFF;
	s2 =	simm.s32 @!p0 $0x1C03  }
0xfd: {  	[timem:s3], [sflag:s2] =	dma.local @!p0 [hbm:s0], s1  }
0xfe: {  	s0 =	simm.s32 @!p0 $0x3  }
0xff: {  	_ =	swait.ge @!p0 [sflag:s0], s1  }
0x100: {  	s1 =	ssub.s32 @!p0 $0x0, s1;
	[sflag:s0] =	ssyncset.done @!p0 $0x0  }
0x101: {  	[sflag:s0] =	ssyncadd.s32 @!p0 s1  }
0x102: {  	[bflag:$0x3] =	sbarrier.arrive $0xFFFF  }
0x103: {  	_ =	shalt  }

// kernel: kernel.15.cloned.1.call-start
scs
__scs_entry_jumppad:
0x0: {  	(pc) =	sbr.rel $0x88, $3  }
0x1: {  	(tag) =	ssettag $0x0;
	lr =	simm.s32 $0x1  }
0x2: {  	[smem:$0x3F96] =	sst lr;
	_ =	strace $0xD0000000  }
0x3: {  	_ = 	snop  }
0x4: {  	_ = 	snop  }
0x5: {  	_ = 	snop  }
0x6: {  	_ = 	snop  }
0x7: {  	_ = 	snop  }
__scs_overlays_trampoline_lowered:
0x8: {  	[smem:$0x3FA5] =	sst s0  }
0x9: {  	[smem:$0x3FA6] =	sst s1  }
0xa: {  	[smem:$0x3FA7] =	sst s2  }
0xb: {  	[smem:$0x3FA8] =	sst s3  }
0xc: {  	[smem:$0x3FA9] =	sst s4  }
0xd: {  	[smem:$0x3FAA] =	sst s5  }
0xe: {  	[smem:$0x3FAB] =	sst s6  }
0xf: {  	[smem:$0x3FAC] =	sst s7  }
0x10: {  	[smem:$0x3FAD] =	sst s8  }
0x11: {  	[smem:$0x3FAE] =	sst s9;
	s0 =	simm.s32 @!p0 $0x0  }
0x12: {  	s1 =	sld [smem:$0x3F94];
	s0 =	simm.s32 @p0 $0x1  }
0x13: {  	[smem:$0x3FAF] =	sst s0;
	s0 =	simm.s32 @!p1 $0x0  }
0x14: {  	s2 =	sld [smem:$0x3F93];
	s0 =	simm.s32 @p1 $0x1  }
0x15: {  	[smem:$0x3FB0] =	sst s0;
	s0 =	simm.s32 @!p2 $0x0  }
0x16: {  	s3 =	sld [smem:$0x3FDB];
	s0 =	simm.s32 @p2 $0x1  }
0x17: {  	s4 =	simm.s32 $0x1BF5;
	[smem:$0x3FB2] =	sst s0  }
0x18: {  	s0 =	sld [smem:$0x3F95];
	_ =	swait.ge [sflag:s4], $0x0  }
0x19: {  	s7 =	sld [smem:$0x3F96]  }
0x1a: {  	s8 =	sadd.s32 $0xFFFFE003, lr  }
0x1b: {  	s9 =	sadd.s32 $0xFFFFFEF7, lr;
	s5 =	simm.s32 $0xFFFFFFFF;
	p2 =	slt.u32 s8, $0xFFFFF086  }
0x1c: {  	p1 =	slt.u32 s9, $0xF7A;
	s5 =	simm.s32 @!p2 $0x0  }
0x1d: {  	s5 =	simm.s32 @p1 $0x1;
	p0 =	seq.s32 s7, s2  }
0x1e: {  	s7 =	smul.u32 @!p0 $0xF7A, s2;
	p2 =	seq.s32 @!p0 s5, $0x0  }
0x1f: {  	s9 =	smul.u32 $0xF7A, s1;
	s8 =	simm.s32 @!p0 $0x1BF5;
	p2 =	por !p2, p0  }
0x20: {  	[sflag:s8] =	ssyncset.s32 @!p0 $0xFFFFF086;
	s6 =	sadd.s32 @!p0 s3, s7;
	s7 =	simm.s32 @!p0 $0x108  }
0x21: {  	s3 =	sadd.s32 s3, s9;
	s6 =	sadd.s32 @!p0 $0x88, s6;
	s7 =	simm.s32 @p2 $0x1082  }
0x22: {  	[simem:s7], [sflag:s8] =	dma.local @!p0 [hbm:s6], $0xF7A  }
0x23: {  	s9 =	sor.u32 $0xD0000000, s2;
	s6 =	simm.s32 $0x108;
	_ =	swait.ge @!p0 [sflag:s8], $0x0  }
0x24: {  	s3 =	sadd.s32 $0x88, s3;
	s6 =	simm.s32 @!p1 $0x1082;
	[sflag:s4] =	ssyncset.s32 $0xFFFFF086  }
0x25: {  	[simem:s6], [sflag:s4] =	dma.local [hbm:s3], $0xF7A  }
0x26: {  	[smem:$0x3F96] =	sst s1;
	(tag) =	ssettag s2;
	_ =	strace s9  }
0x27: {  	s1 =	sld [smem:$0x3FA6]  }
0x28: {  	s2 =	sld [smem:$0x3FA7]  }
0x29: {  	s4 =	sld [smem:$0x3FA9]  }
0x2a: {  	p0 =	seq.s32 s5, $0x0;
	s5 =	sld [smem:$0x3FAA]  }
0x2b: {  	s6 =	sld [smem:$0x3FAB]  }
0x2c: {  	s7 =	sld [smem:$0x3FAC]  }
0x2d: {  	s3 =	simm.s32 $0x108;
	s8 =	sld [smem:$0x3FAD]  }
0x2e: {  	s3 =	simm.s32 @!p0 $0x1082;
	s9 =	sld [smem:$0x3FAE]  }
0x2f: {  	lr =	sadd.s32 s0, s3;
	s0 =	sld [smem:$0x3FA5]  }
0x30: {  	s3 =	sld [smem:$0x3FA8]  }
0x31: {  	[smem:$0x3FB1] =	sst s10  }
0x32: {  	s10 =	sld [smem:$0x3FAF];
	_ =	sdelay $0x3  }
0x33: {  	p0 =	seq.s32 s10, $0x1;
	s10 =	sld [smem:$0x3FB1];
	_ =	sdelay $0x3  }
0x34: {  	[smem:$0x3FB1] =	sst s10  }
0x35: {  	s10 =	sld [smem:$0x3FB0];
	_ =	sdelay $0x3  }
0x36: {  	p1 =	seq.s32 s10, $0x1;
	s10 =	sld [smem:$0x3FB1];
	_ =	sdelay $0x3  }
0x37: {  	[smem:$0x3FB1] =	sst s10  }
0x38: {  	s10 =	sld [smem:$0x3FB2]  }
0x39: {  	_ = 	snop;
	(pc) =	sbr.ind lr, $3  }
0x3a: {  	_ = 	snop  }
0x3b: {  	_ = 	snop  }
0x3c: {  	p2 =	seq.s32 s10, $0x1;
	s10 =	sld [smem:$0x3FB1]  }
0x3d: {  	_ =	shalt  }
0x3e: {  	_ =	shalt  }
0x3f: {  	_ =	shalt  }
0x40: {  	_ =	shalt  }
0x41: {  	_ =	shalt  }
0x42: {  	_ =	shalt  }
0x43: {  	_ =	shalt  }
0x44: {  	_ =	shalt  }
0x45: {  	_ =	shalt  }
0x46: {  	_ =	shalt  }
0x47: {  	_ =	shalt  }
0x48: {  	_ =	shalt  }
0x49: {  	_ =	shalt  }
0x4a: {  	_ =	shalt  }
0x4b: {  	_ =	shalt  }
0x4c: {  	_ =	shalt  }
0x4d: {  	_ =	shalt  }
0x4e: {  	_ =	shalt  }
0x4f: {  	_ =	shalt  }
0x50: {  	_ =	shalt  }
0x51: {  	_ =	shalt  }
0x52: {  	_ =	shalt  }
0x53: {  	_ =	shalt  }
0x54: {  	_ =	shalt  }
0x55: {  	_ =	shalt  }
0x56: {  	_ =	shalt  }
0x57: {  	_ =	shalt  }
0x58: {  	_ =	shalt  }
0x59: {  	_ =	shalt  }
0x5a: {  	_ =	shalt  }
0x5b: {  	_ =	shalt  }
0x5c: {  	_ =	shalt  }
0x5d: {  	_ =	shalt  }
0x5e: {  	_ =	shalt  }
0x5f: {  	_ =	shalt  }
0x60: {  	_ =	shalt  }
0x61: {  	_ =	shalt  }
0x62: {  	_ =	shalt  }
0x63: {  	_ =	shalt  }
0x64: {  	_ =	shalt  }
0x65: {  	_ =	shalt  }
0x66: {  	_ =	shalt  }
0x67: {  	_ =	shalt  }
0x68: {  	_ =	shalt  }
0x69: {  	_ =	shalt  }
0x6a: {  	_ =	shalt  }
0x6b: {  	_ =	shalt  }
0x6c: {  	_ =	shalt  }
0x6d: {  	_ =	shalt  }
0x6e: {  	_ =	shalt  }
0x6f: {  	_ =	shalt  }
0x70: {  	_ =	shalt  }
0x71: {  	_ =	shalt  }
0x72: {  	_ =	shalt  }
0x73: {  	_ =	shalt  }
0x74: {  	_ =	shalt  }
0x75: {  	_ =	shalt  }
0x76: {  	_ =	shalt  }
0x77: {  	_ =	shalt  }
0x78: {  	_ =	shalt  }
0x79: {  	_ =	shalt  }
0x7a: {  	_ =	shalt  }
0x7b: {  	_ =	shalt  }
0x7c: {  	_ =	shalt  }
0x7d: {  	_ =	shalt  }
0x7e: {  	_ =	shalt  }
0x7f: {  	_ =	shalt  }
0x80: {  	_ =	shalt  }
0x81: {  	_ =	shalt  }
0x82: {  	_ =	shalt  }
0x83: {  	_ =	shalt  }
0x84: {  	_ =	shalt  }
0x85: {  	_ =	shalt  }
0x86: {  	_ =	shalt  }
0x87: {  	_ =	shalt  }
.Lfunc_end0:
.L_simem_size_0:
called_computation.2_lowered:
.L_overlay_start_0:
0x88: {  	s2 =	sld [smem:$0x3FD9]  }
0x89: {  	s3 =	sld [smem:$0x3FFE];
	_ =	sdelay $0x1  }
0x8a: {  	s1 =	srdreg.scid  }
0x8b: {  	s0 =	sand.u32 $0x1, s1  }
0x8c: {  	s16 =	sshll.u32 s0, $0xA;
	s2 =	sadd.s32 s3, s2  }
0x8d: {  	s2 =	sadd.s32 s2, s16  }
0x8e: {  	[smem:$0x3FBD] =	sst s2  }
0x8f: {  	_ = 	snop  }
0x90: {  	(tm) =	ssettm $0x1  }
0x91: {  	s17 =	sld [smem:$0x3FFB];
	_ =	sdelay $0x3  }
0x92: {  	_ =	strace s17  }
0x93: {  	s2 =	sld [smem:$0x3FFC];
	_ =	sdelay $0x3  }
0x94: {  	_ =	strace s2  }
0x95: {  	s2 =	sld [smem:$0x3FFD];
	_ =	sdelay $0x3  }
0x96: {  	_ =	strace s2  }
0x97: {  	_ =	strace $0x8FFFFFFF  }
0x98: {  	s18 =	sld [smem:$0x3FDB];
	_ =	sdelay $0x1  }
0x99: {  	s19 =	simm.s32 $_scs_section_size  }
0x9a: {  	s4 =	simm.s32 $_size__tile_overlayer_lowered;
	s5 =	simm.s32 $_tile_overlayer_lowered  }
0x9b: {  	s22 =	simm.s32 $0x1BFF;
	s21 =	sshll.u32 s5, $0x1;
	s2 =	sadd.s32 s19, s18  }
0x9c: {  	s6 =	simm.s32 $0x0;
	s20 =	sshll.u32 s4, $0x1;
	s4 =	sadd.s32 s21, s2  }
0x9d: {  	[timem:s6], [sflag:s22] =	dma.local [hbm:s4], s20  }
0x9e: {  	_ =	swait.ge [sflag:s22], s20  }
0x9f: {  	s3 =	ssub.s32 $0x0, s20;
	[sflag:s22] =	ssyncset.done $0x0  }
0xa0: {  	[sflag:s22] =	ssyncadd.s32 s3;
	_ =	sdelay $0x1  }
0xa1: {  	s23 =	simm.s32 $0x1B8B  }
0xa2: {  	_ =	swait.ge [sflag:s23], $0x1  }
0xa3: {  	[sflag:s23] =	ssyncset.done $0x0  }
0xa4: {  	s25 =	simm.s32 $0x1B8E;
	s24 =	sld [smem:$0x3FFE];
	[sflag:s23] =	ssyncadd.s32 $0xFFFFFFFF  }
0xa5: {  	s26 =	simm.s32 $execute0_lowered;
	[smem:$0x3FD2] =	sst s25  }
0xa6: {  	s4 =	sshll.u32 s26, $0x1;
	_ =	strace $0x8000004C;
	[dreg:$0x1] =	wrdreg $0xFFFFFFFF  }
0xa7: {  	s28 =	simm.s32 $_size_execute0_lowered;
	s2 =	sadd.s32 s2, s4;
	[dreg:$0x0] =	wrdreg $0x0  }
0xa8: {  	s4 =	sshll.u32 s28, $0x1;
	[dreg:$0x2] =	wrdreg s2  }
0xa9: {  	[dreg:$0x3] =	wrdreg s4  }
0xaa: {  	[dreg:$0x4] =	wrdreg $0xC0  }
0xab: {  	_ =	task [dreg:s6], $0x5FFFF  }
0xac: {  	[dreg:$0x1] =	wrdreg $0xFFFFFFFF  }
0xad: {  	[dreg:$0x0] =	wrdreg $0x60  }
0xae: {  	[dreg:$0x2] =	wrdreg s24  }
0xaf: {  	[dreg:$0x3] =	wrdreg $0xA0000  }
0xb0: {  	[dreg:$0x4] =	wrdreg $0x9  }
0xb1: {  	_ =	task.clear_ibuf [dreg:s6], $0x5FFFF;
	_ =	strace $0x9000004C  }
0xb2: {  	s29 =	simm.s32 $0x9;
	_ =	strace $0x8000004E  }
0xb3: {  	_ =	swait.ge [sflag:s29], $0x1  }
0xb4: {  	[sflag:s29] =	ssyncadd.s32 $0xFFFFFFFF  }
0xb5: {  	_ =	strace $0x9000004E  }
0xb6: {  	_ =	sfence  }
0xb7: {  	s30 =	sld [smem:$0x0];
	_ =	sdelay $0x2  }
0xb8: {  	s31 =	sshll.u32 s1, $0xD;
	s1 =	sshrl.u32 s1, $0x2  }
0xb9: {  	s3 =	sand.u32 $0x4000, s31;
	s1 =	sadd.s32 s1, s30  }
0xba: {  	s0 =	sor.u32 s3, s0;
	s1 =	sshll.u32 s1, $0x11  }
0xbb: {  	s0 =	sor.u32 s1, s0  }
0xbc: {  	s0 =	sadd.s32 $0x8F2B, s0  }
0xbd: {  	[sflag:s0] =	ssyncadd.remote.s32 $0x1  }
0xbe: {  	_ =	sfence.sel $0xFFFF  }
0xbf: {  	[dreg:$0x0] =	wrdreg $0xFFFFFFFF;
	(pc) =	sbr.abs _section_cstart, $3  }
0xc0: {  	[dreg:$0x1] =	wrdreg $0xFFFFFFFF  }
0xc1: {  	_ =	task.clear_ibuf [dreg:s6], $0x2FFFF;
	_ =	strace $0x9FFFFFFF  }
0xc2: {  	(tm) =	ssettm $0x7FFFFFFF  }
0xc3: {  	_ =	shalt  }
tec
execute0_lowered:
.L_overlay_start_1:
0x0: {  	(tag) =	ssettag $0x1  }
0x1: {  	s0 =	rddreg [dreg:$0x0]  }
0x2: {  	s1 =	rddreg [dreg:$0x1];
	s2 =	srdreg.scid;
	s3 =	simm.s32 $0x0  }
0x3: {  	s13 =	stileid.u32;
	s14 =	simm.s32 $0x800;
	s15 =	simm.s32 $0x1000  }
0x4: {  	s16 =	simm.s32 $0x80;
	s17 =	simm.s32 $0x1800;
	s18 =	simm.s32 $0x3800  }
0x5: {  	s19 =	simm.s32 $0x1;
	s20 =	simm.s32 $0x5800;
	s21 =	simm.s32 $0x2  }
0x6: {  	s2 =	sand.u32 $0x1, s2;
	[smem:$0x7FF] =	sst s3;
	s11 =	smul.u32 $0x14000, s13  }
0x7: {  	s4 =	sadd.s32 $0x158E00, s0;
	s5 =	sadd.s32 $0x2600, s0;
	s9 =	smul.u32 $0x50000, s13  }
0x8: {  	s6 =	smul.u32 $0x140000, s2;
	_ =	strace $0x8000004D;
	s30 =	ssub.s32 $0x2, s2  }
0x9: {  	s2 =	sshll.u32 s2, $0x4;
	s10 =	sshrl.u32 s30, $0x1;
	s9 =	sshrl.u32 s9, $0x2  }
0xa: {  	s2 =	sor.u32 s13, s2;
	s31 =	sadd.s32 s11, s1;
	s13 =	simm.s32 $0x3  }
0xb: {  	s7 =	sadd.s32 s11, s6;
	s6 =	sadd.s32 $0xC600, s0;
	s12 =	ssub.s32 s30, s10  }
0xc: {  	s22 =	sshrl.u32 s31, $0x3;
	s8 =	sshrl.u32 s7, $0x3;
	s7 =	sadd.s32 $0x16600, s0  }
0xd: {  	s11 =	smax.u32 s12, $0x1;
	s12 =	simm.s32 $0x9800;
	s0 =	sadd.s32 s8, s0  }
0xe: {  	v0 =	vimm.f32 $0.0e+00;
	s8 =	sadd.s32 s9, s1;
	s9 =	smul.u32 $0x2800, s2;
	s10 =	sadd.s32 $0x20600, s0  }
.LBB2_1:
0xf: {  	s0 =	simm.s32 $0x0;
	s2 =	simm.s32 $0x0  }
.LBB2_2:
0x10: {  	p0 =	sne.s32 s2, $0x1FC0  }
.Ltmp0:
0x11: {  	_ = 	snop;
	(pc) =	sbr.rel @p0 .LBB2_2-.Ltmp0, $4  }
0x12: {  	s23 =	sand.u32 $0x1E00, s2  }
0x13: {  	s24 =	sand.u32 $0x70, s0;
	s23 =	sshrl.u32 s23, $0x2  }
0x14: {  	s23 =	sor.u32 s24, s23  }
0x15: {  	s0 =	sadd.s32 $0x10, s0;
	s2 =	sadd.s32 $0x40, s2;
	[tilespmem:s23+$0x9800] =	vst v0  }
0x16: {  	s0 =	sadd.s32 $0x0, s8  }
0x17: {  	[spmem:s0] =	stream.linear.scatter [tilespmem:s12], [sflag:$0x3], $0x800, $0x38;
	[tilespmem:$0x1E000] =	vst v63  }
0x18: {  	s0 =	simm.s32 $0x2000;
	_ =	swait.ge [sflag:s13], $0x800  }
.LBB2_4:
0x19: {  	s2 =	sshra.s32 s0, $0x2;
	[sflag:s13] =	ssyncset.done $0x0;
	p0 =	sne.s32 s0, $0x4E000  }
.Ltmp1:
0x1a: {  	s2 =	sadd.s32 s2, s8;
	[sflag:s13] =	ssyncadd.s32 $0xFFFFF800;
	(pc) =	sbr.rel @p0 .LBB2_4-.Ltmp1, $3  }
0x1b: {  	[spmem:s2] =	stream.linear.scatter [tilespmem:s12], [sflag:$0x3], $0x800, $0x38;
	[tilespmem:$0x1E000] =	vst v63  }
0x1c: {  	s0 =	sadd.s32 $0x2000, s0;
	_ =	sdelay $0x1  }
0x1d: {  	_ =	swait.ge [sflag:s13], $0x800  }
0x1e: {  	[sflag:s13] =	ssyncset.done $0x0  }
0x1f: {  	[sflag:s13] =	ssyncadd.s32 $0xFFFFF800  }
0x20: {  	s23 =	simm.s32 $0x0;
	s24 =	simm.s32 $0x0;
	[bflag:$0x0] =	sbarrier.arrive $0xFFFF  }
.LBB2_6:
0x21: {  	s0 =	sshll.u32 s24, $0xB  }
0x22: {  	s0 =	sadd.s32 s9, s0  }
0x23: {  	s0 =	sshrl.u32 s0, $0x3  }
0x24: {  	s2 =	sadd.s32 s5, s0  }
0x25: {  	[tilespmem:s23], [sflag:$0x3] =	stream.linear.gather [hbm4b:s2+s23], $0x800, $0x38;
	[tilespmem:$0x1E000] =	vst v63  }
0x26: {  	_ =	swait.ge [sflag:s13], $0x800  }
0x27: {  	[sflag:s13] =	ssyncset.done $0x0  }
0x28: {  	s31 =	sadd.s32 s6, s0;
	[sflag:s13] =	ssyncadd.s32 $0xFFFFF800  }
0x29: {  	[tilespmem:s14], [sflag:$0x3] =	stream.linear.gather [hbm4b:s31+s23], $0x800, $0x38;
	[tilespmem:$0x1E000] =	vst v63  }
0x2a: {  	_ =	swait.ge [sflag:s13], $0x800  }
0x2b: {  	[sflag:s13] =	ssyncset.done $0x0  }
0x2c: {  	s0 =	sadd.s32 s7, s0;
	[sflag:s13] =	ssyncadd.s32 $0xFFFFF800  }
0x2d: {  	[tilespmem:s15], [sflag:$0x3] =	stream.linear.gather [hbm4b:s0+s23], $0x800, $0x38;
	[tilespmem:$0x1E000] =	vst v63  }
0x2e: {  	_ =	swait.ge [sflag:s13], $0x800  }
0x2f: {  	[sflag:s13] =	ssyncset.done $0x0  }
0x30: {  	s25 =	simm.s32 $0x0;
	[sflag:s13] =	ssyncadd.s32 $0xFFFFF800  }
0x31: {  	[tilespmem:s17], [sflag:$0x1] =	stream.indirect.gather [hbm4b:s4+s16], $0x40, s23, s16, $0xb8;
	[tilespmem:$0x1E000] =	vst v63  }
.LBB2_7:
0x32: {  	s0 =	simm.s32 $0x0  }
0x33: {  	s2 =	sshll.u32 s25, $0x8;
	v2 =	vmov s0  }
0x34: {  	v1 =	vmov s2;
	v2 =	vand.u32 $0x7F, v2  }
0x35: {  	s26 =	sshllo.u32 s25, $0x1;
	v2 =	vor.u32 v1, v2  }
0x36: {  	s26 =	sshll.u32 s26, $0x7;
	v2 =	vbroadcast v2, $0x0  }
0x37: {  	[tilespmem:s18], [sflag:$0x2] =	stream.indirect.gather [hbm4b:s4+s16], $0x40, s26, s16, $0xb8;
	[tilespmem:$0x1E000] =	vst v63  }
0x38: {  	_ =	swait.ge [sflag:s19], $0x2000  }
0x39: {  	[sflag:s19] =	ssyncset.done $0x0  }
0x3a: {  	s29 =	simm.s32 $0x1820;
	[sflag:s19] =	ssyncadd.s32 $0xFFFFE000  }
0x3b: {  	v3 =	vld [tilespmem:s29+$0xFFFFFFE0]  }
0x3c: {  	v2 =	vld.idx.msk [tilespmem:v2+s15+$0x0], $0xffff;
	_ =	sdelay $0x3  }
0x3d: {  	v4 =	vshll.u32 v3, $0x10  }
0x3e: {  	v3 =	vand.u32 $0xFFFF0000, v3;
	v4 =	vmul.f32 v4, v2  }
0x3f: {  	s28 =	simm.s32 $0x5840;
	v3 =	vmul.f32 v3, v2  }
0x40: {  	[tilespmem:s28+$0xFFFFFFC0] =	vst v4  }
0x41: {  	[tilespmem:s28+$0xFFFFFFD0] =	vst v3  }
0x42: {  	v3 =	vld [tilespmem:s29+$0xFFFFFFF0];
	_ =	sdelay $0x4  }
0x43: {  	v4 =	vshll.u32 v3, $0x10  }
0x44: {  	v3 =	vand.u32 $0xFFFF0000, v3;
	v4 =	vmul.f32 v4, v2  }
0x45: {  	v3 =	vmul.f32 v3, v2  }
0x46: {  	[tilespmem:s28+$0xFFFFFFE0] =	vst v4  }
0x47: {  	[tilespmem:s28+$0xFFFFFFF0] =	vst v3  }
0x48: {  	v3 =	vld [tilespmem:s29+$0x0];
	_ =	sdelay $0x4  }
0x49: {  	v4 =	vshll.u32 v3, $0x10  }
0x4a: {  	v3 =	vand.u32 $0xFFFF0000, v3;
	v4 =	vmul.f32 v4, v2  }
0x4b: {  	v3 =	vmul.f32 v3, v2  }
0x4c: {  	[tilespmem:s28+$0x0] =	vst v4  }
0x4d: {  	[tilespmem:s28+$0x10] =	vst v3  }
0x4e: {  	s2 =	simm.s32 $0x1;
	v3 =	vld [tilespmem:s29+$0x10]  }
0x4f: {  	v4 =	vmov s2  }
0x50: {  	v4 =	vand.u32 $0x7F, v4  }
0x51: {  	s31 =	simm.s32 $0x2;
	s30 =	simm.s32 $0x5840;
	v4 =	vor.u32 v1, v4  }
.LBB2_8:
0x52: {  	s28 =	sadd.s32 $0x80, s28  }
0x53: {  	v4 =	vbroadcast v4, $0x0;
	v5 =	vshll.u32 v3, $0x10;
	v3 =	vand.u32 $0xFFFF0000, v3;
	s29 =	sadd.s32 $0x40, s29;
	s0 =	smov.u32 s31;
	s2 =	sadd.s32 $0x1, s31  }
0x54: {  	p0 =	sne.s32 s31, $0x7F;
	v5 =	vmul.f32 v5, v2;
	v2 =	vmul.f32 v3, v2;
	_ =	sdelay $0x1  }
0x55: {  	[tilespmem:s30+$0x20] =	vst v5  }
0x56: {  	[tilespmem:s30+$0x30] =	vst v2;
	s30 =	smov.u32 s28  }
0x57: {  	v3 =	vld [tilespmem:s29+$0xFFFFFFE0]  }
0x58: {  	v2 =	vld.idx.msk [tilespmem:v4+s15+$0x0], $0xffff;
	_ =	sdelay $0x4  }
0x59: {  	v4 =	vshll.u32 v3, $0x10;
	v3 =	vand.u32 $0xFFFF0000, v3  }
0x5a: {  	v4 =	vmul.f32 v4, v2;
	v3 =	vmul.f32 v3, v2;
	_ =	sdelay $0x1  }
0x5b: {  	[tilespmem:s28+$0xFFFFFFC0] =	vst v4  }
0x5c: {  	[tilespmem:s28+$0xFFFFFFD0] =	vst v3  }
0x5d: {  	v3 =	vld [tilespmem:s29+$0xFFFFFFF0];
	_ =	sdelay $0x4  }
0x5e: {  	v4 =	vshll.u32 v3, $0x10;
	v3 =	vand.u32 $0xFFFF0000, v3  }
0x5f: {  	v4 =	vmul.f32 v4, v2;
	v3 =	vmul.f32 v3, v2;
	_ =	sdelay $0x1  }
0x60: {  	[tilespmem:s28+$0xFFFFFFE0] =	vst v4  }
0x61: {  	[tilespmem:s28+$0xFFFFFFF0] =	vst v3  }
0x62: {  	v3 =	vld [tilespmem:s29+$0x0];
	_ =	sdelay $0x4  }
0x63: {  	v4 =	vshll.u32 v3, $0x10;
	v3 =	vand.u32 $0xFFFF0000, v3  }
0x64: {  	v4 =	vmul.f32 v4, v2;
	v3 =	vmul.f32 v3, v2;
	_ =	sdelay $0x1  }
0x65: {  	[tilespmem:s28+$0x0] =	vst v4  }
0x66: {  	[tilespmem:s28+$0x10] =	vst v3  }
.Ltmp2:
0x67: {  	v3 =	vld [tilespmem:s29+$0x10];
	(pc) =	sbr.rel @p0 .LBB2_8-.Ltmp2, $4  }
0x68: {  	_ = 	snop  }
0x69: {  	v4 =	vmov s0  }
0x6a: {  	v4 =	vand.u32 $0x7F, v4  }
0x6b: {  	s31 =	smov.u32 s2;
	v4 =	vor.u32 v1, v4  }
0x6c: {  	v1 =	vbroadcast v4, $0x0;
	v4 =	vshll.u32 v3, $0x10  }
0x6d: {  	v3 =	vand.u32 $0xFFFF0000, v3;
	v4 =	vmul.f32 v4, v2  }
0x6e: {  	v2 =	vmul.f32 v3, v2  }
0x6f: {  	[tilespmem:s30+$0x20] =	vst v4  }
0x70: {  	s0 =	sadd.s32 $0x40, s29;
	[tilespmem:s30+$0x30] =	vst v2  }
0x71: {  	v2 =	vld [tilespmem:s0+$0xFFFFFFE0]  }
0x72: {  	v1 =	vld.idx.msk [tilespmem:v1+s15+$0x0], $0xffff;
	_ =	sdelay $0x3  }
0x73: {  	v3 =	vshll.u32 v2, $0x10  }
0x74: {  	v2 =	vand.u32 $0xFFFF0000, v2;
	v3 =	vmul.f32 v3, v1  }
0x75: {  	s2 =	sadd.s32 $0x80, s28;
	v2 =	vmul.f32 v2, v1  }
0x76: {  	[tilespmem:s2+$0xFFFFFFC0] =	vst v3  }
0x77: {  	[tilespmem:s2+$0xFFFFFFD0] =	vst v2  }
0x78: {  	v2 =	vld [tilespmem:s0+$0xFFFFFFF0];
	_ =	sdelay $0x4  }
0x79: {  	v3 =	vshll.u32 v2, $0x10  }
0x7a: {  	v2 =	vand.u32 $0xFFFF0000, v2;
	v3 =	vmul.f32 v3, v1  }
0x7b: {  	v2 =	vmul.f32 v2, v1  }
0x7c: {  	[tilespmem:s2+$0xFFFFFFE0] =	vst v3  }
0x7d: {  	[tilespmem:s2+$0xFFFFFFF0] =	vst v2  }
0x7e: {  	v2 =	vld [tilespmem:s0+$0x0];
	_ =	sdelay $0x4  }
0x7f: {  	v3 =	vshll.u32 v2, $0x10  }
0x80: {  	v2 =	vand.u32 $0xFFFF0000, v2;
	v3 =	vmul.f32 v3, v1  }
0x81: {  	v2 =	vmul.f32 v2, v1  }
0x82: {  	[tilespmem:s2+$0x0] =	vst v3  }
0x83: {  	[tilespmem:s2+$0x10] =	vst v2  }
0x84: {  	v2 =	vld [tilespmem:s0+$0x10];
	_ =	sdelay $0x4  }
0x85: {  	v3 =	vshll.u32 v2, $0x10  }
0x86: {  	v2 =	vand.u32 $0xFFFF0000, v2;
	v3 =	vmul.f32 v3, v1  }
0x87: {  	s0 =	sshll.u32 s25, $0xA;
	v1 =	vmul.f32 v2, v1  }
0x88: {  	s28 =	sshrl.u32 s0, $0x2;
	[tilespmem:s2+$0x20] =	vst v3  }
0x89: {  	s31 =	sadd.s32 $0x800, s28;
	[tilespmem:s2+$0x30] =	vst v1  }
0x8a: {  	[spmem:s1] =	stream.indirect.scatter.add.f32 [tilespmem:s20], [sflag:$0x3], $0x80, s31, s16, $0xb8;
	[tilespmem:$0x1E000] =	vst v63  }
0x8b: {  	s31 =	simm.s32 $0x0  }
0x8c: {  	p0 =	seq.s32 s25, $0x7;
	v2 =	vmov s31  }
0x8d: {  	s0 =	sshrl.u32 @!p0 s0, $0x2;
	v1 =	vmov s26;
	_ =	swait.ge [sflag:s13], $0x4000;
	v2 =	vand.u32 $0x7F, v2  }
0x8e: {  	s0 =	sadd.s32 @!p0 $0x100, s0;
	[sflag:s13] =	ssyncset.done $0x0;
	v2 =	vor.u32 v1, v2  }
0x8f: {  	s28 =	simm.s32 @!p0 $0x1800;
	s2 =	simm.s32 @!p0 $0x80;
	[sflag:s13] =	ssyncadd.s32 $0xFFFFC000;
	v2 =	vbroadcast v2, $0x0  }
0x90: {  	[tilespmem:s28], [sflag:$0x1] =	stream.indirect.gather @!p0 [hbm4b:s4+s2], $0x40, s0, s2, $0xb8;
	[tilespmem:$0x1E000] =	vst v63  }
0x91: {  	_ =	swait.ge [sflag:s21], $0x2000  }
0x92: {  	[sflag:s21] =	ssyncset.done $0x0  }
0x93: {  	s29 =	simm.s32 $0x3820;
	[sflag:s21] =	ssyncadd.s32 $0xFFFFE000  }
0x94: {  	v3 =	vld [tilespmem:s29+$0xFFFFFFE0]  }
0x95: {  	v2 =	vld.idx.msk [tilespmem:v2+s15+$0x0], $0xffff;
	_ =	sdelay $0x3  }
0x96: {  	v4 =	vshll.u32 v3, $0x10  }
0x97: {  	v3 =	vand.u32 $0xFFFF0000, v3;
	v4 =	vmul.f32 v4, v2  }
0x98: {  	s28 =	simm.s32 $0x5840;
	v3 =	vmul.f32 v3, v2  }
0x99: {  	[tilespmem:s28+$0xFFFFFFC0] =	vst v4  }
0x9a: {  	[tilespmem:s28+$0xFFFFFFD0] =	vst v3  }
0x9b: {  	v3 =	vld [tilespmem:s29+$0xFFFFFFF0];
	_ =	sdelay $0x4  }
0x9c: {  	v4 =	vshll.u32 v3, $0x10  }
0x9d: {  	v3 =	vand.u32 $0xFFFF0000, v3;
	v4 =	vmul.f32 v4, v2  }
0x9e: {  	v3 =	vmul.f32 v3, v2  }
0x9f: {  	[tilespmem:s28+$0xFFFFFFE0] =	vst v4  }
0xa0: {  	[tilespmem:s28+$0xFFFFFFF0] =	vst v3  }
0xa1: {  	v3 =	vld [tilespmem:s29+$0x0];
	_ =	sdelay $0x4  }
0xa2: {  	v4 =	vshll.u32 v3, $0x10  }
0xa3: {  	v3 =	vand.u32 $0xFFFF0000, v3;
	v4 =	vmul.f32 v4, v2  }
0xa4: {  	v3 =	vmul.f32 v3, v2  }
0xa5: {  	[tilespmem:s28+$0x0] =	vst v4  }
0xa6: {  	[tilespmem:s28+$0x10] =	vst v3  }
0xa7: {  	s31 =	simm.s32 $0x1;
	v3 =	vld [tilespmem:s29+$0x10]  }
0xa8: {  	v4 =	vmov s31  }
0xa9: {  	v4 =	vand.u32 $0x7F, v4  }
0xaa: {  	s30 =	simm.s32 $0x5840;
	s2 =	simm.s32 $0x2;
	v4 =	vor.u32 v1, v4  }
.LBB2_10:
0xab: {  	s28 =	sadd.s32 $0x80, s28  }
0xac: {  	v4 =	vbroadcast v4, $0x0;
	v5 =	vshll.u32 v3, $0x10;
	v3 =	vand.u32 $0xFFFF0000, v3;
	s29 =	sadd.s32 $0x40, s29;
	s0 =	smov.u32 s2;
	s31 =	sadd.s32 $0x1, s2  }
0xad: {  	p0 =	sne.s32 s2, $0x7F;
	v5 =	vmul.f32 v5, v2;
	v2 =	vmul.f32 v3, v2;
	_ =	sdelay $0x1  }
0xae: {  	[tilespmem:s30+$0x20] =	vst v5  }
0xaf: {  	[tilespmem:s30+$0x30] =	vst v2;
	s30 =	smov.u32 s28  }
0xb0: {  	v3 =	vld [tilespmem:s29+$0xFFFFFFE0]  }
0xb1: {  	v2 =	vld.idx.msk [tilespmem:v4+s15+$0x0], $0xffff;
	_ =	sdelay $0x4  }
0xb2: {  	v4 =	vshll.u32 v3, $0x10;
	v3 =	vand.u32 $0xFFFF0000, v3  }
0xb3: {  	v4 =	vmul.f32 v4, v2;
	v3 =	vmul.f32 v3, v2;
	_ =	sdelay $0x1  }
0xb4: {  	[tilespmem:s28+$0xFFFFFFC0] =	vst v4  }
0xb5: {  	[tilespmem:s28+$0xFFFFFFD0] =	vst v3  }
0xb6: {  	v3 =	vld [tilespmem:s29+$0xFFFFFFF0];
	_ =	sdelay $0x4  }
0xb7: {  	v4 =	vshll.u32 v3, $0x10;
	v3 =	vand.u32 $0xFFFF0000, v3  }
0xb8: {  	v4 =	vmul.f32 v4, v2;
	v3 =	vmul.f32 v3, v2;
	_ =	sdelay $0x1  }
0xb9: {  	[tilespmem:s28+$0xFFFFFFE0] =	vst v4  }
0xba: {  	[tilespmem:s28+$0xFFFFFFF0] =	vst v3  }
0xbb: {  	v3 =	vld [tilespmem:s29+$0x0];
	_ =	sdelay $0x4  }
0xbc: {  	v4 =	vshll.u32 v3, $0x10;
	v3 =	vand.u32 $0xFFFF0000, v3  }
0xbd: {  	v4 =	vmul.f32 v4, v2;
	v3 =	vmul.f32 v3, v2;
	_ =	sdelay $0x1  }
0xbe: {  	[tilespmem:s28+$0x0] =	vst v4  }
0xbf: {  	[tilespmem:s28+$0x10] =	vst v3  }
.Ltmp3:
0xc0: {  	v3 =	vld [tilespmem:s29+$0x10];
	(pc) =	sbr.rel @p0 .LBB2_10-.Ltmp3, $4  }
0xc1: {  	_ = 	snop  }
0xc2: {  	v4 =	vmov s0  }
0xc3: {  	v4 =	vand.u32 $0x7F, v4  }
0xc4: {  	s2 =	smov.u32 s31;
	v4 =	vor.u32 v1, v4  }
0xc5: {  	v1 =	vbroadcast v4, $0x0;
	v63 =	vshll.u32 v3, $0x10  }
0xc6: {  	v3 =	vand.u32 $0xFFFF0000, v3;
	v4 =	vmul.f32 v63, v2  }
0xc7: {  	v2 =	vmul.f32 v3, v2  }
0xc8: {  	[tilespmem:s30+$0x20] =	vst v4  }
0xc9: {  	s0 =	sadd.s32 $0x40, s29;
	[tilespmem:s30+$0x30] =	vst v2  }
0xca: {  	v2 =	vld [tilespmem:s0+$0xFFFFFFE0]  }
0xcb: {  	v1 =	vld.idx.msk [tilespmem:v1+s15+$0x0], $0xffff;
	_ =	sdelay $0x3  }
0xcc: {  	v3 =	vshll.u32 v2, $0x10  }
0xcd: {  	v2 =	vand.u32 $0xFFFF0000, v2;
	v3 =	vmul.f32 v3, v1  }
0xce: {  	s2 =	sadd.s32 $0x80, s28;
	v2 =	vmul.f32 v2, v1  }
0xcf: {  	[tilespmem:s2+$0xFFFFFFC0] =	vst v3  }
0xd0: {  	[tilespmem:s2+$0xFFFFFFD0] =	vst v2  }
0xd1: {  	v2 =	vld [tilespmem:s0+$0xFFFFFFF0];
	_ =	sdelay $0x4  }
0xd2: {  	v3 =	vshll.u32 v2, $0x10  }
0xd3: {  	v2 =	vand.u32 $0xFFFF0000, v2;
	v3 =	vmul.f32 v3, v1  }
0xd4: {  	v2 =	vmul.f32 v2, v1  }
0xd5: {  	[tilespmem:s2+$0xFFFFFFE0] =	vst v3  }
0xd6: {  	[tilespmem:s2+$0xFFFFFFF0] =	vst v2  }
0xd7: {  	v2 =	vld [tilespmem:s0+$0x0];
	_ =	sdelay $0x4  }
0xd8: {  	v3 =	vshll.u32 v2, $0x10  }
0xd9: {  	v2 =	vand.u32 $0xFFFF0000, v2;
	v3 =	vmul.f32 v3, v1  }
0xda: {  	v2 =	vmul.f32 v2, v1  }
0xdb: {  	[tilespmem:s2+$0x0] =	vst v3  }
0xdc: {  	[tilespmem:s2+$0x10] =	vst v2  }
0xdd: {  	v2 =	vld [tilespmem:s0+$0x10];
	_ =	sdelay $0x4  }
0xde: {  	v3 =	vshll.u32 v2, $0x10  }
0xdf: {  	v2 =	vand.u32 $0xFFFF0000, v2;
	v3 =	vmul.f32 v3, v1  }
0xe0: {  	s25 =	sadd.s32 $0x1, s25;
	v1 =	vmul.f32 v2, v1  }
0xe1: {  	p0 =	sne.s32 s25, $0x8;
	[tilespmem:s2+$0x20] =	vst v3  }
.Ltmp4:
0xe2: {  	s31 =	sadd.s32 $0x800, s26;
	[tilespmem:s2+$0x30] =	vst v1;
	(pc) =	sbr.rel @p0 .LBB2_7-.Ltmp4, $4  }
0xe3: {  	[spmem:s1] =	stream.indirect.scatter.add.f32 [tilespmem:s20], [sflag:$0x3], $0x80, s31, s16, $0xb8;
	[tilespmem:$0x1E000] =	vst v63  }
0xe4: {  	_ =	swait.ge [sflag:s13], $0x4000  }
0xe5: {  	[sflag:s13] =	ssyncset.done $0x0  }
0xe6: {  	[sflag:s13] =	ssyncadd.s32 $0xFFFFC000  }
0xe7: {  	s24 =	sadd.s32 $0x1, s24  }
0xe8: {  	p0 =	sne.s32 s24, $0x5  }
.Ltmp5:
0xe9: {  	_ = 	snop;
	(pc) =	sbr.rel @p0 .LBB2_6-.Ltmp5, $1  }
0xea: {  	_ =	sdelay $0x3  }
0xeb: {  	s0 =	stileid.u32;
	s3 =	sadd.s32 $0x1, s3  }
0xec: {  	s0 =	sshll.u32 s0, $0x6;
	p0 =	sne.s32 s3, s11  }
.Ltmp6:
0xed: {  	[bflag:$0x0] =	sbarrier.arrive $0xFFFF;
	s0 =	sor.u32 $0x1C03, s0;
	(pc) =	sbr.rel @p0 .LBB2_1-.Ltmp6, $4  }
0xee: {  	[hbm:s10], [sflag:s0] =	dma.local [spmem:s22], $0x2800  }
0xef: {  	_ =	swait.ge [sflag:s13], $0x2800  }
0xf0: {  	[sflag:s13] =	ssyncset.done $0x0  }
0xf1: {  	[sflag:s13] =	ssyncadd.s32 $0xFFFFD800  }
0xf2: {  	_ =	sfence.sel $0x180000  }
0xf3: {  	[bflag:$0x0] =	sbarrier.arrive $0xFFFF  }
0xf4: {  	_ =	strace $0x9000004D  }
0xf5: {  	s0 =	stileid.u32;
	[bflag:$0x2] =	sbarrier.arrive $0xFFFF  }
0xf6: {  	p0 =	sne.s32 s0, $0x0;
	s0 =	rddreg [dreg:$0x2]  }
0xf7: {  	s0 =	sadd.s32 @!p0 $0x100000, s0  }
0xf8: {  	[sflag:s0] =	ssyncadd.tile.s32 @!p0 $0x1;
	_ =	shalt  }
.Lfunc_end2:
_tile_overlayer_lowered:
.L_overlay_start_2:
0xf9: {  	(tag) =	ssettag $0x2  }
0xfa: {  	s0 =	rddreg [dreg:$0x0];
	s2 =	stileid.u32  }
0xfb: {  	s1 =	rddreg [dreg:$0x1];
	p0 =	sne.s32 s2, $0x0  }
0xfc: {  	s3 =	rddreg [dreg:$0x2];
	[bflag:$0x3] =	sbarrier.arrive $0xFFFF;
	s2 =	simm.s32 @!p0 $0x1C03  }
0xfd: {  	[timem:s3], [sflag:s2] =	dma.local @!p0 [hbm:s0], s1  }
0xfe: {  	s0 =	simm.s32 @!p0 $0x3  }
0xff: {  	_ =	swait.ge @!p0 [sflag:s0], s1  }
0x100: {  	s1 =	ssub.s32 @!p0 $0x0, s1;
	[sflag:s0] =	ssyncset.done @!p0 $0x0  }
0x101: {  	[sflag:s0] =	ssyncadd.s32 @!p0 s1  }
0x102: {  	[bflag:$0x3] =	sbarrier.arrive $0xFFFF  }
0x103: {  	_ =	shalt  }

// kernel: kernel.9.cloned.1.call-start
scs
__scs_entry_jumppad:
0x0: {  	(pc) =	sbr.rel $0x88, $3  }
0x1: {  	(tag) =	ssettag $0x0;
	lr =	simm.s32 $0x1  }
0x2: {  	[smem:$0x3F96] =	sst lr;
	_ =	strace $0xD0000000  }
0x3: {  	_ = 	snop  }
0x4: {  	_ = 	snop  }
0x5: {  	_ = 	snop  }
0x6: {  	_ = 	snop  }
0x7: {  	_ = 	snop  }
__scs_overlays_trampoline_lowered:
0x8: {  	[smem:$0x3FA5] =	sst s0  }
0x9: {  	[smem:$0x3FA6] =	sst s1  }
0xa: {  	[smem:$0x3FA7] =	sst s2  }
0xb: {  	[smem:$0x3FA8] =	sst s3  }
0xc: {  	[smem:$0x3FA9] =	sst s4  }
0xd: {  	[smem:$0x3FAA] =	sst s5  }
0xe: {  	[smem:$0x3FAB] =	sst s6  }
0xf: {  	[smem:$0x3FAC] =	sst s7  }
0x10: {  	[smem:$0x3FAD] =	sst s8  }
0x11: {  	[smem:$0x3FAE] =	sst s9;
	s0 =	simm.s32 @!p0 $0x0  }
0x12: {  	s1 =	sld [smem:$0x3F94];
	s0 =	simm.s32 @p0 $0x1  }
0x13: {  	[smem:$0x3FAF] =	sst s0;
	s0 =	simm.s32 @!p1 $0x0  }
0x14: {  	s2 =	sld [smem:$0x3F93];
	s0 =	simm.s32 @p1 $0x1  }
0x15: {  	[smem:$0x3FB0] =	sst s0;
	s0 =	simm.s32 @!p2 $0x0  }
0x16: {  	s3 =	sld [smem:$0x3FDB];
	s0 =	simm.s32 @p2 $0x1  }
0x17: {  	s4 =	simm.s32 $0x1BF5;
	[smem:$0x3FB2] =	sst s0  }
0x18: {  	s0 =	sld [smem:$0x3F95];
	_ =	swait.ge [sflag:s4], $0x0  }
0x19: {  	s7 =	sld [smem:$0x3F96]  }
0x1a: {  	s8 =	sadd.s32 $0xFFFFE003, lr  }
0x1b: {  	s9 =	sadd.s32 $0xFFFFFEF7, lr;
	s5 =	simm.s32 $0xFFFFFFFF;
	p2 =	slt.u32 s8, $0xFFFFF086  }
0x1c: {  	p1 =	slt.u32 s9, $0xF7A;
	s5 =	simm.s32 @!p2 $0x0  }
0x1d: {  	s5 =	simm.s32 @p1 $0x1;
	p0 =	seq.s32 s7, s2  }
0x1e: {  	s7 =	smul.u32 @!p0 $0xF7A, s2;
	p2 =	seq.s32 @!p0 s5, $0x0  }
0x1f: {  	s9 =	smul.u32 $0xF7A, s1;
	s8 =	simm.s32 @!p0 $0x1BF5;
	p2 =	por !p2, p0  }
0x20: {  	[sflag:s8] =	ssyncset.s32 @!p0 $0xFFFFF086;
	s6 =	sadd.s32 @!p0 s3, s7;
	s7 =	simm.s32 @!p0 $0x108  }
0x21: {  	s3 =	sadd.s32 s3, s9;
	s6 =	sadd.s32 @!p0 $0x88, s6;
	s7 =	simm.s32 @p2 $0x1082  }
0x22: {  	[simem:s7], [sflag:s8] =	dma.local @!p0 [hbm:s6], $0xF7A  }
0x23: {  	s9 =	sor.u32 $0xD0000000, s2;
	s6 =	simm.s32 $0x108;
	_ =	swait.ge @!p0 [sflag:s8], $0x0  }
0x24: {  	s3 =	sadd.s32 $0x88, s3;
	s6 =	simm.s32 @!p1 $0x1082;
	[sflag:s4] =	ssyncset.s32 $0xFFFFF086  }
0x25: {  	[simem:s6], [sflag:s4] =	dma.local [hbm:s3], $0xF7A  }
0x26: {  	[smem:$0x3F96] =	sst s1;
	(tag) =	ssettag s2;
	_ =	strace s9  }
0x27: {  	s1 =	sld [smem:$0x3FA6]  }
0x28: {  	s2 =	sld [smem:$0x3FA7]  }
0x29: {  	s4 =	sld [smem:$0x3FA9]  }
0x2a: {  	p0 =	seq.s32 s5, $0x0;
	s5 =	sld [smem:$0x3FAA]  }
0x2b: {  	s6 =	sld [smem:$0x3FAB]  }
0x2c: {  	s7 =	sld [smem:$0x3FAC]  }
0x2d: {  	s3 =	simm.s32 $0x108;
	s8 =	sld [smem:$0x3FAD]  }
0x2e: {  	s3 =	simm.s32 @!p0 $0x1082;
	s9 =	sld [smem:$0x3FAE]  }
0x2f: {  	lr =	sadd.s32 s0, s3;
	s0 =	sld [smem:$0x3FA5]  }
0x30: {  	s3 =	sld [smem:$0x3FA8]  }
0x31: {  	[smem:$0x3FB1] =	sst s10  }
0x32: {  	s10 =	sld [smem:$0x3FAF];
	_ =	sdelay $0x3  }
0x33: {  	p0 =	seq.s32 s10, $0x1;
	s10 =	sld [smem:$0x3FB1];
	_ =	sdelay $0x3  }
0x34: {  	[smem:$0x3FB1] =	sst s10  }
0x35: {  	s10 =	sld [smem:$0x3FB0];
	_ =	sdelay $0x3  }
0x36: {  	p1 =	seq.s32 s10, $0x1;
	s10 =	sld [smem:$0x3FB1];
	_ =	sdelay $0x3  }
0x37: {  	[smem:$0x3FB1] =	sst s10  }
0x38: {  	s10 =	sld [smem:$0x3FB2]  }
0x39: {  	_ = 	snop;
	(pc) =	sbr.ind lr, $3  }
0x3a: {  	_ = 	snop  }
0x3b: {  	_ = 	snop  }
0x3c: {  	p2 =	seq.s32 s10, $0x1;
	s10 =	sld [smem:$0x3FB1]  }
0x3d: {  	_ =	shalt  }
0x3e: {  	_ =	shalt  }
0x3f: {  	_ =	shalt  }
0x40: {  	_ =	shalt  }
0x41: {  	_ =	shalt  }
0x42: {  	_ =	shalt  }
0x43: {  	_ =	shalt  }
0x44: {  	_ =	shalt  }
0x45: {  	_ =	shalt  }
0x46: {  	_ =	shalt  }
0x47: {  	_ =	shalt  }
0x48: {  	_ =	shalt  }
0x49: {  	_ =	shalt  }
0x4a: {  	_ =	shalt  }
0x4b: {  	_ =	shalt  }
0x4c: {  	_ =	shalt  }
0x4d: {  	_ =	shalt  }
0x4e: {  	_ =	shalt  }
0x4f: {  	_ =	shalt  }
0x50: {  	_ =	shalt  }
0x51: {  	_ =	shalt  }
0x52: {  	_ =	shalt  }
0x53: {  	_ =	shalt  }
0x54: {  	_ =	shalt  }
0x55: {  	_ =	shalt  }
0x56: {  	_ =	shalt  }
0x57: {  	_ =	shalt  }
0x58: {  	_ =	shalt  }
0x59: {  	_ =	shalt  }
0x5a: {  	_ =	shalt  }
0x5b: {  	_ =	shalt  }
0x5c: {  	_ =	shalt  }
0x5d: {  	_ =	shalt  }
0x5e: {  	_ =	shalt  }
0x5f: {  	_ =	shalt  }
0x60: {  	_ =	shalt  }
0x61: {  	_ =	shalt  }
0x62: {  	_ =	shalt  }
0x63: {  	_ =	shalt  }
0x64: {  	_ =	shalt  }
0x65: {  	_ =	shalt  }
0x66: {  	_ =	shalt  }
0x67: {  	_ =	shalt  }
0x68: {  	_ =	shalt  }
0x69: {  	_ =	shalt  }
0x6a: {  	_ =	shalt  }
0x6b: {  	_ =	shalt  }
0x6c: {  	_ =	shalt  }
0x6d: {  	_ =	shalt  }
0x6e: {  	_ =	shalt  }
0x6f: {  	_ =	shalt  }
0x70: {  	_ =	shalt  }
0x71: {  	_ =	shalt  }
0x72: {  	_ =	shalt  }
0x73: {  	_ =	shalt  }
0x74: {  	_ =	shalt  }
0x75: {  	_ =	shalt  }
0x76: {  	_ =	shalt  }
0x77: {  	_ =	shalt  }
0x78: {  	_ =	shalt  }
0x79: {  	_ =	shalt  }
0x7a: {  	_ =	shalt  }
0x7b: {  	_ =	shalt  }
0x7c: {  	_ =	shalt  }
0x7d: {  	_ =	shalt  }
0x7e: {  	_ =	shalt  }
0x7f: {  	_ =	shalt  }
0x80: {  	_ =	shalt  }
0x81: {  	_ =	shalt  }
0x82: {  	_ =	shalt  }
0x83: {  	_ =	shalt  }
0x84: {  	_ =	shalt  }
0x85: {  	_ =	shalt  }
0x86: {  	_ =	shalt  }
0x87: {  	_ =	shalt  }
.Lfunc_end0:
.L_simem_size_0:
called_computation_lowered:
.L_overlay_start_0:
0x88: {  	s2 =	sld [smem:$0x3FD9]  }
0x89: {  	s3 =	sld [smem:$0x3FFE];
	_ =	sdelay $0x1  }
0x8a: {  	s1 =	srdreg.scid  }
0x8b: {  	s0 =	sand.u32 $0x1, s1  }
0x8c: {  	s17 =	sshll.u32 s0, $0xA;
	s2 =	sadd.s32 s3, s2  }
0x8d: {  	s2 =	sadd.s32 s2, s17  }
0x8e: {  	[smem:$0x3FBD] =	sst s2  }
0x8f: {  	_ = 	snop  }
0x90: {  	s2 =	sld [smem:$0x3FD0];
	(tm) =	ssettm $0x1  }
0x91: {  	s18 =	sld [smem:$0x3FFB];
	_ =	sdelay $0x3  }
0x92: {  	_ =	strace s18  }
0x93: {  	s3 =	sld [smem:$0x3FFC];
	_ =	sdelay $0x3  }
0x94: {  	_ =	strace s3  }
0x95: {  	s3 =	sld [smem:$0x3FFD];
	_ =	sdelay $0x3  }
0x96: {  	_ =	strace s3  }
0x97: {  	_ =	strace $0x8FFFFFFF  }
0x98: {  	s19 =	sld [smem:$0x3FDB];
	_ =	sdelay $0x1  }
0x99: {  	s4 =	simm.s32 $_scs_section_size  }
0x9a: {  	s5 =	simm.s32 $_size__tile_overlayer_lowered;
	s6 =	simm.s32 $_tile_overlayer_lowered  }
0x9b: {  	s22 =	simm.s32 $0x1BFF;
	s21 =	sshll.u32 s6, $0x1;
	s3 =	sadd.s32 s4, s19  }
0x9c: {  	s7 =	simm.s32 $0x0;
	s20 =	sshll.u32 s5, $0x1;
	s5 =	sadd.s32 s21, s3  }
0x9d: {  	[timem:s7], [sflag:s22] =	dma.local [hbm:s5], s20  }
0x9e: {  	_ =	swait.ge [sflag:s22], s20  }
0x9f: {  	s4 =	ssub.s32 $0x0, s20;
	[sflag:s22] =	ssyncset.done $0x0  }
0xa0: {  	[sflag:s22] =	ssyncadd.s32 s4;
	_ =	sdelay $0x1  }
0xa1: {  	s23 =	simm.s32 $0x1B8B  }
0xa2: {  	_ =	swait.ge [sflag:s23], $0x1  }
0xa3: {  	[sflag:s23] =	ssyncset.done $0x0  }
0xa4: {  	s25 =	simm.s32 $0x1B8E;
	s24 =	sld [smem:$0x3FFE];
	[sflag:s23] =	ssyncadd.s32 $0xFFFFFFFF  }
0xa5: {  	s26 =	simm.s32 $execute0_lowered;
	[smem:$0x3FD2] =	sst s25  }
0xa6: {  	s5 =	sshll.u32 s26, $0x1;
	_ =	strace $0x80000046;
	[dreg:$0x1] =	wrdreg $0xFFFFFFFF  }
0xa7: {  	s28 =	simm.s32 $_size_execute0_lowered;
	s3 =	sadd.s32 s3, s5;
	[dreg:$0x0] =	wrdreg $0x0  }
0xa8: {  	s5 =	sshll.u32 s28, $0x1;
	[dreg:$0x2] =	wrdreg s3  }
0xa9: {  	[dreg:$0x3] =	wrdreg s5  }
0xaa: {  	[dreg:$0x4] =	wrdreg $0xC0  }
0xab: {  	_ =	task [dreg:s7], $0x5FFFF  }
0xac: {  	[dreg:$0x1] =	wrdreg $0xFFFFFFFF  }
0xad: {  	[dreg:$0x0] =	wrdreg $0x60  }
0xae: {  	[dreg:$0x2] =	wrdreg s2  }
0xaf: {  	[dreg:$0x3] =	wrdreg s24  }
0xb0: {  	[dreg:$0x4] =	wrdreg $0x64100  }
0xb1: {  	[dreg:$0x5] =	wrdreg $0x9  }
0xb2: {  	_ =	task.clear_ibuf [dreg:s7], $0x6FFFF;
	_ =	strace $0x90000046  }
0xb3: {  	s29 =	simm.s32 $0x9;
	_ =	strace $0x80000048  }
0xb4: {  	_ =	swait.ge [sflag:s29], $0x1  }
0xb5: {  	[sflag:s29] =	ssyncadd.s32 $0xFFFFFFFF  }
0xb6: {  	_ =	strace $0x90000048  }
0xb7: {  	_ =	sfence  }
0xb8: {  	s30 =	sld [smem:$0x0];
	_ =	sdelay $0x2  }
0xb9: {  	s31 =	sshll.u32 s1, $0xD;
	s1 =	sshrl.u32 s1, $0x2  }
0xba: {  	s3 =	sand.u32 $0x4000, s31;
	s1 =	sadd.s32 s1, s30  }
0xbb: {  	s0 =	sor.u32 s3, s0;
	s1 =	sshll.u32 s1, $0x11  }
0xbc: {  	s0 =	sor.u32 s1, s0  }
0xbd: {  	s0 =	sadd.s32 $0x8F2B, s0  }
0xbe: {  	[sflag:s0] =	ssyncadd.remote.s32 $0x1  }
0xbf: {  	_ =	sfence.sel $0xFFFF  }
0xc0: {  	[dreg:$0x0] =	wrdreg $0xFFFFFFFF;
	(pc) =	sbr.abs _section_cstart, $3  }
0xc1: {  	[dreg:$0x1] =	wrdreg $0xFFFFFFFF  }
0xc2: {  	_ =	task.clear_ibuf [dreg:s7], $0x2FFFF;
	_ =	strace $0x9FFFFFFF  }
0xc3: {  	(tm) =	ssettm $0x7FFFFFFF  }
tec
execute0_lowered:
.L_overlay_start_1:
0x0: {  	(tag) =	ssettag $0x1  }
0x1: {  	s6 =	rddreg [dreg:$0x0]  }
0x2: {  	s5 =	rddreg [dreg:$0x1]  }
0x3: {  	s0 =	srdreg.scid;
	s2 =	rddreg [dreg:$0x2];
	s3 =	simm.s32 $0x0  }
0x4: {  	s12 =	simm.s32 $0x80;
	s13 =	simm.s32 $0x6390;
	s14 =	simm.s32 $0x2800  }
0x5: {  	s15 =	simm.s32 $0x0;
	s4 =	sand.u32 $0x1, s0;
	s0 =	stileid.u32  }
0x6: {  	[smem:$0x7FF] =	sst s3;
	s1 =	sshll.u32 s4, $0x4;
	s8 =	smul.u32 $0x4E40, s0  }
0x7: {  	s4 =	ssub.s32 $0x2, s4;
	s10 =	smul.u32 $0xA00, s0;
	s7 =	sor.u32 s0, s1  }
0x8: {  	s1 =	rddreg [dreg:$0x3];
	s9 =	sshrl.u32 s4, $0x1;
	s7 =	smul.u32 $0x500, s7  }
0x9: {  	_ =	strace $0x80000047;
	s9 =	ssub.s32 s4, s9;
	s31 =	sshrl.u32 s8, $0x2  }
0xa: {  	s4 =	sadd.s32 s31, s2;
	s8 =	smax.u32 s9, $0x1;
	s11 =	sadd.s32 s7, s5  }
0xb: {  	s5 =	sadd.s32 s6, s7;
	s6 =	sadd.s32 s6, s10;
	s10 =	simm.s32 $0x5000  }
0xc: {  	v0 =	vimm.f32 $0.0e+00;
	v1 =	vimm.f32 $1.000000000e+00;
	s7 =	sadd.s32 $0x16600, s11;
	s9 =	sadd.s32 $0x500, s6;
	s11 =	simm.s32 $0x1  }
.LBB2_1:
0xd: {  	s16 =	simm.s32 $0x40;
	s17 =	simm.s32 $0x0  }
.LBB2_2:
0xe: {  	p0 =	sne.s32 s16, $0x4E00;
	[tilespmem:s17+$0x5000] =	vst v0;
	s17 =	smov.u32 s16;
	s16 =	sadd.s32 $0x40, s16  }
.Ltmp0:
0xf: {  	(pc) =	sbr.rel @p0 .LBB2_2-.Ltmp0, $2  }
0x10: {  	_ =	sdelay $0x2  }
0x11: {  	s17 =	sshra.s32 s17, $0x2  }
0x12: {  	[tilespmem:s17+$0x5000] =	vst v0  }
0x13: {  	[tilespmem:$0x6390] =	vst v1  }
0x14: {  	[tilespmem:$0x63A0] =	vst v1  }
0x15: {  	[tilespmem:$0x63B0] =	vst v1  }
0x16: {  	[tilespmem:$0x63C0] =	vst v1  }
0x17: {  	[tilespmem:$0x63D0] =	vst v1  }
0x18: {  	[tilespmem:$0x63E0] =	vst v1  }
0x19: {  	[tilespmem:$0x63F0] =	vst v1  }
0x1a: {  	[tilespmem:$0x6400] =	vst v1  }
0x1b: {  	[spmem:s4] =	stream.linear.scatter [tilespmem:s10], [sflag:$0x1], $0x1390, $0x38;
	[tilespmem:$0x77A0] =	vst v63  }
0x1c: {  	_ =	swait.ge [sflag:s11], $0x1390  }
0x1d: {  	[sflag:s11] =	ssyncset.done $0x0  }
0x1e: {  	[sflag:s11] =	ssyncadd.s32 $0xFFFFEC70  }
0x1f: {  	s16 =	simm.s32 $0x0;
	[bflag:$0x0] =	sbarrier.arrive $0xFFFF  }
0x20: {  	[tilespmem:s16], [sflag:$0x1] =	stream.linear.gather [hbm4b:s6+s16], $0x2800, $0x38;
	[tilespmem:$0x77A0] =	vst v63  }
0x21: {  	_ =	swait.ge [sflag:s11], $0x2800  }
0x22: {  	[sflag:s11] =	ssyncset.done $0x0  }
0x23: {  	s31 =	simm.s32 $0x0;
	[sflag:s11] =	ssyncadd.s32 $0xFFFFD800  }
0x24: {  	[spmem:s2] =	stream.indirect.scatter.add.f32 [tilespmem:s13], [sflag:$0x1], $0x1, s31, s12, $0xb8;
	[tilespmem:$0x77A0] =	vst v63  }
0x25: {  	_ =	swait.ge [sflag:s11], $0x80  }
0x26: {  	s16 =	simm.s32 $0x200;
	[sflag:s11] =	ssyncset.done $0x0  }
.LBB2_4:
0x27: {  	s17 =	sshra.s32 s16, $0x2;
	[sflag:s11] =	ssyncadd.s32 $0xFFFFFF80;
	p0 =	sne.s32 s16, $0x9E00  }
0x28: {  	[spmem:s2] =	stream.indirect.scatter.add.f32 [tilespmem:s13], [sflag:$0x1], $0x1, s17, s12, $0xb8;
	[tilespmem:$0x77A0] =	vst v63  }
.Ltmp1:
0x29: {  	_ = 	snop;
	(pc) =	sbr.rel @p0 .LBB2_4-.Ltmp1, $4  }
0x2a: {  	_ = 	snop  }
0x2b: {  	s16 =	sadd.s32 $0x200, s16  }
0x2c: {  	_ =	swait.ge [sflag:s11], $0x80  }
0x2d: {  	[sflag:s11] =	ssyncset.done $0x0  }
0x2e: {  	[sflag:s11] =	ssyncadd.s32 $0xFFFFFF80;
	s16 =	simm.s32 $0x0  }
0x2f: {  	[tilespmem:s16], [sflag:$0x1] =	stream.linear.gather [hbm4b:s9+s16], $0x2800, $0x38;
	[tilespmem:$0x77A0] =	vst v63  }
0x30: {  	_ =	swait.ge [sflag:s11], $0x2800  }
0x31: {  	[sflag:s11] =	ssyncset.done $0x0  }
0x32: {  	s31 =	simm.s32 $0x0;
	[sflag:s11] =	ssyncadd.s32 $0xFFFFD800  }
0x33: {  	[spmem:s2] =	stream.indirect.scatter.add.f32 [tilespmem:s13], [sflag:$0x1], $0x1, s31, s12, $0xb8;
	[tilespmem:$0x77A0] =	vst v63  }
0x34: {  	_ =	swait.ge [sflag:s11], $0x80  }
0x35: {  	s16 =	simm.s32 $0x200;
	[sflag:s11] =	ssyncset.done $0x0  }
.LBB2_6:
0x36: {  	s17 =	sshra.s32 s16, $0x2;
	[sflag:s11] =	ssyncadd.s32 $0xFFFFFF80;
	p0 =	sne.s32 s16, $0x9E00  }
0x37: {  	[spmem:s2] =	stream.indirect.scatter.add.f32 [tilespmem:s13], [sflag:$0x1], $0x1, s17, s12, $0xb8;
	[tilespmem:$0x77A0] =	vst v63  }
.Ltmp2:
0x38: {  	_ = 	snop;
	(pc) =	sbr.rel @p0 .LBB2_6-.Ltmp2, $4  }
0x39: {  	_ = 	snop  }
0x3a: {  	s16 =	sadd.s32 $0x200, s16  }
0x3b: {  	_ =	swait.ge [sflag:s11], $0x80  }
0x3c: {  	[sflag:s11] =	ssyncset.done $0x0  }
0x3d: {  	[sflag:s11] =	ssyncadd.s32 $0xFFFFFF80  }
0x3e: {  	[bflag:$0x0] =	sbarrier.arrive $0xFFFF  }
0x3f: {  	[tilespmem:s10], [sflag:$0x1] =	stream.linear.gather [spmem:s4], $0x1390, $0x38;
	[tilespmem:$0x77A0] =	vst v63  }
0x40: {  	_ =	swait.ge [sflag:s11], $0x1390  }
0x41: {  	[sflag:s11] =	ssyncset.done $0x0  }
0x42: {  	s16 =	simm.s32 $0x0;
	s17 =	simm.s32 $0x40;
	[sflag:s11] =	ssyncadd.s32 $0xFFFFEC70  }
.LBB2_8:
0x43: {  	p0 =	sne.s32 s17, $0x4E00;
	v2 =	vld [tilespmem:s16+$0x5000];
	_ =	sdelay $0x4  }
0x44: {  	v2 =	vmax.f32 v2, $1.000000000e+00  }
0x45: {  	(erf) = vrcp.f32 v2;
	_ =	sdelay $0x5  }
.Ltmp3:
0x46: {  	(pc) =	sbr.rel @p0 .LBB2_8-.Ltmp3, $3  }
0x47: {  	_ =	sdelay $0x1  }
0x48: {  	v2 =	vpop (erf)  }
0x49: {  	[tilespmem:s16+$0x5000] =	vst v2;
	s16 =	sshra.s32 s17, $0x2;
	s17 =	sadd.s32 $0x40, s17  }
0x4a: {  	v2 =	vld [tilespmem:s16+$0x5000];
	_ =	sdelay $0x4  }
0x4b: {  	v2 =	vmax.f32 v2, $1.000000000e+00  }
0x4c: {  	(erf) = vrcp.f32 v2;
	_ =	sdelay $0x8  }
0x4d: {  	v2 =	vpop (erf)  }
0x4e: {  	[tilespmem:s16+$0x5000] =	vst v2  }
0x4f: {  	[spmem:s4] =	stream.linear.scatter [tilespmem:s10], [sflag:$0x1], $0x1390, $0x38;
	[tilespmem:$0x77A0] =	vst v63  }
0x50: {  	_ =	swait.ge [sflag:s11], $0x1390  }
0x51: {  	[sflag:s11] =	ssyncset.done $0x0  }
0x52: {  	[sflag:s11] =	ssyncadd.s32 $0xFFFFEC70  }
0x53: {  	s30 =	simm.s32 $0x0;
	[bflag:$0x0] =	sbarrier.arrive $0xFFFF  }
0x54: {  	[tilespmem:s30], [sflag:$0x1] =	stream.linear.gather [hbm4b:s5+s30], $0x2800, $0x38;
	[tilespmem:$0x77A0] =	vst v63  }
0x55: {  	_ =	swait.ge [sflag:s11], $0x2800  }
0x56: {  	[sflag:s11] =	ssyncset.done $0x0  }
0x57: {  	s31 =	simm.s32 $0x0;
	s17 =	simm.s32 $0x2800;
	[sflag:s11] =	ssyncadd.s32 $0xFFFFD800  }
0x58: {  	[tilespmem:s17], [sflag:$0x1] =	stream.indirect.gather [spmem:s2], $0x1, s31, s12, $0xb8;
	[tilespmem:$0x77A0] =	vst v63  }
0x59: {  	s16 =	simm.s32 $0x200;
	_ =	swait.ge [sflag:s11], $0x80  }
.LBB2_10:
0x5a: {  	s17 =	sshra.s32 s16, $0x2;
	[sflag:s11] =	ssyncset.done $0x0;
	p0 =	sne.s32 s16, $0x9E00  }
.Ltmp4:
0x5b: {  	s18 =	sadd.s32 $0x2800, s17;
	[sflag:s11] =	ssyncadd.s32 $0xFFFFFF80;
	(pc) =	sbr.rel @p0 .LBB2_10-.Ltmp4, $3  }
0x5c: {  	[tilespmem:s18], [sflag:$0x1] =	stream.indirect.gather [spmem:s2], $0x1, s17, s12, $0xb8;
	[tilespmem:$0x77A0] =	vst v63  }
0x5d: {  	s16 =	sadd.s32 $0x200, s16;
	_ =	sdelay $0x1  }
0x5e: {  	_ =	swait.ge [sflag:s11], $0x80  }
0x5f: {  	s15 =	sadd.s32 $0x1, s15  }
0x60: {  	[sflag:s11] =	ssyncset.done $0x0;
	p0 =	sne.s32 s15, s8  }
.Ltmp5:
0x61: {  	[sflag:s11] =	ssyncadd.s32 $0xFFFFFF80;
	(pc) =	sbr.rel @p0 .LBB2_1-.Ltmp5, $4  }
0x62: {  	[hbm4b:s7+s3] =	stream.linear.scatter [tilespmem:s14], [sflag:$0x1], $0x2800, $0x38;
	[tilespmem:$0x77A0] =	vst v63  }
0x63: {  	_ =	swait.ge [sflag:s11], $0x2800  }
0x64: {  	[sflag:s11] =	ssyncset.done $0x0  }
0x65: {  	[sflag:s11] =	ssyncadd.s32 $0xFFFFD800  }
0x66: {  	_ =	sfence.sel $0x180000  }
0x67: {  	[bflag:$0x0] =	sbarrier.arrive $0xFFFF  }
0x68: {  	p0 =	sne.s32 s0, $0x0;
	_ =	strace $0x90000047  }
0x69: {  	s0 =	sadd.s32 @!p0 $0x100000, s1;
	[bflag:$0x2] =	sbarrier.arrive $0xFFFF  }
0x6a: {  	[sflag:s0] =	ssyncadd.tile.s32 @!p0 $0x1;
	_ =	shalt  }
.Lfunc_end2:
_tile_overlayer_lowered:
.L_overlay_start_2:
0x6b: {  	(tag) =	ssettag $0x2  }
0x6c: {  	s0 =	rddreg [dreg:$0x0];
	s2 =	stileid.u32  }
0x6d: {  	s1 =	rddreg [dreg:$0x1];
	p0 =	sne.s32 s2, $0x0  }
0x6e: {  	s3 =	rddreg [dreg:$0x2];
	[bflag:$0x3] =	sbarrier.arrive $0xFFFF;
	s2 =	simm.s32 @!p0 $0x1C01  }
0x6f: {  	[timem:s3], [sflag:s2] =	dma.local @!p0 [hbm:s0], s1  }
0x70: {  	s0 =	simm.s32 @!p0 $0x1  }
0x71: {  	_ =	swait.ge @!p0 [sflag:s0], s1  }
0x72: {  	s1 =	ssub.s32 @!p0 $0x0, s1;
	[sflag:s0] =	ssyncset.done @!p0 $0x0  }
0x73: {  	[sflag:s0] =	ssyncadd.s32 @!p0 s1  }
0x74: {  	[bflag:$0x3] =	sbarrier.arrive $0xFFFF  }
0x75: {  	_ =	shalt  }

</sc_bundles>
